<compile_context>
chip_gen: v7x
topology: tpu7x:2x2x1
jax: 0.10.2.dev20260603
libtpu: 0.0.44.dev20260713+nightly
codegen_flags: <defaults>
</compile_context>

<pallas_src>
import jax
import jax.numpy as jnp
from jax import lax
from jax.experimental import pallas as pl
from jax.experimental.pallas import tpu as pltpu
from jax.experimental.pallas import tpu_sc as plsc

L = 200
B = 1024
M = 64
MP = 2 * M
BLK = 128
BPR = B // BLK
NROWS_STAGE = 8


def _make_body(shifts):
    def _body(table1, idx1, table2, idx2, zeros_hbm, out1, out2,
              idx_v, rows_v, sem_g, sem_w):
        cid = lax.axis_index("c")
        sid = lax.axis_index("s")
        wid = sid * 2 + cid
        t0 = jnp.where(wid < 24, 6 * wid, 7 * wid - 24)
        nblk = jnp.where(wid < 24, 6 * BPR, 7 * BPR)
        start = jnp.where(wid == 0, BPR, 0)

        for k, (table, idx, out, shifted) in enumerate(
            ((table1, idx1, out1, shifts[0]), (table2, idx2, out2, shifts[1]))):
            if shifted:
                rl = jnp.clip(t0 - 1, 0, L - NROWS_STAGE)
                dr = t0 - 1 - rl
            else:
                rl = jnp.minimum(t0, L - NROWS_STAGE)
                dr = t0 - rl

            pltpu.sync_copy(idx.at[pl.ds(rl, NROWS_STAGE)], idx_v.at[k])

            def fire_gather(j, b, table=table, k=k, dr=dr):
                r = lax.div(j, BPR) + dr
                c = lax.rem(j, BPR) * BLK
                pltpu.async_copy(
                    table.at[idx_v.at[k].at[r].at[pl.ds(c, BLK)]],
                    rows_v.at[b], sem_g)

            def fire_write(j, b, out=out):
                t = t0 + lax.div(j, BPR)
                c = lax.rem(j, BPR) * BLK
                pltpu.async_copy(
                    rows_v.at[b], out.at[t].at[pl.ds(c, BLK), pl.ds(0, M)],
                    sem_w)

            def drain_gather(b, out=out):
                pltpu.make_async_copy(
                    out.at[0].at[pl.ds(0, BLK), pl.ds(0, M)],
                    rows_v.at[b], sem_g).wait()

            def drain_write(b, out=out):
                pltpu.make_async_copy(
                    rows_v.at[b],
                    out.at[0].at[pl.ds(0, BLK), pl.ds(0, M)], sem_w).wait()

            fire_gather(start, start % 2)

            def body(j, carry):
                b = lax.rem(j, 2)

                @pl.when(j >= start + 1)
                def _():
                    drain_write(lax.rem(j - 1, 2))

                @pl.when(j + 1 < nblk)
                def _():
                    fire_gather(j + 1, lax.rem(j + 1, 2))

                drain_gather(b)
                fire_write(j, b)
                return carry

            lax.fori_loop(start, nblk, body, 0)
            drain_write(lax.rem(nblk - 1, 2))

        @pl.when(wid == 0)
        def _():
            for out in (out1, out2):
                pltpu.sync_copy(zeros_hbm, out.at[0].at[:, pl.ds(0, M)])

    return _body


def _gather_call2(table1, idx1, table2, idx2, zeros_hbm, shifts):
    mesh = plsc.VectorSubcoreMesh(core_axis_name="c", subcore_axis_name="s")
    f = pl.kernel(
        _make_body(shifts),
        out_type=[jax.ShapeDtypeStruct((L, B, MP), jnp.float32)] * 2,
        mesh=mesh,
        scratch_types=[
            pltpu.VMEM((2, NROWS_STAGE, B), jnp.int32),
            pltpu.VMEM((2, BLK, M), jnp.float32),
            pltpu.SemaphoreType.DMA,
            pltpu.SemaphoreType.DMA,
        ],
        compiler_params=pltpu.CompilerParams(use_tc_tiling_on_sc=False),
    )
    o1, o2 = f(table1, idx1, table2, idx2, zeros_hbm)
    return o1[:, :, :M], o2[:, :, :M]


@jax.jit
def kernel(ly, lp, ry, re, W_emb, W_re, pos_emb):
    zeros_hbm = jnp.zeros((B, M), jnp.float32)
    out_e, out_p = _gather_call2(
        W_re, re.astype(jnp.int32), pos_emb, lp.astype(jnp.int32),
        zeros_hbm, (False, True))
    out_l, out_r = _gather_call2(
        W_emb, ly.astype(jnp.int32), W_emb, ry.astype(jnp.int32),
        zeros_hbm, (True, False))
    return (out_l, out_p, out_r, out_e)

# --- scband reference (transcript-rebuilt; emitter-appended) ---
"""Pipeline reference for scband-my-embedding-53644141527198 (READ-ONLY COPY).

The authoritative reference and input builder live on the scoring server;
editing this copy changes nothing except your own understanding.
"""

import jax, jax.numpy as jnp
import numpy as np

K = 1000000
KRE = 100000
M = 64
MAXLEN = 200
L = 200
B = 1024


def _pos_embedding():
    pos = jnp.arange(MAXLEN, dtype=jnp.float32)[:, None]
    i = jnp.arange(M // 2, dtype=jnp.float32)[None, :]
    div = jnp.power(10000.0, 2.0 * i / float(M))
    ang = pos / div
    pe = jnp.zeros((MAXLEN, M), dtype=jnp.float32)
    pe = pe.at[:, 0::2].set(jnp.sin(ang))
    pe = pe.at[:, 1::2].set(jnp.cos(ang))
    return pe


def setup_inputs(seed: int = 0) -> dict:
    key = jax.random.key(seed)
    k1, k2, k3, k4, k5, k6 = jax.random.split(key, 6)
    ly = jax.random.randint(k1, (L, B), 0, K, dtype=jnp.int64) if jax.config.jax_enable_x64 else jax.random.randint(k1, (L, B), 0, K)
    lp = jax.random.randint(k2, (L, B), 0, MAXLEN)
    ry = jax.random.randint(k3, (L, B), 0, K)
    re = jax.random.randint(k4, (L, B), 0, KRE)
    W_emb = jax.random.normal(k5, (K, M), dtype=jnp.float32)
    W_re = jax.random.normal(k6, (KRE, M), dtype=jnp.float32)
    pos_emb = _pos_embedding()
    return {"ly": ly, "lp": lp, "ry": ry, "re": re, "W_emb": W_emb, "W_re": W_re, "pos_emb": pos_emb}


def reference(ly, lp, ry, re, W_emb, W_re, pos_emb):
    # indices are non-negative so all sum() guards take the embedding branch (3D path)
    zrow = jnp.zeros((1, ly.shape[1], W_emb.shape[1]), dtype=jnp.float32)
    # lemb: lookup then shift forward by one step along seq dim (lemb_shifted[1:] = lemb[:-1])
    lemb = jnp.take(W_emb, ly, axis=0)
    lemb = jnp.concatenate([zrow, lemb[:-1]], axis=0)
    # Pemb: positional lookup then same forward shift
    Pemb = jnp.take(pos_emb, lp, axis=0)
    Pemb = jnp.concatenate([zrow, Pemb[:-1]], axis=0)
    # remb: lookup then zero out the first seq position (remb_shifted[1:] = remb[1:])
    remb = jnp.take(W_emb, ry, axis=0)
    remb = jnp.concatenate([zrow, remb[1:]], axis=0)
    # re_emb: same pattern on the secondary table
    re_emb = jnp.take(W_re, re, axis=0)
    re_emb = jnp.concatenate([zrow, re_emb[1:]], axis=0)
    return (lemb, Pemb, remb, re_emb)

if __name__ == "__main__":
    import jax
    _d = setup_inputs()
    print(jax.jit(kernel)(*tuple(_d.values())))

</pallas_src>

<mosaic_0001>
#map = affine_map<(d0, d1) -> (0, 0)>
#map1 = affine_map<(d0, d1) -> (0, 0, 0)>
module attributes {stable_mosaic.version = 14 : i64} {
  func.func @_body(%arg0: i32, %arg1: i32, %arg2: memref<100000x64xf32, #tpu.memory_space<hbm>>, %arg3: memref<200x1024xi32, #tpu.memory_space<hbm>>, %arg4: memref<200x64xf32, #tpu.memory_space<hbm>>, %arg5: memref<200x1024xi32, #tpu.memory_space<hbm>>, %arg6: memref<1024x64xf32, #tpu.memory_space<hbm>>, %arg7: memref<200x1024x128xf32, #tpu.memory_space<hbm>>, %arg8: memref<200x1024x128xf32, #tpu.memory_space<hbm>>, %arg9: memref<2x8x1024xi32, #tpu.memory_space<vmem>>, %arg10: memref<2x128x64xf32, #tpu.memory_space<vmem>>, %arg11: memref<!tpu.dma_semaphore, #tpu.memory_space<semaphore_mem>>, %arg12: memref<!tpu.dma_semaphore, #tpu.memory_space<semaphore_mem>>) attributes {dimension_semantics = [#tpu.dimension_semantics<core_parallel>, #tpu.dimension_semantics<subcore_parallel>], iteration_bounds = array<i64: 2, 16>, scalar_prefetch = 0 : i64, scratch_operands = 4 : i64, tpu.core_type = #tpu.core_type<sc_vector_subcore>, window_params = [{transform_indices = #map}, {transform_indices = #map}, {transform_indices = #map}, {transform_indices = #map}, {transform_indices = #map}, {transform_indices = #map1}, {transform_indices = #map1}]} {
    %mul3A = arith.constant 2 : i32
    %mul3A_0 = arith.muli %arg1, %mul3A : i32
    %add3A = arith.addi %mul3A_0, %arg0 : i32
    %lt3A = arith.constant 24 : i32
    %lt3A_1 = arith.cmpi slt, %add3A, %lt3A : i32
    %mul3A_2 = arith.constant 6 : i32
    %mul3A_3 = arith.muli %mul3A_2, %add3A : i32
    %mul3A_4 = arith.constant 7 : i32
    %mul3A_5 = arith.muli %mul3A_4, %add3A : i32
    %sub3A = arith.constant 24 : i32
    %sub3A_6 = arith.subi %mul3A_5, %sub3A : i32
    %select_n3A = arith.select %lt3A_1, %mul3A_3, %sub3A_6 : i32
    %lt3A_7 = arith.constant 24 : i32
    %lt3A_8 = arith.cmpi slt, %add3A, %lt3A_7 : i32
    %jit3A = arith.constant 48 : i32
    %jit3A_9 = arith.constant 56 : i32
    %select_n3A_10 = arith.select %lt3A_8, %jit3A, %jit3A_9 : i32
    %eq3A = arith.constant 0 : i32
    %eq3A_11 = arith.cmpi eq, %add3A, %eq3A : i32
    %jit3A_12 = arith.constant 8 : i32
    %jit3A_13 = arith.constant 0 : i32
    %select_n3A_14 = arith.select %eq3A_11, %jit3A_12, %jit3A_13 : i32
    %min3A = arith.constant 192 : i32
    %min3A_15 = arith.minsi %select_n3A, %min3A : i32
    %sub3A_16 = arith.subi %select_n3A, %min3A_15 : i32
    %run_scoped3A = arith.constant 0 : i32
    "tpu.region"() ({
      %run_scoped3A_172 = tpu.sem_alloc : memref<!tpu.dma_semaphore, #tpu.memory_space<semaphore_mem>>
      %dma_start3A_173 = arith.constant 0 : i32
      %dma_start3A_174 = arith.constant 0 : i32
      %dma_start3A_175 = tpu.memref_slice %arg9[%run_scoped3A, %dma_start3A_173, %dma_start3A_174] : memref<2x8x1024xi32, #tpu.memory_space<vmem>> -> memref<1x8x1024xi32, #tpu.memory_space<vmem>>
      %dma_start3A_176 = tpu.memref_squeeze %dma_start3A_175 : memref<1x8x1024xi32, #tpu.memory_space<vmem>> -> memref<8x1024xi32, #tpu.memory_space<vmem>>
      %dma_start3A_177 = arith.constant 0 : i32
      %dma_start3A_178 = tpu.memref_slice %arg3[%min3A_15, %dma_start3A_177] : memref<200x1024xi32, #tpu.memory_space<hbm>> -> memref<8x1024xi32, #tpu.memory_space<hbm>>
      %dma_start3A_179 = arith.constant 0 : i32
      %dma_start3A_180 = arith.constant 0 : i32
      %dma_start3A_181 = tpu.memref_slice %arg9[%run_scoped3A, %dma_start3A_179, %dma_start3A_180] : memref<2x8x1024xi32, #tpu.memory_space<vmem>> -> memref<1x8x1024xi32, #tpu.memory_space<vmem>>
      %dma_start3A_182 = tpu.memref_squeeze %dma_start3A_181 : memref<1x8x1024xi32, #tpu.memory_space<vmem>> -> memref<8x1024xi32, #tpu.memory_space<vmem>>
      %dma_start3A_183 = arith.constant 0 : i32
      %dma_start3A_184 = tpu.memref_slice %arg3[%min3A_15, %dma_start3A_183] : memref<200x1024xi32, #tpu.memory_space<hbm>> -> memref<8x1024xi32, #tpu.memory_space<hbm>>
      tpu.enqueue_dma source(%dma_start3A_184 : memref<8x1024xi32, #tpu.memory_space<hbm>>) target(%dma_start3A_182 : memref<8x1024xi32, #tpu.memory_space<vmem>>) target_semaphore(%run_scoped3A_172 : memref<!tpu.dma_semaphore, #tpu.memory_space<semaphore_mem>>)
      %dma_wait3A_185 = arith.constant 0 : i32
      %dma_wait3A_186 = arith.constant 0 : i32
      %dma_wait3A_187 = tpu.memref_slice %arg9[%run_scoped3A, %dma_wait3A_185, %dma_wait3A_186] : memref<2x8x1024xi32, #tpu.memory_space<vmem>> -> memref<1x8x1024xi32, #tpu.memory_space<vmem>>
      %dma_wait3A_188 = tpu.memref_squeeze %dma_wait3A_187 : memref<1x8x1024xi32, #tpu.memory_space<vmem>> -> memref<8x1024xi32, #tpu.memory_space<vmem>>
      %dma_wait3A_189 = arith.constant 0 : i32
      %dma_wait3A_190 = tpu.memref_slice %arg3[%min3A_15, %dma_wait3A_189] : memref<200x1024xi32, #tpu.memory_space<hbm>> -> memref<8x1024xi32, #tpu.memory_space<hbm>>
      %dma_wait3A_191 = arith.constant 0 : i32
      %dma_wait3A_192 = arith.constant 0 : i32
      %dma_wait3A_193 = tpu.memref_slice %arg9[%run_scoped3A, %dma_wait3A_191, %dma_wait3A_192] : memref<2x8x1024xi32, #tpu.memory_space<vmem>> -> memref<1x8x1024xi32, #tpu.memory_space<vmem>>
      %dma_wait3A_194 = tpu.memref_squeeze %dma_wait3A_193 : memref<1x8x1024xi32, #tpu.memory_space<vmem>> -> memref<8x1024xi32, #tpu.memory_space<vmem>>
      %dma_wait3A_195 = arith.constant 0 : i32
      %dma_wait3A_196 = tpu.memref_slice %arg3[%min3A_15, %dma_wait3A_195] : memref<200x1024xi32, #tpu.memory_space<hbm>> -> memref<8x1024xi32, #tpu.memory_space<hbm>>
      tpu.wait_dma2 semaphore(%run_scoped3A_172 : memref<!tpu.dma_semaphore, #tpu.memory_space<semaphore_mem>>) src(%dma_wait3A_196 : memref<8x1024xi32, #tpu.memory_space<hbm>>) dst(%dma_wait3A_194 : memref<8x1024xi32, #tpu.memory_space<vmem>>)
      tpu.yield
    }) : () -> ()
    %jit3A_17 = arith.constant 2 : i32
    %eq3A_18 = arith.constant 0 : i32
    %eq3A_19 = arith.cmpi eq, %jit3A_17, %eq3A_18 : i32
    %jit3A_20 = arith.constant 1 : i32
    %select_n3A_21 = arith.select %eq3A_19, %jit3A_20, %jit3A_17 : i32
    %rem3A = arith.remsi %select_n3A_14, %select_n3A_21 : i32
    %ne3A = arith.constant 0 : i32
    %ne3A_22 = arith.cmpi ne, %rem3A, %ne3A : i32
    %lt3A_23 = arith.constant 0 : i32
    %lt3A_24 = arith.cmpi slt, %rem3A, %lt3A_23 : i32
    %lt3A_25 = arith.constant 0 : i32
    %lt3A_26 = arith.cmpi slt, %select_n3A_21, %lt3A_25 : i32
    %ne3A_27 = arith.xori %lt3A_24, %lt3A_26 : i1
    %and3A = arith.andi %ne3A_27, %ne3A_22 : i1
    %add3A_28 = arith.addi %rem3A, %select_n3A_21 : i32
    %select_n3A_29 = arith.select %and3A, %add3A_28, %rem3A : i32
    %div3A = arith.constant 8 : i32
    %div3A_30 = arith.divsi %select_n3A_14, %div3A : i32
    %add3A_31 = arith.addi %div3A_30, %sub3A_16 : i32
    %rem3A_32 = arith.constant 8 : i32
    %rem3A_33 = arith.remsi %select_n3A_14, %rem3A_32 : i32
    %mul3A_34 = arith.constant 128 : i32
    %mul3A_35 = arith.muli %rem3A_33, %mul3A_34 : i32
    %dma_start3A = arith.constant 0 : i32
    %dma_start3A_36 = arith.constant 0 : i32
    %dma_start3A_37 = arith.constant 0 : i32
    %dma_start3A_38 = tpu.memref_slice %arg10[%select_n3A_29, %dma_start3A_36, %dma_start3A_37] : memref<2x128x64xf32, #tpu.memory_space<vmem>> -> memref<1x128x64xf32, #tpu.memory_space<vmem>>
    %dma_start3A_39 = tpu.memref_squeeze %dma_start3A_38 : memref<1x128x64xf32, #tpu.memory_space<vmem>> -> memref<128x64xf32, #tpu.memory_space<vmem>>
    %dma_start3A_40 = arith.constant 0 : i32
    %dma_start3A_41 = arith.constant 0 : i32
    %dma_start3A_42 = tpu.memref_slice %arg9[%dma_start3A, %dma_start3A_40, %dma_start3A_41] : memref<2x8x1024xi32, #tpu.memory_space<vmem>> -> memref<1x8x1024xi32, #tpu.memory_space<vmem>>
    %dma_start3A_43 = tpu.memref_squeeze %dma_start3A_42 : memref<1x8x1024xi32, #tpu.memory_space<vmem>> -> memref<8x1024xi32, #tpu.memory_space<vmem>>
    %dma_start3A_44 = arith.constant 0 : i32
    %dma_start3A_45 = tpu.memref_slice %dma_start3A_43[%add3A_31, %dma_start3A_44] : memref<8x1024xi32, #tpu.memory_space<vmem>> -> memref<1x1024xi32, #tpu.memory_space<vmem>>
    %dma_start3A_46 = tpu.memref_squeeze %dma_start3A_45 : memref<1x1024xi32, #tpu.memory_space<vmem>> -> memref<1024xi32, #tpu.memory_space<vmem>>
    %dma_start3A_47 = tpu.memref_slice %dma_start3A_46[%mul3A_35] : memref<1024xi32, #tpu.memory_space<vmem>> -> memref<128xi32, #tpu.memory_space<vmem>>
    %dma_start3A_48 = arith.constant 0 : i32
    %dma_start3A_49 = arith.constant 0 : i32
    %dma_start3A_50 = tpu.memref_slice %arg2[%dma_start3A_48, %dma_start3A_49] : memref<100000x64xf32, #tpu.memory_space<hbm>> -> memref<100000x64xf32, #tpu.memory_space<hbm>>
    tpu.enqueue_indirect_dma source(%dma_start3A_50 : memref<100000x64xf32, #tpu.memory_space<hbm>>) target(%dma_start3A_39 : memref<128x64xf32, #tpu.memory_space<vmem>>) offsets(%dma_start3A_47 : memref<128xi32, #tpu.memory_space<vmem>>) semaphore(%arg11 : memref<!tpu.dma_semaphore, #tpu.memory_space<semaphore_mem>>)
    %while3A = arith.constant 0 : i32
    %while3A_51 = arith.subi %select_n3A_10, %select_n3A_14 : i32
    %while3A_52 = arith.addi %select_n3A_14, %while3A_51 : i32
    %while3A_53 = arith.constant 1 : i32
    %while3A_54 = arith.divsi %while3A_51, %while3A_53 : i32
    %while3A_55 = arith.muli %while3A_54, %while3A_53 : i32
    %while3A_56 = arith.addi %select_n3A_14, %while3A_55 : i32
    %while3A_57 = arith.constant 1 : i32
    scf.for %while3A_172 = %select_n3A_14 to %while3A_56 step %while3A_57  : i32 {
      %rem3A_173 = arith.constant 2 : i32
      %rem3A_174 = arith.remsi %while3A_172, %rem3A_173 : i32
      %add3A_175 = arith.constant 1 : i32
      %add3A_176 = arith.addi %select_n3A_14, %add3A_175 : i32
      %ge3A = arith.cmpi sge, %while3A_172, %add3A_176 : i32
      %convert_element_type3A_177 = arith.extui %ge3A : i1 to i32
      %cond3A_178 = arith.constant 0 : i32
      %cond3A_179 = arith.cmpi ne, %convert_element_type3A_177, %cond3A_178 : i32
      scf.if %cond3A_179 {
        %sub3A_236 = arith.constant 1 : i32
        %sub3A_237 = arith.subi %while3A_172, %sub3A_236 : i32
        %rem3A_238 = arith.constant 2 : i32
        %rem3A_239 = arith.remsi %sub3A_237, %rem3A_238 : i32
        %dma_wait3A_240 = arith.constant 0 : i32
        %dma_wait3A_241 = arith.constant 0 : i32
        %dma_wait3A_242 = arith.constant 0 : i32
        %dma_wait3A_243 = tpu.memref_slice %arg10[%rem3A_239, %dma_wait3A_241, %dma_wait3A_242] : memref<2x128x64xf32, #tpu.memory_space<vmem>> -> memref<1x128x64xf32, #tpu.memory_space<vmem>>
        %dma_wait3A_244 = tpu.memref_squeeze %dma_wait3A_243 : memref<1x128x64xf32, #tpu.memory_space<vmem>> -> memref<128x64xf32, #tpu.memory_space<vmem>>
        %dma_wait3A_245 = arith.constant 0 : i32
        %dma_wait3A_246 = arith.constant 0 : i32
        %dma_wait3A_247 = tpu.memref_slice %arg7[%dma_wait3A_240, %dma_wait3A_245, %dma_wait3A_246] : memref<200x1024x128xf32, #tpu.memory_space<hbm>> -> memref<1x1024x128xf32, #tpu.memory_space<hbm>>
        %dma_wait3A_248 = tpu.memref_squeeze %dma_wait3A_247 : memref<1x1024x128xf32, #tpu.memory_space<hbm>> -> memref<1024x128xf32, #tpu.memory_space<hbm>>
        %dma_wait3A_249 = arith.constant 0 : i32
        %dma_wait3A_250 = arith.constant 0 : i32
        %dma_wait3A_251 = tpu.memref_slice %dma_wait3A_248[%dma_wait3A_249, %dma_wait3A_250] : memref<1024x128xf32, #tpu.memory_space<hbm>> -> memref<128x64xf32, #tpu.memory_space<hbm>>
        %dma_wait3A_252 = arith.constant 0 : i32
        %dma_wait3A_253 = arith.constant 0 : i32
        %dma_wait3A_254 = tpu.memref_slice %arg7[%dma_wait3A_240, %dma_wait3A_252, %dma_wait3A_253] : memref<200x1024x128xf32, #tpu.memory_space<hbm>> -> memref<1x1024x128xf32, #tpu.memory_space<hbm>>
        %dma_wait3A_255 = tpu.memref_squeeze %dma_wait3A_254 : memref<1x1024x128xf32, #tpu.memory_space<hbm>> -> memref<1024x128xf32, #tpu.memory_space<hbm>>
        %dma_wait3A_256 = arith.constant 0 : i32
        %dma_wait3A_257 = arith.constant 0 : i32
        %dma_wait3A_258 = tpu.memref_slice %dma_wait3A_255[%dma_wait3A_256, %dma_wait3A_257] : memref<1024x128xf32, #tpu.memory_space<hbm>> -> memref<128x64xf32, #tpu.memory_space<hbm>>
        %dma_wait3A_259 = arith.constant 0 : i32
        %dma_wait3A_260 = arith.constant 0 : i32
        %dma_wait3A_261 = tpu.memref_slice %arg10[%rem3A_239, %dma_wait3A_259, %dma_wait3A_260] : memref<2x128x64xf32, #tpu.memory_space<vmem>> -> memref<1x128x64xf32, #tpu.memory_space<vmem>>
        %dma_wait3A_262 = tpu.memref_squeeze %dma_wait3A_261 : memref<1x128x64xf32, #tpu.memory_space<vmem>> -> memref<128x64xf32, #tpu.memory_space<vmem>>
        tpu.wait_dma2 semaphore(%arg12 : memref<!tpu.dma_semaphore, #tpu.memory_space<semaphore_mem>>) src(%dma_wait3A_262 : memref<128x64xf32, #tpu.memory_space<vmem>>) dst(%dma_wait3A_258 : memref<128x64xf32, #tpu.memory_space<hbm>>)
      } else {
      }
      %add3A_180 = arith.constant 1 : i32
      %add3A_181 = arith.addi %while3A_172, %add3A_180 : i32
      %lt3A_182 = arith.cmpi slt, %add3A_181, %select_n3A_10 : i32
      %convert_element_type3A_183 = arith.extui %lt3A_182 : i1 to i32
      %cond3A_184 = arith.constant 0 : i32
      %cond3A_185 = arith.cmpi ne, %convert_element_type3A_183, %cond3A_184 : i32
      scf.if %cond3A_185 {
        %add3A_236 = arith.constant 1 : i32
        %add3A_237 = arith.addi %while3A_172, %add3A_236 : i32
        %add3A_238 = arith.constant 1 : i32
        %add3A_239 = arith.addi %while3A_172, %add3A_238 : i32
        %rem3A_240 = arith.constant 2 : i32
        %rem3A_241 = arith.remsi %add3A_239, %rem3A_240 : i32
        %div3A_242 = arith.constant 8 : i32
        %div3A_243 = arith.divsi %add3A_237, %div3A_242 : i32
        %add3A_244 = arith.addi %div3A_243, %sub3A_16 : i32
        %rem3A_245 = arith.constant 8 : i32
        %rem3A_246 = arith.remsi %add3A_237, %rem3A_245 : i32
        %mul3A_247 = arith.constant 128 : i32
        %mul3A_248 = arith.muli %rem3A_246, %mul3A_247 : i32
        %dma_start3A_249 = arith.constant 0 : i32
        %dma_start3A_250 = arith.constant 0 : i32
        %dma_start3A_251 = arith.constant 0 : i32
        %dma_start3A_252 = tpu.memref_slice %arg10[%rem3A_241, %dma_start3A_250, %dma_start3A_251] : memref<2x128x64xf32, #tpu.memory_space<vmem>> -> memref<1x128x64xf32, #tpu.memory_space<vmem>>
        %dma_start3A_253 = tpu.memref_squeeze %dma_start3A_252 : memref<1x128x64xf32, #tpu.memory_space<vmem>> -> memref<128x64xf32, #tpu.memory_space<vmem>>
        %dma_start3A_254 = arith.constant 0 : i32
        %dma_start3A_255 = arith.constant 0 : i32
        %dma_start3A_256 = tpu.memref_slice %arg9[%dma_start3A_249, %dma_start3A_254, %dma_start3A_255] : memref<2x8x1024xi32, #tpu.memory_space<vmem>> -> memref<1x8x1024xi32, #tpu.memory_space<vmem>>
        %dma_start3A_257 = tpu.memref_squeeze %dma_start3A_256 : memref<1x8x1024xi32, #tpu.memory_space<vmem>> -> memref<8x1024xi32, #tpu.memory_space<vmem>>
        %dma_start3A_258 = arith.constant 0 : i32
        %dma_start3A_259 = tpu.memref_slice %dma_start3A_257[%add3A_244, %dma_start3A_258] : memref<8x1024xi32, #tpu.memory_space<vmem>> -> memref<1x1024xi32, #tpu.memory_space<vmem>>
        %dma_start3A_260 = tpu.memref_squeeze %dma_start3A_259 : memref<1x1024xi32, #tpu.memory_space<vmem>> -> memref<1024xi32, #tpu.memory_space<vmem>>
        %dma_start3A_261 = tpu.memref_slice %dma_start3A_260[%mul3A_248] : memref<1024xi32, #tpu.memory_space<vmem>> -> memref<128xi32, #tpu.memory_space<vmem>>
        %dma_start3A_262 = arith.constant 0 : i32
        %dma_start3A_263 = arith.constant 0 : i32
        %dma_start3A_264 = tpu.memref_slice %arg2[%dma_start3A_262, %dma_start3A_263] : memref<100000x64xf32, #tpu.memory_space<hbm>> -> memref<100000x64xf32, #tpu.memory_space<hbm>>
        tpu.enqueue_indirect_dma source(%dma_start3A_264 : memref<100000x64xf32, #tpu.memory_space<hbm>>) target(%dma_start3A_253 : memref<128x64xf32, #tpu.memory_space<vmem>>) offsets(%dma_start3A_261 : memref<128xi32, #tpu.memory_space<vmem>>) semaphore(%arg11 : memref<!tpu.dma_semaphore, #tpu.memory_space<semaphore_mem>>)
      } else {
      }
      %dma_wait3A_186 = arith.constant 0 : i32
      %dma_wait3A_187 = arith.constant 0 : i32
      %dma_wait3A_188 = arith.constant 0 : i32
      %dma_wait3A_189 = tpu.memref_slice %arg10[%rem3A_174, %dma_wait3A_187, %dma_wait3A_188] : memref<2x128x64xf32, #tpu.memory_space<vmem>> -> memref<1x128x64xf32, #tpu.memory_space<vmem>>
      %dma_wait3A_190 = tpu.memref_squeeze %dma_wait3A_189 : memref<1x128x64xf32, #tpu.memory_space<vmem>> -> memref<128x64xf32, #tpu.memory_space<vmem>>
      %dma_wait3A_191 = arith.constant 0 : i32
      %dma_wait3A_192 = arith.constant 0 : i32
      %dma_wait3A_193 = tpu.memref_slice %arg7[%dma_wait3A_186, %dma_wait3A_191, %dma_wait3A_192] : memref<200x1024x128xf32, #tpu.memory_space<hbm>> -> memref<1x1024x128xf32, #tpu.memory_space<hbm>>
      %dma_wait3A_194 = tpu.memref_squeeze %dma_wait3A_193 : memref<1x1024x128xf32, #tpu.memory_space<hbm>> -> memref<1024x128xf32, #tpu.memory_space<hbm>>
      %dma_wait3A_195 = arith.constant 0 : i32
      %dma_wait3A_196 = arith.constant 0 : i32
      %dma_wait3A_197 = tpu.memref_slice %dma_wait3A_194[%dma_wait3A_195, %dma_wait3A_196] : memref<1024x128xf32, #tpu.memory_space<hbm>> -> memref<128x64xf32, #tpu.memory_space<hbm>>
      %dma_wait3A_198 = arith.constant 0 : i32
      %dma_wait3A_199 = arith.constant 0 : i32
      %dma_wait3A_200 = tpu.memref_slice %arg10[%rem3A_174, %dma_wait3A_198, %dma_wait3A_199] : memref<2x128x64xf32, #tpu.memory_space<vmem>> -> memref<1x128x64xf32, #tpu.memory_space<vmem>>
      %dma_wait3A_201 = tpu.memref_squeeze %dma_wait3A_200 : memref<1x128x64xf32, #tpu.memory_space<vmem>> -> memref<128x64xf32, #tpu.memory_space<vmem>>
      %dma_wait3A_202 = arith.constant 0 : i32
      %dma_wait3A_203 = arith.constant 0 : i32
      %dma_wait3A_204 = tpu.memref_slice %arg7[%dma_wait3A_186, %dma_wait3A_202, %dma_wait3A_203] : memref<200x1024x128xf32, #tpu.memory_space<hbm>> -> memref<1x1024x128xf32, #tpu.memory_space<hbm>>
      %dma_wait3A_205 = tpu.memref_squeeze %dma_wait3A_204 : memref<1x1024x128xf32, #tpu.memory_space<hbm>> -> memref<1024x128xf32, #tpu.memory_space<hbm>>
      %dma_wait3A_206 = arith.constant 0 : i32
      %dma_wait3A_207 = arith.constant 0 : i32
      %dma_wait3A_208 = tpu.memref_slice %dma_wait3A_205[%dma_wait3A_206, %dma_wait3A_207] : memref<1024x128xf32, #tpu.memory_space<hbm>> -> memref<128x64xf32, #tpu.memory_space<hbm>>
      tpu.wait_dma2 semaphore(%arg11 : memref<!tpu.dma_semaphore, #tpu.memory_space<semaphore_mem>>) src(%dma_wait3A_208 : memref<128x64xf32, #tpu.memory_space<hbm>>) dst(%dma_wait3A_201 : memref<128x64xf32, #tpu.memory_space<vmem>>)
      %div3A_209 = arith.constant 8 : i32
      %div3A_210 = arith.divsi %while3A_172, %div3A_209 : i32
      %add3A_211 = arith.addi %select_n3A, %div3A_210 : i32
      %rem3A_212 = arith.constant 8 : i32
      %rem3A_213 = arith.remsi %while3A_172, %rem3A_212 : i32
      %mul3A_214 = arith.constant 128 : i32
      %mul3A_215 = arith.muli %rem3A_213, %mul3A_214 : i32
      %dma_start3A_216 = arith.constant 0 : i32
      %dma_start3A_217 = arith.constant 0 : i32
      %dma_start3A_218 = tpu.memref_slice %arg10[%rem3A_174, %dma_start3A_216, %dma_start3A_217] : memref<2x128x64xf32, #tpu.memory_space<vmem>> -> memref<1x128x64xf32, #tpu.memory_space<vmem>>
      %dma_start3A_219 = tpu.memref_squeeze %dma_start3A_218 : memref<1x128x64xf32, #tpu.memory_space<vmem>> -> memref<128x64xf32, #tpu.memory_space<vmem>>
      %dma_start3A_220 = arith.constant 0 : i32
      %dma_start3A_221 = arith.constant 0 : i32
      %dma_start3A_222 = tpu.memref_slice %arg7[%add3A_211, %dma_start3A_220, %dma_start3A_221] : memref<200x1024x128xf32, #tpu.memory_space<hbm>> -> memref<1x1024x128xf32, #tpu.memory_space<hbm>>
      %dma_start3A_223 = tpu.memref_squeeze %dma_start3A_222 : memref<1x1024x128xf32, #tpu.memory_space<hbm>> -> memref<1024x128xf32, #tpu.memory_space<hbm>>
      %dma_start3A_224 = arith.constant 0 : i32
      %dma_start3A_225 = tpu.memref_slice %dma_start3A_223[%mul3A_215, %dma_start3A_224] : memref<1024x128xf32, #tpu.memory_space<hbm>> -> memref<128x64xf32, #tpu.memory_space<hbm>>
      %dma_start3A_226 = arith.constant 0 : i32
      %dma_start3A_227 = arith.constant 0 : i32
      %dma_start3A_228 = tpu.memref_slice %arg7[%add3A_211, %dma_start3A_226, %dma_start3A_227] : memref<200x1024x128xf32, #tpu.memory_space<hbm>> -> memref<1x1024x128xf32, #tpu.memory_space<hbm>>
      %dma_start3A_229 = tpu.memref_squeeze %dma_start3A_228 : memref<1x1024x128xf32, #tpu.memory_space<hbm>> -> memref<1024x128xf32, #tpu.memory_space<hbm>>
      %dma_start3A_230 = arith.constant 0 : i32
      %dma_start3A_231 = tpu.memref_slice %dma_start3A_229[%mul3A_215, %dma_start3A_230] : memref<1024x128xf32, #tpu.memory_space<hbm>> -> memref<128x64xf32, #tpu.memory_space<hbm>>
      %dma_start3A_232 = arith.constant 0 : i32
      %dma_start3A_233 = arith.constant 0 : i32
      %dma_start3A_234 = tpu.memref_slice %arg10[%rem3A_174, %dma_start3A_232, %dma_start3A_233] : memref<2x128x64xf32, #tpu.memory_space<vmem>> -> memref<1x128x64xf32, #tpu.memory_space<vmem>>
      %dma_start3A_235 = tpu.memref_squeeze %dma_start3A_234 : memref<1x128x64xf32, #tpu.memory_space<vmem>> -> memref<128x64xf32, #tpu.memory_space<vmem>>
      tpu.enqueue_dma source(%dma_start3A_235 : memref<128x64xf32, #tpu.memory_space<vmem>>) target(%dma_start3A_231 : memref<128x64xf32, #tpu.memory_space<hbm>>) target_semaphore(%arg12 : memref<!tpu.dma_semaphore, #tpu.memory_space<semaphore_mem>>)
    }
    %while3A_58 = arith.constant 1 : i32
    scf.for %while3A_172 = %while3A_56 to %while3A_52 step %while3A_58  : i32 {
      %rem3A_173 = arith.constant 2 : i32
      %rem3A_174 = arith.remsi %while3A_172, %rem3A_173 : i32
      %add3A_175 = arith.constant 1 : i32
      %add3A_176 = arith.addi %select_n3A_14, %add3A_175 : i32
      %ge3A = arith.cmpi sge, %while3A_172, %add3A_176 : i32
      %convert_element_type3A_177 = arith.extui %ge3A : i1 to i32
      %cond3A_178 = arith.constant 0 : i32
      %cond3A_179 = arith.cmpi ne, %convert_element_type3A_177, %cond3A_178 : i32
      scf.if %cond3A_179 {
        %sub3A_236 = arith.constant 1 : i32
        %sub3A_237 = arith.subi %while3A_172, %sub3A_236 : i32
        %rem3A_238 = arith.constant 2 : i32
        %rem3A_239 = arith.remsi %sub3A_237, %rem3A_238 : i32
        %dma_wait3A_240 = arith.constant 0 : i32
        %dma_wait3A_241 = arith.constant 0 : i32
        %dma_wait3A_242 = arith.constant 0 : i32
        %dma_wait3A_243 = tpu.memref_slice %arg10[%rem3A_239, %dma_wait3A_241, %dma_wait3A_242] : memref<2x128x64xf32, #tpu.memory_space<vmem>> -> memref<1x128x64xf32, #tpu.memory_space<vmem>>
        %dma_wait3A_244 = tpu.memref_squeeze %dma_wait3A_243 : memref<1x128x64xf32, #tpu.memory_space<vmem>> -> memref<128x64xf32, #tpu.memory_space<vmem>>
        %dma_wait3A_245 = arith.constant 0 : i32
        %dma_wait3A_246 = arith.constant 0 : i32
        %dma_wait3A_247 = tpu.memref_slice %arg7[%dma_wait3A_240, %dma_wait3A_245, %dma_wait3A_246] : memref<200x1024x128xf32, #tpu.memory_space<hbm>> -> memref<1x1024x128xf32, #tpu.memory_space<hbm>>
        %dma_wait3A_248 = tpu.memref_squeeze %dma_wait3A_247 : memref<1x1024x128xf32, #tpu.memory_space<hbm>> -> memref<1024x128xf32, #tpu.memory_space<hbm>>
        %dma_wait3A_249 = arith.constant 0 : i32
        %dma_wait3A_250 = arith.constant 0 : i32
        %dma_wait3A_251 = tpu.memref_slice %dma_wait3A_248[%dma_wait3A_249, %dma_wait3A_250] : memref<1024x128xf32, #tpu.memory_space<hbm>> -> memref<128x64xf32, #tpu.memory_space<hbm>>
        %dma_wait3A_252 = arith.constant 0 : i32
        %dma_wait3A_253 = arith.constant 0 : i32
        %dma_wait3A_254 = tpu.memref_slice %arg7[%dma_wait3A_240, %dma_wait3A_252, %dma_wait3A_253] : memref<200x1024x128xf32, #tpu.memory_space<hbm>> -> memref<1x1024x128xf32, #tpu.memory_space<hbm>>
        %dma_wait3A_255 = tpu.memref_squeeze %dma_wait3A_254 : memref<1x1024x128xf32, #tpu.memory_space<hbm>> -> memref<1024x128xf32, #tpu.memory_space<hbm>>
        %dma_wait3A_256 = arith.constant 0 : i32
        %dma_wait3A_257 = arith.constant 0 : i32
        %dma_wait3A_258 = tpu.memref_slice %dma_wait3A_255[%dma_wait3A_256, %dma_wait3A_257] : memref<1024x128xf32, #tpu.memory_space<hbm>> -> memref<128x64xf32, #tpu.memory_space<hbm>>
        %dma_wait3A_259 = arith.constant 0 : i32
        %dma_wait3A_260 = arith.constant 0 : i32
        %dma_wait3A_261 = tpu.memref_slice %arg10[%rem3A_239, %dma_wait3A_259, %dma_wait3A_260] : memref<2x128x64xf32, #tpu.memory_space<vmem>> -> memref<1x128x64xf32, #tpu.memory_space<vmem>>
        %dma_wait3A_262 = tpu.memref_squeeze %dma_wait3A_261 : memref<1x128x64xf32, #tpu.memory_space<vmem>> -> memref<128x64xf32, #tpu.memory_space<vmem>>
        tpu.wait_dma2 semaphore(%arg12 : memref<!tpu.dma_semaphore, #tpu.memory_space<semaphore_mem>>) src(%dma_wait3A_262 : memref<128x64xf32, #tpu.memory_space<vmem>>) dst(%dma_wait3A_258 : memref<128x64xf32, #tpu.memory_space<hbm>>)
      } else {
      }
      %add3A_180 = arith.constant 1 : i32
      %add3A_181 = arith.addi %while3A_172, %add3A_180 : i32
      %lt3A_182 = arith.cmpi slt, %add3A_181, %select_n3A_10 : i32
      %convert_element_type3A_183 = arith.extui %lt3A_182 : i1 to i32
      %cond3A_184 = arith.constant 0 : i32
      %cond3A_185 = arith.cmpi ne, %convert_element_type3A_183, %cond3A_184 : i32
      scf.if %cond3A_185 {
        %add3A_236 = arith.constant 1 : i32
        %add3A_237 = arith.addi %while3A_172, %add3A_236 : i32
        %add3A_238 = arith.constant 1 : i32
        %add3A_239 = arith.addi %while3A_172, %add3A_238 : i32
        %rem3A_240 = arith.constant 2 : i32
        %rem3A_241 = arith.remsi %add3A_239, %rem3A_240 : i32
        %div3A_242 = arith.constant 8 : i32
        %div3A_243 = arith.divsi %add3A_237, %div3A_242 : i32
        %add3A_244 = arith.addi %div3A_243, %sub3A_16 : i32
        %rem3A_245 = arith.constant 8 : i32
        %rem3A_246 = arith.remsi %add3A_237, %rem3A_245 : i32
        %mul3A_247 = arith.constant 128 : i32
        %mul3A_248 = arith.muli %rem3A_246, %mul3A_247 : i32
        %dma_start3A_249 = arith.constant 0 : i32
        %dma_start3A_250 = arith.constant 0 : i32
        %dma_start3A_251 = arith.constant 0 : i32
        %dma_start3A_252 = tpu.memref_slice %arg10[%rem3A_241, %dma_start3A_250, %dma_start3A_251] : memref<2x128x64xf32, #tpu.memory_space<vmem>> -> memref<1x128x64xf32, #tpu.memory_space<vmem>>
        %dma_start3A_253 = tpu.memref_squeeze %dma_start3A_252 : memref<1x128x64xf32, #tpu.memory_space<vmem>> -> memref<128x64xf32, #tpu.memory_space<vmem>>
        %dma_start3A_254 = arith.constant 0 : i32
        %dma_start3A_255 = arith.constant 0 : i32
        %dma_start3A_256 = tpu.memref_slice %arg9[%dma_start3A_249, %dma_start3A_254, %dma_start3A_255] : memref<2x8x1024xi32, #tpu.memory_space<vmem>> -> memref<1x8x1024xi32, #tpu.memory_space<vmem>>
        %dma_start3A_257 = tpu.memref_squeeze %dma_start3A_256 : memref<1x8x1024xi32, #tpu.memory_space<vmem>> -> memref<8x1024xi32, #tpu.memory_space<vmem>>
        %dma_start3A_258 = arith.constant 0 : i32
        %dma_start3A_259 = tpu.memref_slice %dma_start3A_257[%add3A_244, %dma_start3A_258] : memref<8x1024xi32, #tpu.memory_space<vmem>> -> memref<1x1024xi32, #tpu.memory_space<vmem>>
        %dma_start3A_260 = tpu.memref_squeeze %dma_start3A_259 : memref<1x1024xi32, #tpu.memory_space<vmem>> -> memref<1024xi32, #tpu.memory_space<vmem>>
        %dma_start3A_261 = tpu.memref_slice %dma_start3A_260[%mul3A_248] : memref<1024xi32, #tpu.memory_space<vmem>> -> memref<128xi32, #tpu.memory_space<vmem>>
        %dma_start3A_262 = arith.constant 0 : i32
        %dma_start3A_263 = arith.constant 0 : i32
        %dma_start3A_264 = tpu.memref_slice %arg2[%dma_start3A_262, %dma_start3A_263] : memref<100000x64xf32, #tpu.memory_space<hbm>> -> memref<100000x64xf32, #tpu.memory_space<hbm>>
        tpu.enqueue_indirect_dma source(%dma_start3A_264 : memref<100000x64xf32, #tpu.memory_space<hbm>>) target(%dma_start3A_253 : memref<128x64xf32, #tpu.memory_space<vmem>>) offsets(%dma_start3A_261 : memref<128xi32, #tpu.memory_space<vmem>>) semaphore(%arg11 : memref<!tpu.dma_semaphore, #tpu.memory_space<semaphore_mem>>)
      } else {
      }
      %dma_wait3A_186 = arith.constant 0 : i32
      %dma_wait3A_187 = arith.constant 0 : i32
      %dma_wait3A_188 = arith.constant 0 : i32
      %dma_wait3A_189 = tpu.memref_slice %arg10[%rem3A_174, %dma_wait3A_187, %dma_wait3A_188] : memref<2x128x64xf32, #tpu.memory_space<vmem>> -> memref<1x128x64xf32, #tpu.memory_space<vmem>>
      %dma_wait3A_190 = tpu.memref_squeeze %dma_wait3A_189 : memref<1x128x64xf32, #tpu.memory_space<vmem>> -> memref<128x64xf32, #tpu.memory_space<vmem>>
      %dma_wait3A_191 = arith.constant 0 : i32
      %dma_wait3A_192 = arith.constant 0 : i32
      %dma_wait3A_193 = tpu.memref_slice %arg7[%dma_wait3A_186, %dma_wait3A_191, %dma_wait3A_192] : memref<200x1024x128xf32, #tpu.memory_space<hbm>> -> memref<1x1024x128xf32, #tpu.memory_space<hbm>>
      %dma_wait3A_194 = tpu.memref_squeeze %dma_wait3A_193 : memref<1x1024x128xf32, #tpu.memory_space<hbm>> -> memref<1024x128xf32, #tpu.memory_space<hbm>>
      %dma_wait3A_195 = arith.constant 0 : i32
      %dma_wait3A_196 = arith.constant 0 : i32
      %dma_wait3A_197 = tpu.memref_slice %dma_wait3A_194[%dma_wait3A_195, %dma_wait3A_196] : memref<1024x128xf32, #tpu.memory_space<hbm>> -> memref<128x64xf32, #tpu.memory_space<hbm>>
      %dma_wait3A_198 = arith.constant 0 : i32
      %dma_wait3A_199 = arith.constant 0 : i32
      %dma_wait3A_200 = tpu.memref_slice %arg10[%rem3A_174, %dma_wait3A_198, %dma_wait3A_199] : memref<2x128x64xf32, #tpu.memory_space<vmem>> -> memref<1x128x64xf32, #tpu.memory_space<vmem>>
      %dma_wait3A_201 = tpu.memref_squeeze %dma_wait3A_200 : memref<1x128x64xf32, #tpu.memory_space<vmem>> -> memref<128x64xf32, #tpu.memory_space<vmem>>
      %dma_wait3A_202 = arith.constant 0 : i32
      %dma_wait3A_203 = arith.constant 0 : i32
      %dma_wait3A_204 = tpu.memref_slice %arg7[%dma_wait3A_186, %dma_wait3A_202, %dma_wait3A_203] : memref<200x1024x128xf32, #tpu.memory_space<hbm>> -> memref<1x1024x128xf32, #tpu.memory_space<hbm>>
      %dma_wait3A_205 = tpu.memref_squeeze %dma_wait3A_204 : memref<1x1024x128xf32, #tpu.memory_space<hbm>> -> memref<1024x128xf32, #tpu.memory_space<hbm>>
      %dma_wait3A_206 = arith.constant 0 : i32
      %dma_wait3A_207 = arith.constant 0 : i32
      %dma_wait3A_208 = tpu.memref_slice %dma_wait3A_205[%dma_wait3A_206, %dma_wait3A_207] : memref<1024x128xf32, #tpu.memory_space<hbm>> -> memref<128x64xf32, #tpu.memory_space<hbm>>
      tpu.wait_dma2 semaphore(%arg11 : memref<!tpu.dma_semaphore, #tpu.memory_space<semaphore_mem>>) src(%dma_wait3A_208 : memref<128x64xf32, #tpu.memory_space<hbm>>) dst(%dma_wait3A_201 : memref<128x64xf32, #tpu.memory_space<vmem>>)
      %div3A_209 = arith.constant 8 : i32
      %div3A_210 = arith.divsi %while3A_172, %div3A_209 : i32
      %add3A_211 = arith.addi %select_n3A, %div3A_210 : i32
      %rem3A_212 = arith.constant 8 : i32
      %rem3A_213 = arith.remsi %while3A_172, %rem3A_212 : i32
      %mul3A_214 = arith.constant 128 : i32
      %mul3A_215 = arith.muli %rem3A_213, %mul3A_214 : i32
      %dma_start3A_216 = arith.constant 0 : i32
      %dma_start3A_217 = arith.constant 0 : i32
      %dma_start3A_218 = tpu.memref_slice %arg10[%rem3A_174, %dma_start3A_216, %dma_start3A_217] : memref<2x128x64xf32, #tpu.memory_space<vmem>> -> memref<1x128x64xf32, #tpu.memory_space<vmem>>
      %dma_start3A_219 = tpu.memref_squeeze %dma_start3A_218 : memref<1x128x64xf32, #tpu.memory_space<vmem>> -> memref<128x64xf32, #tpu.memory_space<vmem>>
      %dma_start3A_220 = arith.constant 0 : i32
      %dma_start3A_221 = arith.constant 0 : i32
      %dma_start3A_222 = tpu.memref_slice %arg7[%add3A_211, %dma_start3A_220, %dma_start3A_221] : memref<200x1024x128xf32, #tpu.memory_space<hbm>> -> memref<1x1024x128xf32, #tpu.memory_space<hbm>>
      %dma_start3A_223 = tpu.memref_squeeze %dma_start3A_222 : memref<1x1024x128xf32, #tpu.memory_space<hbm>> -> memref<1024x128xf32, #tpu.memory_space<hbm>>
      %dma_start3A_224 = arith.constant 0 : i32
      %dma_start3A_225 = tpu.memref_slice %dma_start3A_223[%mul3A_215, %dma_start3A_224] : memref<1024x128xf32, #tpu.memory_space<hbm>> -> memref<128x64xf32, #tpu.memory_space<hbm>>
      %dma_start3A_226 = arith.constant 0 : i32
      %dma_start3A_227 = arith.constant 0 : i32
      %dma_start3A_228 = tpu.memref_slice %arg7[%add3A_211, %dma_start3A_226, %dma_start3A_227] : memref<200x1024x128xf32, #tpu.memory_space<hbm>> -> memref<1x1024x128xf32, #tpu.memory_space<hbm>>
      %dma_start3A_229 = tpu.memref_squeeze %dma_start3A_228 : memref<1x1024x128xf32, #tpu.memory_space<hbm>> -> memref<1024x128xf32, #tpu.memory_space<hbm>>
      %dma_start3A_230 = arith.constant 0 : i32
      %dma_start3A_231 = tpu.memref_slice %dma_start3A_229[%mul3A_215, %dma_start3A_230] : memref<1024x128xf32, #tpu.memory_space<hbm>> -> memref<128x64xf32, #tpu.memory_space<hbm>>
      %dma_start3A_232 = arith.constant 0 : i32
      %dma_start3A_233 = arith.constant 0 : i32
      %dma_start3A_234 = tpu.memref_slice %arg10[%rem3A_174, %dma_start3A_232, %dma_start3A_233] : memref<2x128x64xf32, #tpu.memory_space<vmem>> -> memref<1x128x64xf32, #tpu.memory_space<vmem>>
      %dma_start3A_235 = tpu.memref_squeeze %dma_start3A_234 : memref<1x128x64xf32, #tpu.memory_space<vmem>> -> memref<128x64xf32, #tpu.memory_space<vmem>>
      tpu.enqueue_dma source(%dma_start3A_235 : memref<128x64xf32, #tpu.memory_space<vmem>>) target(%dma_start3A_231 : memref<128x64xf32, #tpu.memory_space<hbm>>) target_semaphore(%arg12 : memref<!tpu.dma_semaphore, #tpu.memory_space<semaphore_mem>>)
    }
    %sub3A_59 = arith.constant 1 : i32
    %sub3A_60 = arith.subi %select_n3A_10, %sub3A_59 : i32
    %rem3A_61 = arith.constant 2 : i32
    %rem3A_62 = arith.remsi %sub3A_60, %rem3A_61 : i32
    %dma_wait3A = arith.constant 0 : i32
    %dma_wait3A_63 = arith.constant 0 : i32
    %dma_wait3A_64 = arith.constant 0 : i32
    %dma_wait3A_65 = tpu.memref_slice %arg10[%rem3A_62, %dma_wait3A_63, %dma_wait3A_64] : memref<2x128x64xf32, #tpu.memory_space<vmem>> -> memref<1x128x64xf32, #tpu.memory_space<vmem>>
    %dma_wait3A_66 = tpu.memref_squeeze %dma_wait3A_65 : memref<1x128x64xf32, #tpu.memory_space<vmem>> -> memref<128x64xf32, #tpu.memory_space<vmem>>
    %dma_wait3A_67 = arith.constant 0 : i32
    %dma_wait3A_68 = arith.constant 0 : i32
    %dma_wait3A_69 = tpu.memref_slice %arg7[%dma_wait3A, %dma_wait3A_67, %dma_wait3A_68] : memref<200x1024x128xf32, #tpu.memory_space<hbm>> -> memref<1x1024x128xf32, #tpu.memory_space<hbm>>
    %dma_wait3A_70 = tpu.memref_squeeze %dma_wait3A_69 : memref<1x1024x128xf32, #tpu.memory_space<hbm>> -> memref<1024x128xf32, #tpu.memory_space<hbm>>
    %dma_wait3A_71 = arith.constant 0 : i32
    %dma_wait3A_72 = arith.constant 0 : i32
    %dma_wait3A_73 = tpu.memref_slice %dma_wait3A_70[%dma_wait3A_71, %dma_wait3A_72] : memref<1024x128xf32, #tpu.memory_space<hbm>> -> memref<128x64xf32, #tpu.memory_space<hbm>>
    %dma_wait3A_74 = arith.constant 0 : i32
    %dma_wait3A_75 = arith.constant 0 : i32
    %dma_wait3A_76 = tpu.memref_slice %arg7[%dma_wait3A, %dma_wait3A_74, %dma_wait3A_75] : memref<200x1024x128xf32, #tpu.memory_space<hbm>> -> memref<1x1024x128xf32, #tpu.memory_space<hbm>>
    %dma_wait3A_77 = tpu.memref_squeeze %dma_wait3A_76 : memref<1x1024x128xf32, #tpu.memory_space<hbm>> -> memref<1024x128xf32, #tpu.memory_space<hbm>>
    %dma_wait3A_78 = arith.constant 0 : i32
    %dma_wait3A_79 = arith.constant 0 : i32
    %dma_wait3A_80 = tpu.memref_slice %dma_wait3A_77[%dma_wait3A_78, %dma_wait3A_79] : memref<1024x128xf32, #tpu.memory_space<hbm>> -> memref<128x64xf32, #tpu.memory_space<hbm>>
    %dma_wait3A_81 = arith.constant 0 : i32
    %dma_wait3A_82 = arith.constant 0 : i32
    %dma_wait3A_83 = tpu.memref_slice %arg10[%rem3A_62, %dma_wait3A_81, %dma_wait3A_82] : memref<2x128x64xf32, #tpu.memory_space<vmem>> -> memref<1x128x64xf32, #tpu.memory_space<vmem>>
    %dma_wait3A_84 = tpu.memref_squeeze %dma_wait3A_83 : memref<1x128x64xf32, #tpu.memory_space<vmem>> -> memref<128x64xf32, #tpu.memory_space<vmem>>
    tpu.wait_dma2 semaphore(%arg12 : memref<!tpu.dma_semaphore, #tpu.memory_space<semaphore_mem>>) src(%dma_wait3A_84 : memref<128x64xf32, #tpu.memory_space<vmem>>) dst(%dma_wait3A_80 : memref<128x64xf32, #tpu.memory_space<hbm>>)
    %sub3A_85 = arith.constant 1 : i32
    %sub3A_86 = arith.subi %select_n3A, %sub3A_85 : i32
    %jit3A_87 = arith.constant 0 : i32
    %jit3A_88 = arith.constant 192 : i32
    %max3A = arith.maxsi %jit3A_87, %sub3A_86 : i32
    %min3A_89 = arith.minsi %jit3A_88, %max3A : i32
    %sub3A_90 = arith.constant 1 : i32
    %sub3A_91 = arith.subi %select_n3A, %sub3A_90 : i32
    %sub3A_92 = arith.subi %sub3A_91, %min3A_89 : i32
    %run_scoped3A_93 = arith.constant 1 : i32
    "tpu.region"() ({
      %run_scoped3A_172 = tpu.sem_alloc : memref<!tpu.dma_semaphore, #tpu.memory_space<semaphore_mem>>
      %dma_start3A_173 = arith.constant 0 : i32
      %dma_start3A_174 = arith.constant 0 : i32
      %dma_start3A_175 = tpu.memref_slice %arg9[%run_scoped3A_93, %dma_start3A_173, %dma_start3A_174] : memref<2x8x1024xi32, #tpu.memory_space<vmem>> -> memref<1x8x1024xi32, #tpu.memory_space<vmem>>
      %dma_start3A_176 = tpu.memref_squeeze %dma_start3A_175 : memref<1x8x1024xi32, #tpu.memory_space<vmem>> -> memref<8x1024xi32, #tpu.memory_space<vmem>>
      %dma_start3A_177 = arith.constant 0 : i32
      %dma_start3A_178 = tpu.memref_slice %arg5[%min3A_89, %dma_start3A_177] : memref<200x1024xi32, #tpu.memory_space<hbm>> -> memref<8x1024xi32, #tpu.memory_space<hbm>>
      %dma_start3A_179 = arith.constant 0 : i32
      %dma_start3A_180 = arith.constant 0 : i32
      %dma_start3A_181 = tpu.memref_slice %arg9[%run_scoped3A_93, %dma_start3A_179, %dma_start3A_180] : memref<2x8x1024xi32, #tpu.memory_space<vmem>> -> memref<1x8x1024xi32, #tpu.memory_space<vmem>>
      %dma_start3A_182 = tpu.memref_squeeze %dma_start3A_181 : memref<1x8x1024xi32, #tpu.memory_space<vmem>> -> memref<8x1024xi32, #tpu.memory_space<vmem>>
      %dma_start3A_183 = arith.constant 0 : i32
      %dma_start3A_184 = tpu.memref_slice %arg5[%min3A_89, %dma_start3A_183] : memref<200x1024xi32, #tpu.memory_space<hbm>> -> memref<8x1024xi32, #tpu.memory_space<hbm>>
      tpu.enqueue_dma source(%dma_start3A_184 : memref<8x1024xi32, #tpu.memory_space<hbm>>) target(%dma_start3A_182 : memref<8x1024xi32, #tpu.memory_space<vmem>>) target_semaphore(%run_scoped3A_172 : memref<!tpu.dma_semaphore, #tpu.memory_space<semaphore_mem>>)
      %dma_wait3A_185 = arith.constant 0 : i32
      %dma_wait3A_186 = arith.constant 0 : i32
      %dma_wait3A_187 = tpu.memref_slice %arg9[%run_scoped3A_93, %dma_wait3A_185, %dma_wait3A_186] : memref<2x8x1024xi32, #tpu.memory_space<vmem>> -> memref<1x8x1024xi32, #tpu.memory_space<vmem>>
      %dma_wait3A_188 = tpu.memref_squeeze %dma_wait3A_187 : memref<1x8x1024xi32, #tpu.memory_space<vmem>> -> memref<8x1024xi32, #tpu.memory_space<vmem>>
      %dma_wait3A_189 = arith.constant 0 : i32
      %dma_wait3A_190 = tpu.memref_slice %arg5[%min3A_89, %dma_wait3A_189] : memref<200x1024xi32, #tpu.memory_space<hbm>> -> memref<8x1024xi32, #tpu.memory_space<hbm>>
      %dma_wait3A_191 = arith.constant 0 : i32
      %dma_wait3A_192 = arith.constant 0 : i32
      %dma_wait3A_193 = tpu.memref_slice %arg9[%run_scoped3A_93, %dma_wait3A_191, %dma_wait3A_192] : memref<2x8x1024xi32, #tpu.memory_space<vmem>> -> memref<1x8x1024xi32, #tpu.memory_space<vmem>>
      %dma_wait3A_194 = tpu.memref_squeeze %dma_wait3A_193 : memref<1x8x1024xi32, #tpu.memory_space<vmem>> -> memref<8x1024xi32, #tpu.memory_space<vmem>>
      %dma_wait3A_195 = arith.constant 0 : i32
      %dma_wait3A_196 = tpu.memref_slice %arg5[%min3A_89, %dma_wait3A_195] : memref<200x1024xi32, #tpu.memory_space<hbm>> -> memref<8x1024xi32, #tpu.memory_space<hbm>>
      tpu.wait_dma2 semaphore(%run_scoped3A_172 : memref<!tpu.dma_semaphore, #tpu.memory_space<semaphore_mem>>) src(%dma_wait3A_196 : memref<8x1024xi32, #tpu.memory_space<hbm>>) dst(%dma_wait3A_194 : memref<8x1024xi32, #tpu.memory_space<vmem>>)
      tpu.yield
    }) : () -> ()
    %jit3A_94 = arith.constant 2 : i32
    %eq3A_95 = arith.constant 0 : i32
    %eq3A_96 = arith.cmpi eq, %jit3A_94, %eq3A_95 : i32
    %jit3A_97 = arith.constant 1 : i32
    %select_n3A_98 = arith.select %eq3A_96, %jit3A_97, %jit3A_94 : i32
    %rem3A_99 = arith.remsi %select_n3A_14, %select_n3A_98 : i32
    %ne3A_100 = arith.constant 0 : i32
    %ne3A_101 = arith.cmpi ne, %rem3A_99, %ne3A_100 : i32
    %lt3A_102 = arith.constant 0 : i32
    %lt3A_103 = arith.cmpi slt, %rem3A_99, %lt3A_102 : i32
    %lt3A_104 = arith.constant 0 : i32
    %lt3A_105 = arith.cmpi slt, %select_n3A_98, %lt3A_104 : i32
    %ne3A_106 = arith.xori %lt3A_103, %lt3A_105 : i1
    %and3A_107 = arith.andi %ne3A_106, %ne3A_101 : i1
    %add3A_108 = arith.addi %rem3A_99, %select_n3A_98 : i32
    %select_n3A_109 = arith.select %and3A_107, %add3A_108, %rem3A_99 : i32
    %div3A_110 = arith.constant 8 : i32
    %div3A_111 = arith.divsi %select_n3A_14, %div3A_110 : i32
    %add3A_112 = arith.addi %div3A_111, %sub3A_92 : i32
    %rem3A_113 = arith.constant 8 : i32
    %rem3A_114 = arith.remsi %select_n3A_14, %rem3A_113 : i32
    %mul3A_115 = arith.constant 128 : i32
    %mul3A_116 = arith.muli %rem3A_114, %mul3A_115 : i32
    %dma_start3A_117 = arith.constant 1 : i32
    %dma_start3A_118 = arith.constant 0 : i32
    %dma_start3A_119 = arith.constant 0 : i32
    %dma_start3A_120 = tpu.memref_slice %arg10[%select_n3A_109, %dma_start3A_118, %dma_start3A_119] : memref<2x128x64xf32, #tpu.memory_space<vmem>> -> memref<1x128x64xf32, #tpu.memory_space<vmem>>
    %dma_start3A_121 = tpu.memref_squeeze %dma_start3A_120 : memref<1x128x64xf32, #tpu.memory_space<vmem>> -> memref<128x64xf32, #tpu.memory_space<vmem>>
    %dma_start3A_122 = arith.constant 0 : i32
    %dma_start3A_123 = arith.constant 0 : i32
    %dma_start3A_124 = tpu.memref_slice %arg9[%dma_start3A_117, %dma_start3A_122, %dma_start3A_123] : memref<2x8x1024xi32, #tpu.memory_space<vmem>> -> memref<1x8x1024xi32, #tpu.memory_space<vmem>>
    %dma_start3A_125 = tpu.memref_squeeze %dma_start3A_124 : memref<1x8x1024xi32, #tpu.memory_space<vmem>> -> memref<8x1024xi32, #tpu.memory_space<vmem>>
    %dma_start3A_126 = arith.constant 0 : i32
    %dma_start3A_127 = tpu.memref_slice %dma_start3A_125[%add3A_112, %dma_start3A_126] : memref<8x1024xi32, #tpu.memory_space<vmem>> -> memref<1x1024xi32, #tpu.memory_space<vmem>>
    %dma_start3A_128 = tpu.memref_squeeze %dma_start3A_127 : memref<1x1024xi32, #tpu.memory_space<vmem>> -> memref<1024xi32, #tpu.memory_space<vmem>>
    %dma_start3A_129 = tpu.memref_slice %dma_start3A_128[%mul3A_116] : memref<1024xi32, #tpu.memory_space<vmem>> -> memref<128xi32, #tpu.memory_space<vmem>>
    %dma_start3A_130 = arith.constant 0 : i32
    %dma_start3A_131 = arith.constant 0 : i32
    %dma_start3A_132 = tpu.memref_slice %arg4[%dma_start3A_130, %dma_start3A_131] : memref<200x64xf32, #tpu.memory_space<hbm>> -> memref<200x64xf32, #tpu.memory_space<hbm>>
    tpu.enqueue_indirect_dma source(%dma_start3A_132 : memref<200x64xf32, #tpu.memory_space<hbm>>) target(%dma_start3A_121 : memref<128x64xf32, #tpu.memory_space<vmem>>) offsets(%dma_start3A_129 : memref<128xi32, #tpu.memory_space<vmem>>) semaphore(%arg11 : memref<!tpu.dma_semaphore, #tpu.memory_space<semaphore_mem>>)
    %while3A_133 = arith.constant 0 : i32
    %while3A_134 = arith.subi %select_n3A_10, %select_n3A_14 : i32
    %while3A_135 = arith.addi %select_n3A_14, %while3A_134 : i32
    %while3A_136 = arith.constant 1 : i32
    %while3A_137 = arith.divsi %while3A_134, %while3A_136 : i32
    %while3A_138 = arith.muli %while3A_137, %while3A_136 : i32
    %while3A_139 = arith.addi %select_n3A_14, %while3A_138 : i32
    %while3A_140 = arith.constant 1 : i32
    scf.for %while3A_172 = %select_n3A_14 to %while3A_139 step %while3A_140  : i32 {
      %rem3A_173 = arith.constant 2 : i32
      %rem3A_174 = arith.remsi %while3A_172, %rem3A_173 : i32
      %add3A_175 = arith.constant 1 : i32
      %add3A_176 = arith.addi %select_n3A_14, %add3A_175 : i32
      %ge3A = arith.cmpi sge, %while3A_172, %add3A_176 : i32
      %convert_element_type3A_177 = arith.extui %ge3A : i1 to i32
      %cond3A_178 = arith.constant 0 : i32
      %cond3A_179 = arith.cmpi ne, %convert_element_type3A_177, %cond3A_178 : i32
      scf.if %cond3A_179 {
        %sub3A_236 = arith.constant 1 : i32
        %sub3A_237 = arith.subi %while3A_172, %sub3A_236 : i32
        %rem3A_238 = arith.constant 2 : i32
        %rem3A_239 = arith.remsi %sub3A_237, %rem3A_238 : i32
        %dma_wait3A_240 = arith.constant 0 : i32
        %dma_wait3A_241 = arith.constant 0 : i32
        %dma_wait3A_242 = arith.constant 0 : i32
        %dma_wait3A_243 = tpu.memref_slice %arg10[%rem3A_239, %dma_wait3A_241, %dma_wait3A_242] : memref<2x128x64xf32, #tpu.memory_space<vmem>> -> memref<1x128x64xf32, #tpu.memory_space<vmem>>
        %dma_wait3A_244 = tpu.memref_squeeze %dma_wait3A_243 : memref<1x128x64xf32, #tpu.memory_space<vmem>> -> memref<128x64xf32, #tpu.memory_space<vmem>>
        %dma_wait3A_245 = arith.constant 0 : i32
        %dma_wait3A_246 = arith.constant 0 : i32
        %dma_wait3A_247 = tpu.memref_slice %arg8[%dma_wait3A_240, %dma_wait3A_245, %dma_wait3A_246] : memref<200x1024x128xf32, #tpu.memory_space<hbm>> -> memref<1x1024x128xf32, #tpu.memory_space<hbm>>
        %dma_wait3A_248 = tpu.memref_squeeze %dma_wait3A_247 : memref<1x1024x128xf32, #tpu.memory_space<hbm>> -> memref<1024x128xf32, #tpu.memory_space<hbm>>
        %dma_wait3A_249 = arith.constant 0 : i32
        %dma_wait3A_250 = arith.constant 0 : i32
        %dma_wait3A_251 = tpu.memref_slice %dma_wait3A_248[%dma_wait3A_249, %dma_wait3A_250] : memref<1024x128xf32, #tpu.memory_space<hbm>> -> memref<128x64xf32, #tpu.memory_space<hbm>>
        %dma_wait3A_252 = arith.constant 0 : i32
        %dma_wait3A_253 = arith.constant 0 : i32
        %dma_wait3A_254 = tpu.memref_slice %arg8[%dma_wait3A_240, %dma_wait3A_252, %dma_wait3A_253] : memref<200x1024x128xf32, #tpu.memory_space<hbm>> -> memref<1x1024x128xf32, #tpu.memory_space<hbm>>
        %dma_wait3A_255 = tpu.memref_squeeze %dma_wait3A_254 : memref<1x1024x128xf32, #tpu.memory_space<hbm>> -> memref<1024x128xf32, #tpu.memory_space<hbm>>
        %dma_wait3A_256 = arith.constant 0 : i32
        %dma_wait3A_257 = arith.constant 0 : i32
        %dma_wait3A_258 = tpu.memref_slice %dma_wait3A_255[%dma_wait3A_256, %dma_wait3A_257] : memref<1024x128xf32, #tpu.memory_space<hbm>> -> memref<128x64xf32, #tpu.memory_space<hbm>>
        %dma_wait3A_259 = arith.constant 0 : i32
        %dma_wait3A_260 = arith.constant 0 : i32
        %dma_wait3A_261 = tpu.memref_slice %arg10[%rem3A_239, %dma_wait3A_259, %dma_wait3A_260] : memref<2x128x64xf32, #tpu.memory_space<vmem>> -> memref<1x128x64xf32, #tpu.memory_space<vmem>>
        %dma_wait3A_262 = tpu.memref_squeeze %dma_wait3A_261 : memref<1x128x64xf32, #tpu.memory_space<vmem>> -> memref<128x64xf32, #tpu.memory_space<vmem>>
        tpu.wait_dma2 semaphore(%arg12 : memref<!tpu.dma_semaphore, #tpu.memory_space<semaphore_mem>>) src(%dma_wait3A_262 : memref<128x64xf32, #tpu.memory_space<vmem>>) dst(%dma_wait3A_258 : memref<128x64xf32, #tpu.memory_space<hbm>>)
      } else {
      }
      %add3A_180 = arith.constant 1 : i32
      %add3A_181 = arith.addi %while3A_172, %add3A_180 : i32
      %lt3A_182 = arith.cmpi slt, %add3A_181, %select_n3A_10 : i32
      %convert_element_type3A_183 = arith.extui %lt3A_182 : i1 to i32
      %cond3A_184 = arith.constant 0 : i32
      %cond3A_185 = arith.cmpi ne, %convert_element_type3A_183, %cond3A_184 : i32
      scf.if %cond3A_185 {
        %add3A_236 = arith.constant 1 : i32
        %add3A_237 = arith.addi %while3A_172, %add3A_236 : i32
        %add3A_238 = arith.constant 1 : i32
        %add3A_239 = arith.addi %while3A_172, %add3A_238 : i32
        %rem3A_240 = arith.constant 2 : i32
        %rem3A_241 = arith.remsi %add3A_239, %rem3A_240 : i32
        %div3A_242 = arith.constant 8 : i32
        %div3A_243 = arith.divsi %add3A_237, %div3A_242 : i32
        %add3A_244 = arith.addi %div3A_243, %sub3A_92 : i32
        %rem3A_245 = arith.constant 8 : i32
        %rem3A_246 = arith.remsi %add3A_237, %rem3A_245 : i32
        %mul3A_247 = arith.constant 128 : i32
        %mul3A_248 = arith.muli %rem3A_246, %mul3A_247 : i32
        %dma_start3A_249 = arith.constant 1 : i32
        %dma_start3A_250 = arith.constant 0 : i32
        %dma_start3A_251 = arith.constant 0 : i32
        %dma_start3A_252 = tpu.memref_slice %arg10[%rem3A_241, %dma_start3A_250, %dma_start3A_251] : memref<2x128x64xf32, #tpu.memory_space<vmem>> -> memref<1x128x64xf32, #tpu.memory_space<vmem>>
        %dma_start3A_253 = tpu.memref_squeeze %dma_start3A_252 : memref<1x128x64xf32, #tpu.memory_space<vmem>> -> memref<128x64xf32, #tpu.memory_space<vmem>>
        %dma_start3A_254 = arith.constant 0 : i32
        %dma_start3A_255 = arith.constant 0 : i32
        %dma_start3A_256 = tpu.memref_slice %arg9[%dma_start3A_249, %dma_start3A_254, %dma_start3A_255] : memref<2x8x1024xi32, #tpu.memory_space<vmem>> -> memref<1x8x1024xi32, #tpu.memory_space<vmem>>
        %dma_start3A_257 = tpu.memref_squeeze %dma_start3A_256 : memref<1x8x1024xi32, #tpu.memory_space<vmem>> -> memref<8x1024xi32, #tpu.memory_space<vmem>>
        %dma_start3A_258 = arith.constant 0 : i32
        %dma_start3A_259 = tpu.memref_slice %dma_start3A_257[%add3A_244, %dma_start3A_258] : memref<8x1024xi32, #tpu.memory_space<vmem>> -> memref<1x1024xi32, #tpu.memory_space<vmem>>
        %dma_start3A_260 = tpu.memref_squeeze %dma_start3A_259 : memref<1x1024xi32, #tpu.memory_space<vmem>> -> memref<1024xi32, #tpu.memory_space<vmem>>
        %dma_start3A_261 = tpu.memref_slice %dma_start3A_260[%mul3A_248] : memref<1024xi32, #tpu.memory_space<vmem>> -> memref<128xi32, #tpu.memory_space<vmem>>
        %dma_start3A_262 = arith.constant 0 : i32
        %dma_start3A_263 = arith.constant 0 : i32
        %dma_start3A_264 = tpu.memref_slice %arg4[%dma_start3A_262, %dma_start3A_263] : memref<200x64xf32, #tpu.memory_space<hbm>> -> memref<200x64xf32, #tpu.memory_space<hbm>>
        tpu.enqueue_indirect_dma source(%dma_start3A_264 : memref<200x64xf32, #tpu.memory_space<hbm>>) target(%dma_start3A_253 : memref<128x64xf32, #tpu.memory_space<vmem>>) offsets(%dma_start3A_261 : memref<128xi32, #tpu.memory_space<vmem>>) semaphore(%arg11 : memref<!tpu.dma_semaphore, #tpu.memory_space<semaphore_mem>>)
      } else {
      }
      %dma_wait3A_186 = arith.constant 0 : i32
      %dma_wait3A_187 = arith.constant 0 : i32
      %dma_wait3A_188 = arith.constant 0 : i32
      %dma_wait3A_189 = tpu.memref_slice %arg10[%rem3A_174, %dma_wait3A_187, %dma_wait3A_188] : memref<2x128x64xf32, #tpu.memory_space<vmem>> -> memref<1x128x64xf32, #tpu.memory_space<vmem>>
      %dma_wait3A_190 = tpu.memref_squeeze %dma_wait3A_189 : memref<1x128x64xf32, #tpu.memory_space<vmem>> -> memref<128x64xf32, #tpu.memory_space<vmem>>
      %dma_wait3A_191 = arith.constant 0 : i32
      %dma_wait3A_192 = arith.constant 0 : i32
      %dma_wait3A_193 = tpu.memref_slice %arg8[%dma_wait3A_186, %dma_wait3A_191, %dma_wait3A_192] : memref<200x1024x128xf32, #tpu.memory_space<hbm>> -> memref<1x1024x128xf32, #tpu.memory_space<hbm>>
      %dma_wait3A_194 = tpu.memref_squeeze %dma_wait3A_193 : memref<1x1024x128xf32, #tpu.memory_space<hbm>> -> memref<1024x128xf32, #tpu.memory_space<hbm>>
      %dma_wait3A_195 = arith.constant 0 : i32
      %dma_wait3A_196 = arith.constant 0 : i32
      %dma_wait3A_197 = tpu.memref_slice %dma_wait3A_194[%dma_wait3A_195, %dma_wait3A_196] : memref<1024x128xf32, #tpu.memory_space<hbm>> -> memref<128x64xf32, #tpu.memory_space<hbm>>
      %dma_wait3A_198 = arith.constant 0 : i32
      %dma_wait3A_199 = arith.constant 0 : i32
      %dma_wait3A_200 = tpu.memref_slice %arg10[%rem3A_174, %dma_wait3A_198, %dma_wait3A_199] : memref<2x128x64xf32, #tpu.memory_space<vmem>> -> memref<1x128x64xf32, #tpu.memory_space<vmem>>
      %dma_wait3A_201 = tpu.memref_squeeze %dma_wait3A_200 : memref<1x128x64xf32, #tpu.memory_space<vmem>> -> memref<128x64xf32, #tpu.memory_space<vmem>>
      %dma_wait3A_202 = arith.constant 0 : i32
      %dma_wait3A_203 = arith.constant 0 : i32
      %dma_wait3A_204 = tpu.memref_slice %arg8[%dma_wait3A_186, %dma_wait3A_202, %dma_wait3A_203] : memref<200x1024x128xf32, #tpu.memory_space<hbm>> -> memref<1x1024x128xf32, #tpu.memory_space<hbm>>
      %dma_wait3A_205 = tpu.memref_squeeze %dma_wait3A_204 : memref<1x1024x128xf32, #tpu.memory_space<hbm>> -> memref<1024x128xf32, #tpu.memory_space<hbm>>
      %dma_wait3A_206 = arith.constant 0 : i32
      %dma_wait3A_207 = arith.constant 0 : i32
      %dma_wait3A_208 = tpu.memref_slice %dma_wait3A_205[%dma_wait3A_206, %dma_wait3A_207] : memref<1024x128xf32, #tpu.memory_space<hbm>> -> memref<128x64xf32, #tpu.memory_space<hbm>>
      tpu.wait_dma2 semaphore(%arg11 : memref<!tpu.dma_semaphore, #tpu.memory_space<semaphore_mem>>) src(%dma_wait3A_208 : memref<128x64xf32, #tpu.memory_space<hbm>>) dst(%dma_wait3A_201 : memref<128x64xf32, #tpu.memory_space<vmem>>)
      %div3A_209 = arith.constant 8 : i32
      %div3A_210 = arith.divsi %while3A_172, %div3A_209 : i32
      %add3A_211 = arith.addi %select_n3A, %div3A_210 : i32
      %rem3A_212 = arith.constant 8 : i32
      %rem3A_213 = arith.remsi %while3A_172, %rem3A_212 : i32
      %mul3A_214 = arith.constant 128 : i32
      %mul3A_215 = arith.muli %rem3A_213, %mul3A_214 : i32
      %dma_start3A_216 = arith.constant 0 : i32
      %dma_start3A_217 = arith.constant 0 : i32
      %dma_start3A_218 = tpu.memref_slice %arg10[%rem3A_174, %dma_start3A_216, %dma_start3A_217] : memref<2x128x64xf32, #tpu.memory_space<vmem>> -> memref<1x128x64xf32, #tpu.memory_space<vmem>>
      %dma_start3A_219 = tpu.memref_squeeze %dma_start3A_218 : memref<1x128x64xf32, #tpu.memory_space<vmem>> -> memref<128x64xf32, #tpu.memory_space<vmem>>
      %dma_start3A_220 = arith.constant 0 : i32
      %dma_start3A_221 = arith.constant 0 : i32
      %dma_start3A_222 = tpu.memref_slice %arg8[%add3A_211, %dma_start3A_220, %dma_start3A_221] : memref<200x1024x128xf32, #tpu.memory_space<hbm>> -> memref<1x1024x128xf32, #tpu.memory_space<hbm>>
      %dma_start3A_223 = tpu.memref_squeeze %dma_start3A_222 : memref<1x1024x128xf32, #tpu.memory_space<hbm>> -> memref<1024x128xf32, #tpu.memory_space<hbm>>
      %dma_start3A_224 = arith.constant 0 : i32
      %dma_start3A_225 = tpu.memref_slice %dma_start3A_223[%mul3A_215, %dma_start3A_224] : memref<1024x128xf32, #tpu.memory_space<hbm>> -> memref<128x64xf32, #tpu.memory_space<hbm>>
      %dma_start3A_226 = arith.constant 0 : i32
      %dma_start3A_227 = arith.constant 0 : i32
      %dma_start3A_228 = tpu.memref_slice %arg8[%add3A_211, %dma_start3A_226, %dma_start3A_227] : memref<200x1024x128xf32, #tpu.memory_space<hbm>> -> memref<1x1024x128xf32, #tpu.memory_space<hbm>>
      %dma_start3A_229 = tpu.memref_squeeze %dma_start3A_228 : memref<1x1024x128xf32, #tpu.memory_space<hbm>> -> memref<1024x128xf32, #tpu.memory_space<hbm>>
      %dma_start3A_230 = arith.constant 0 : i32
      %dma_start3A_231 = tpu.memref_slice %dma_start3A_229[%mul3A_215, %dma_start3A_230] : memref<1024x128xf32, #tpu.memory_space<hbm>> -> memref<128x64xf32, #tpu.memory_space<hbm>>
      %dma_start3A_232 = arith.constant 0 : i32
      %dma_start3A_233 = arith.constant 0 : i32
      %dma_start3A_234 = tpu.memref_slice %arg10[%rem3A_174, %dma_start3A_232, %dma_start3A_233] : memref<2x128x64xf32, #tpu.memory_space<vmem>> -> memref<1x128x64xf32, #tpu.memory_space<vmem>>
      %dma_start3A_235 = tpu.memref_squeeze %dma_start3A_234 : memref<1x128x64xf32, #tpu.memory_space<vmem>> -> memref<128x64xf32, #tpu.memory_space<vmem>>
      tpu.enqueue_dma source(%dma_start3A_235 : memref<128x64xf32, #tpu.memory_space<vmem>>) target(%dma_start3A_231 : memref<128x64xf32, #tpu.memory_space<hbm>>) target_semaphore(%arg12 : memref<!tpu.dma_semaphore, #tpu.memory_space<semaphore_mem>>)
    }
    %while3A_141 = arith.constant 1 : i32
    scf.for %while3A_172 = %while3A_139 to %while3A_135 step %while3A_141  : i32 {
      %rem3A_173 = arith.constant 2 : i32
      %rem3A_174 = arith.remsi %while3A_172, %rem3A_173 : i32
      %add3A_175 = arith.constant 1 : i32
      %add3A_176 = arith.addi %select_n3A_14, %add3A_175 : i32
      %ge3A = arith.cmpi sge, %while3A_172, %add3A_176 : i32
      %convert_element_type3A_177 = arith.extui %ge3A : i1 to i32
      %cond3A_178 = arith.constant 0 : i32
      %cond3A_179 = arith.cmpi ne, %convert_element_type3A_177, %cond3A_178 : i32
      scf.if %cond3A_179 {
        %sub3A_236 = arith.constant 1 : i32
        %sub3A_237 = arith.subi %while3A_172, %sub3A_236 : i32
        %rem3A_238 = arith.constant 2 : i32
        %rem3A_239 = arith.remsi %sub3A_237, %rem3A_238 : i32
        %dma_wait3A_240 = arith.constant 0 : i32
        %dma_wait3A_241 = arith.constant 0 : i32
        %dma_wait3A_242 = arith.constant 0 : i32
        %dma_wait3A_243 = tpu.memref_slice %arg10[%rem3A_239, %dma_wait3A_241, %dma_wait3A_242] : memref<2x128x64xf32, #tpu.memory_space<vmem>> -> memref<1x128x64xf32, #tpu.memory_space<vmem>>
        %dma_wait3A_244 = tpu.memref_squeeze %dma_wait3A_243 : memref<1x128x64xf32, #tpu.memory_space<vmem>> -> memref<128x64xf32, #tpu.memory_space<vmem>>
        %dma_wait3A_245 = arith.constant 0 : i32
        %dma_wait3A_246 = arith.constant 0 : i32
        %dma_wait3A_247 = tpu.memref_slice %arg8[%dma_wait3A_240, %dma_wait3A_245, %dma_wait3A_246] : memref<200x1024x128xf32, #tpu.memory_space<hbm>> -> memref<1x1024x128xf32, #tpu.memory_space<hbm>>
        %dma_wait3A_248 = tpu.memref_squeeze %dma_wait3A_247 : memref<1x1024x128xf32, #tpu.memory_space<hbm>> -> memref<1024x128xf32, #tpu.memory_space<hbm>>
        %dma_wait3A_249 = arith.constant 0 : i32
        %dma_wait3A_250 = arith.constant 0 : i32
        %dma_wait3A_251 = tpu.memref_slice %dma_wait3A_248[%dma_wait3A_249, %dma_wait3A_250] : memref<1024x128xf32, #tpu.memory_space<hbm>> -> memref<128x64xf32, #tpu.memory_space<hbm>>
        %dma_wait3A_252 = arith.constant 0 : i32
        %dma_wait3A_253 = arith.constant 0 : i32
        %dma_wait3A_254 = tpu.memref_slice %arg8[%dma_wait3A_240, %dma_wait3A_252, %dma_wait3A_253] : memref<200x1024x128xf32, #tpu.memory_space<hbm>> -> memref<1x1024x128xf32, #tpu.memory_space<hbm>>
        %dma_wait3A_255 = tpu.memref_squeeze %dma_wait3A_254 : memref<1x1024x128xf32, #tpu.memory_space<hbm>> -> memref<1024x128xf32, #tpu.memory_space<hbm>>
        %dma_wait3A_256 = arith.constant 0 : i32
        %dma_wait3A_257 = arith.constant 0 : i32
        %dma_wait3A_258 = tpu.memref_slice %dma_wait3A_255[%dma_wait3A_256, %dma_wait3A_257] : memref<1024x128xf32, #tpu.memory_space<hbm>> -> memref<128x64xf32, #tpu.memory_space<hbm>>
        %dma_wait3A_259 = arith.constant 0 : i32
        %dma_wait3A_260 = arith.constant 0 : i32
        %dma_wait3A_261 = tpu.memref_slice %arg10[%rem3A_239, %dma_wait3A_259, %dma_wait3A_260] : memref<2x128x64xf32, #tpu.memory_space<vmem>> -> memref<1x128x64xf32, #tpu.memory_space<vmem>>
        %dma_wait3A_262 = tpu.memref_squeeze %dma_wait3A_261 : memref<1x128x64xf32, #tpu.memory_space<vmem>> -> memref<128x64xf32, #tpu.memory_space<vmem>>
        tpu.wait_dma2 semaphore(%arg12 : memref<!tpu.dma_semaphore, #tpu.memory_space<semaphore_mem>>) src(%dma_wait3A_262 : memref<128x64xf32, #tpu.memory_space<vmem>>) dst(%dma_wait3A_258 : memref<128x64xf32, #tpu.memory_space<hbm>>)
      } else {
      }
      %add3A_180 = arith.constant 1 : i32
      %add3A_181 = arith.addi %while3A_172, %add3A_180 : i32
      %lt3A_182 = arith.cmpi slt, %add3A_181, %select_n3A_10 : i32
      %convert_element_type3A_183 = arith.extui %lt3A_182 : i1 to i32
      %cond3A_184 = arith.constant 0 : i32
      %cond3A_185 = arith.cmpi ne, %convert_element_type3A_183, %cond3A_184 : i32
      scf.if %cond3A_185 {
        %add3A_236 = arith.constant 1 : i32
        %add3A_237 = arith.addi %while3A_172, %add3A_236 : i32
        %add3A_238 = arith.constant 1 : i32
        %add3A_239 = arith.addi %while3A_172, %add3A_238 : i32
        %rem3A_240 = arith.constant 2 : i32
        %rem3A_241 = arith.remsi %add3A_239, %rem3A_240 : i32
        %div3A_242 = arith.constant 8 : i32
        %div3A_243 = arith.divsi %add3A_237, %div3A_242 : i32
        %add3A_244 = arith.addi %div3A_243, %sub3A_92 : i32
        %rem3A_245 = arith.constant 8 : i32
        %rem3A_246 = arith.remsi %add3A_237, %rem3A_245 : i32
        %mul3A_247 = arith.constant 128 : i32
        %mul3A_248 = arith.muli %rem3A_246, %mul3A_247 : i32
        %dma_start3A_249 = arith.constant 1 : i32
        %dma_start3A_250 = arith.constant 0 : i32
        %dma_start3A_251 = arith.constant 0 : i32
        %dma_start3A_252 = tpu.memref_slice %arg10[%rem3A_241, %dma_start3A_250, %dma_start3A_251] : memref<2x128x64xf32, #tpu.memory_space<vmem>> -> memref<1x128x64xf32, #tpu.memory_space<vmem>>
        %dma_start3A_253 = tpu.memref_squeeze %dma_start3A_252 : memref<1x128x64xf32, #tpu.memory_space<vmem>> -> memref<128x64xf32, #tpu.memory_space<vmem>>
        %dma_start3A_254 = arith.constant 0 : i32
        %dma_start3A_255 = arith.constant 0 : i32
        %dma_start3A_256 = tpu.memref_slice %arg9[%dma_start3A_249, %dma_start3A_254, %dma_start3A_255] : memref<2x8x1024xi32, #tpu.memory_space<vmem>> -> memref<1x8x1024xi32, #tpu.memory_space<vmem>>
        %dma_start3A_257 = tpu.memref_squeeze %dma_start3A_256 : memref<1x8x1024xi32, #tpu.memory_space<vmem>> -> memref<8x1024xi32, #tpu.memory_space<vmem>>
        %dma_start3A_258 = arith.constant 0 : i32
        %dma_start3A_259 = tpu.memref_slice %dma_start3A_257[%add3A_244, %dma_start3A_258] : memref<8x1024xi32, #tpu.memory_space<vmem>> -> memref<1x1024xi32, #tpu.memory_space<vmem>>
        %dma_start3A_260 = tpu.memref_squeeze %dma_start3A_259 : memref<1x1024xi32, #tpu.memory_space<vmem>> -> memref<1024xi32, #tpu.memory_space<vmem>>
        %dma_start3A_261 = tpu.memref_slice %dma_start3A_260[%mul3A_248] : memref<1024xi32, #tpu.memory_space<vmem>> -> memref<128xi32, #tpu.memory_space<vmem>>
        %dma_start3A_262 = arith.constant 0 : i32
        %dma_start3A_263 = arith.constant 0 : i32
        %dma_start3A_264 = tpu.memref_slice %arg4[%dma_start3A_262, %dma_start3A_263] : memref<200x64xf32, #tpu.memory_space<hbm>> -> memref<200x64xf32, #tpu.memory_space<hbm>>
        tpu.enqueue_indirect_dma source(%dma_start3A_264 : memref<200x64xf32, #tpu.memory_space<hbm>>) target(%dma_start3A_253 : memref<128x64xf32, #tpu.memory_space<vmem>>) offsets(%dma_start3A_261 : memref<128xi32, #tpu.memory_space<vmem>>) semaphore(%arg11 : memref<!tpu.dma_semaphore, #tpu.memory_space<semaphore_mem>>)
      } else {
      }
      %dma_wait3A_186 = arith.constant 0 : i32
      %dma_wait3A_187 = arith.constant 0 : i32
      %dma_wait3A_188 = arith.constant 0 : i32
      %dma_wait3A_189 = tpu.memref_slice %arg10[%rem3A_174, %dma_wait3A_187, %dma_wait3A_188] : memref<2x128x64xf32, #tpu.memory_space<vmem>> -> memref<1x128x64xf32, #tpu.memory_space<vmem>>
      %dma_wait3A_190 = tpu.memref_squeeze %dma_wait3A_189 : memref<1x128x64xf32, #tpu.memory_space<vmem>> -> memref<128x64xf32, #tpu.memory_space<vmem>>
      %dma_wait3A_191 = arith.constant 0 : i32
      %dma_wait3A_192 = arith.constant 0 : i32
      %dma_wait3A_193 = tpu.memref_slice %arg8[%dma_wait3A_186, %dma_wait3A_191, %dma_wait3A_192] : memref<200x1024x128xf32, #tpu.memory_space<hbm>> -> memref<1x1024x128xf32, #tpu.memory_space<hbm>>
      %dma_wait3A_194 = tpu.memref_squeeze %dma_wait3A_193 : memref<1x1024x128xf32, #tpu.memory_space<hbm>> -> memref<1024x128xf32, #tpu.memory_space<hbm>>
      %dma_wait3A_195 = arith.constant 0 : i32
      %dma_wait3A_196 = arith.constant 0 : i32
      %dma_wait3A_197 = tpu.memref_slice %dma_wait3A_194[%dma_wait3A_195, %dma_wait3A_196] : memref<1024x128xf32, #tpu.memory_space<hbm>> -> memref<128x64xf32, #tpu.memory_space<hbm>>
      %dma_wait3A_198 = arith.constant 0 : i32
      %dma_wait3A_199 = arith.constant 0 : i32
      %dma_wait3A_200 = tpu.memref_slice %arg10[%rem3A_174, %dma_wait3A_198, %dma_wait3A_199] : memref<2x128x64xf32, #tpu.memory_space<vmem>> -> memref<1x128x64xf32, #tpu.memory_space<vmem>>
      %dma_wait3A_201 = tpu.memref_squeeze %dma_wait3A_200 : memref<1x128x64xf32, #tpu.memory_space<vmem>> -> memref<128x64xf32, #tpu.memory_space<vmem>>
      %dma_wait3A_202 = arith.constant 0 : i32
      %dma_wait3A_203 = arith.constant 0 : i32
      %dma_wait3A_204 = tpu.memref_slice %arg8[%dma_wait3A_186, %dma_wait3A_202, %dma_wait3A_203] : memref<200x1024x128xf32, #tpu.memory_space<hbm>> -> memref<1x1024x128xf32, #tpu.memory_space<hbm>>
      %dma_wait3A_205 = tpu.memref_squeeze %dma_wait3A_204 : memref<1x1024x128xf32, #tpu.memory_space<hbm>> -> memref<1024x128xf32, #tpu.memory_space<hbm>>
      %dma_wait3A_206 = arith.constant 0 : i32
      %dma_wait3A_207 = arith.constant 0 : i32
      %dma_wait3A_208 = tpu.memref_slice %dma_wait3A_205[%dma_wait3A_206, %dma_wait3A_207] : memref<1024x128xf32, #tpu.memory_space<hbm>> -> memref<128x64xf32, #tpu.memory_space<hbm>>
      tpu.wait_dma2 semaphore(%arg11 : memref<!tpu.dma_semaphore, #tpu.memory_space<semaphore_mem>>) src(%dma_wait3A_208 : memref<128x64xf32, #tpu.memory_space<hbm>>) dst(%dma_wait3A_201 : memref<128x64xf32, #tpu.memory_space<vmem>>)
      %div3A_209 = arith.constant 8 : i32
      %div3A_210 = arith.divsi %while3A_172, %div3A_209 : i32
      %add3A_211 = arith.addi %select_n3A, %div3A_210 : i32
      %rem3A_212 = arith.constant 8 : i32
      %rem3A_213 = arith.remsi %while3A_172, %rem3A_212 : i32
      %mul3A_214 = arith.constant 128 : i32
      %mul3A_215 = arith.muli %rem3A_213, %mul3A_214 : i32
      %dma_start3A_216 = arith.constant 0 : i32
      %dma_start3A_217 = arith.constant 0 : i32
      %dma_start3A_218 = tpu.memref_slice %arg10[%rem3A_174, %dma_start3A_216, %dma_start3A_217] : memref<2x128x64xf32, #tpu.memory_space<vmem>> -> memref<1x128x64xf32, #tpu.memory_space<vmem>>
      %dma_start3A_219 = tpu.memref_squeeze %dma_start3A_218 : memref<1x128x64xf32, #tpu.memory_space<vmem>> -> memref<128x64xf32, #tpu.memory_space<vmem>>
      %dma_start3A_220 = arith.constant 0 : i32
      %dma_start3A_221 = arith.constant 0 : i32
      %dma_start3A_222 = tpu.memref_slice %arg8[%add3A_211, %dma_start3A_220, %dma_start3A_221] : memref<200x1024x128xf32, #tpu.memory_space<hbm>> -> memref<1x1024x128xf32, #tpu.memory_space<hbm>>
      %dma_start3A_223 = tpu.memref_squeeze %dma_start3A_222 : memref<1x1024x128xf32, #tpu.memory_space<hbm>> -> memref<1024x128xf32, #tpu.memory_space<hbm>>
      %dma_start3A_224 = arith.constant 0 : i32
      %dma_start3A_225 = tpu.memref_slice %dma_start3A_223[%mul3A_215, %dma_start3A_224] : memref<1024x128xf32, #tpu.memory_space<hbm>> -> memref<128x64xf32, #tpu.memory_space<hbm>>
      %dma_start3A_226 = arith.constant 0 : i32
      %dma_start3A_227 = arith.constant 0 : i32
      %dma_start3A_228 = tpu.memref_slice %arg8[%add3A_211, %dma_start3A_226, %dma_start3A_227] : memref<200x1024x128xf32, #tpu.memory_space<hbm>> -> memref<1x1024x128xf32, #tpu.memory_space<hbm>>
      %dma_start3A_229 = tpu.memref_squeeze %dma_start3A_228 : memref<1x1024x128xf32, #tpu.memory_space<hbm>> -> memref<1024x128xf32, #tpu.memory_space<hbm>>
      %dma_start3A_230 = arith.constant 0 : i32
      %dma_start3A_231 = tpu.memref_slice %dma_start3A_229[%mul3A_215, %dma_start3A_230] : memref<1024x128xf32, #tpu.memory_space<hbm>> -> memref<128x64xf32, #tpu.memory_space<hbm>>
      %dma_start3A_232 = arith.constant 0 : i32
      %dma_start3A_233 = arith.constant 0 : i32
      %dma_start3A_234 = tpu.memref_slice %arg10[%rem3A_174, %dma_start3A_232, %dma_start3A_233] : memref<2x128x64xf32, #tpu.memory_space<vmem>> -> memref<1x128x64xf32, #tpu.memory_space<vmem>>
      %dma_start3A_235 = tpu.memref_squeeze %dma_start3A_234 : memref<1x128x64xf32, #tpu.memory_space<vmem>> -> memref<128x64xf32, #tpu.memory_space<vmem>>
      tpu.enqueue_dma source(%dma_start3A_235 : memref<128x64xf32, #tpu.memory_space<vmem>>) target(%dma_start3A_231 : memref<128x64xf32, #tpu.memory_space<hbm>>) target_semaphore(%arg12 : memref<!tpu.dma_semaphore, #tpu.memory_space<semaphore_mem>>)
    }
    %sub3A_142 = arith.constant 1 : i32
    %sub3A_143 = arith.subi %select_n3A_10, %sub3A_142 : i32
    %rem3A_144 = arith.constant 2 : i32
    %rem3A_145 = arith.remsi %sub3A_143, %rem3A_144 : i32
    %dma_wait3A_146 = arith.constant 0 : i32
    %dma_wait3A_147 = arith.constant 0 : i32
    %dma_wait3A_148 = arith.constant 0 : i32
    %dma_wait3A_149 = tpu.memref_slice %arg10[%rem3A_145, %dma_wait3A_147, %dma_wait3A_148] : memref<2x128x64xf32, #tpu.memory_space<vmem>> -> memref<1x128x64xf32, #tpu.memory_space<vmem>>
    %dma_wait3A_150 = tpu.memref_squeeze %dma_wait3A_149 : memref<1x128x64xf32, #tpu.memory_space<vmem>> -> memref<128x64xf32, #tpu.memory_space<vmem>>
    %dma_wait3A_151 = arith.constant 0 : i32
    %dma_wait3A_152 = arith.constant 0 : i32
    %dma_wait3A_153 = tpu.memref_slice %arg8[%dma_wait3A_146, %dma_wait3A_151, %dma_wait3A_152] : memref<200x1024x128xf32, #tpu.memory_space<hbm>> -> memref<1x1024x128xf32, #tpu.memory_space<hbm>>
    %dma_wait3A_154 = tpu.memref_squeeze %dma_wait3A_153 : memref<1x1024x128xf32, #tpu.memory_space<hbm>> -> memref<1024x128xf32, #tpu.memory_space<hbm>>
    %dma_wait3A_155 = arith.constant 0 : i32
    %dma_wait3A_156 = arith.constant 0 : i32
    %dma_wait3A_157 = tpu.memref_slice %dma_wait3A_154[%dma_wait3A_155, %dma_wait3A_156] : memref<1024x128xf32, #tpu.memory_space<hbm>> -> memref<128x64xf32, #tpu.memory_space<hbm>>
    %dma_wait3A_158 = arith.constant 0 : i32
    %dma_wait3A_159 = arith.constant 0 : i32
    %dma_wait3A_160 = tpu.memref_slice %arg8[%dma_wait3A_146, %dma_wait3A_158, %dma_wait3A_159] : memref<200x1024x128xf32, #tpu.memory_space<hbm>> -> memref<1x1024x128xf32, #tpu.memory_space<hbm>>
    %dma_wait3A_161 = tpu.memref_squeeze %dma_wait3A_160 : memref<1x1024x128xf32, #tpu.memory_space<hbm>> -> memref<1024x128xf32, #tpu.memory_space<hbm>>
    %dma_wait3A_162 = arith.constant 0 : i32
    %dma_wait3A_163 = arith.constant 0 : i32
    %dma_wait3A_164 = tpu.memref_slice %dma_wait3A_161[%dma_wait3A_162, %dma_wait3A_163] : memref<1024x128xf32, #tpu.memory_space<hbm>> -> memref<128x64xf32, #tpu.memory_space<hbm>>
    %dma_wait3A_165 = arith.constant 0 : i32
    %dma_wait3A_166 = arith.constant 0 : i32
    %dma_wait3A_167 = tpu.memref_slice %arg10[%rem3A_145, %dma_wait3A_165, %dma_wait3A_166] : memref<2x128x64xf32, #tpu.memory_space<vmem>> -> memref<1x128x64xf32, #tpu.memory_space<vmem>>
    %dma_wait3A_168 = tpu.memref_squeeze %dma_wait3A_167 : memref<1x128x64xf32, #tpu.memory_space<vmem>> -> memref<128x64xf32, #tpu.memory_space<vmem>>
    tpu.wait_dma2 semaphore(%arg12 : memref<!tpu.dma_semaphore, #tpu.memory_space<semaphore_mem>>) src(%dma_wait3A_168 : memref<128x64xf32, #tpu.memory_space<vmem>>) dst(%dma_wait3A_164 : memref<128x64xf32, #tpu.memory_space<hbm>>)
    %eq3A_169 = arith.constant 0 : i32
    %eq3A_170 = arith.cmpi eq, %add3A, %eq3A_169 : i32
    %convert_element_type3A = arith.extui %eq3A_170 : i1 to i32
    %cond3A = arith.constant 0 : i32
    %cond3A_171 = arith.cmpi ne, %convert_element_type3A, %cond3A : i32
    scf.if %cond3A_171 {
      %run_scoped3A_172 = arith.constant 0 : i32
      "tpu.region"() ({
        %run_scoped3A_174 = tpu.sem_alloc : memref<!tpu.dma_semaphore, #tpu.memory_space<semaphore_mem>>
        %dma_start3A_175 = arith.constant 0 : i32
        %dma_start3A_176 = arith.constant 0 : i32
        %dma_start3A_177 = tpu.memref_slice %arg7[%run_scoped3A_172, %dma_start3A_175, %dma_start3A_176] : memref<200x1024x128xf32, #tpu.memory_space<hbm>> -> memref<1x1024x128xf32, #tpu.memory_space<hbm>>
        %dma_start3A_178 = tpu.memref_squeeze %dma_start3A_177 : memref<1x1024x128xf32, #tpu.memory_space<hbm>> -> memref<1024x128xf32, #tpu.memory_space<hbm>>
        %dma_start3A_179 = arith.constant 0 : i32
        %dma_start3A_180 = arith.constant 0 : i32
        %dma_start3A_181 = tpu.memref_slice %dma_start3A_178[%dma_start3A_179, %dma_start3A_180] : memref<1024x128xf32, #tpu.memory_space<hbm>> -> memref<1024x64xf32, #tpu.memory_space<hbm>>
        tpu.enqueue_dma source(%arg6 : memref<1024x64xf32, #tpu.memory_space<hbm>>) target(%dma_start3A_181 : memref<1024x64xf32, #tpu.memory_space<hbm>>) target_semaphore(%run_scoped3A_174 : memref<!tpu.dma_semaphore, #tpu.memory_space<semaphore_mem>>)
        %dma_wait3A_182 = arith.constant 0 : i32
        %dma_wait3A_183 = arith.constant 0 : i32
        %dma_wait3A_184 = tpu.memref_slice %arg7[%run_scoped3A_172, %dma_wait3A_182, %dma_wait3A_183] : memref<200x1024x128xf32, #tpu.memory_space<hbm>> -> memref<1x1024x128xf32, #tpu.memory_space<hbm>>
        %dma_wait3A_185 = tpu.memref_squeeze %dma_wait3A_184 : memref<1x1024x128xf32, #tpu.memory_space<hbm>> -> memref<1024x128xf32, #tpu.memory_space<hbm>>
        %dma_wait3A_186 = arith.constant 0 : i32
        %dma_wait3A_187 = arith.constant 0 : i32
        %dma_wait3A_188 = tpu.memref_slice %dma_wait3A_185[%dma_wait3A_186, %dma_wait3A_187] : memref<1024x128xf32, #tpu.memory_space<hbm>> -> memref<1024x64xf32, #tpu.memory_space<hbm>>
        tpu.wait_dma2 semaphore(%run_scoped3A_174 : memref<!tpu.dma_semaphore, #tpu.memory_space<semaphore_mem>>) src(%arg6 : memref<1024x64xf32, #tpu.memory_space<hbm>>) dst(%dma_wait3A_188 : memref<1024x64xf32, #tpu.memory_space<hbm>>)
        tpu.yield
      }) : () -> ()
      %run_scoped3A_173 = arith.constant 0 : i32
      "tpu.region"() ({
        %run_scoped3A_174 = tpu.sem_alloc : memref<!tpu.dma_semaphore, #tpu.memory_space<semaphore_mem>>
        %dma_start3A_175 = arith.constant 0 : i32
        %dma_start3A_176 = arith.constant 0 : i32
        %dma_start3A_177 = tpu.memref_slice %arg8[%run_scoped3A_173, %dma_start3A_175, %dma_start3A_176] : memref<200x1024x128xf32, #tpu.memory_space<hbm>> -> memref<1x1024x128xf32, #tpu.memory_space<hbm>>
        %dma_start3A_178 = tpu.memref_squeeze %dma_start3A_177 : memref<1x1024x128xf32, #tpu.memory_space<hbm>> -> memref<1024x128xf32, #tpu.memory_space<hbm>>
        %dma_start3A_179 = arith.constant 0 : i32
        %dma_start3A_180 = arith.constant 0 : i32
        %dma_start3A_181 = tpu.memref_slice %dma_start3A_178[%dma_start3A_179, %dma_start3A_180] : memref<1024x128xf32, #tpu.memory_space<hbm>> -> memref<1024x64xf32, #tpu.memory_space<hbm>>
        tpu.enqueue_dma source(%arg6 : memref<1024x64xf32, #tpu.memory_space<hbm>>) target(%dma_start3A_181 : memref<1024x64xf32, #tpu.memory_space<hbm>>) target_semaphore(%run_scoped3A_174 : memref<!tpu.dma_semaphore, #tpu.memory_space<semaphore_mem>>)
        %dma_wait3A_182 = arith.constant 0 : i32
        %dma_wait3A_183 = arith.constant 0 : i32
        %dma_wait3A_184 = tpu.memref_slice %arg8[%run_scoped3A_173, %dma_wait3A_182, %dma_wait3A_183] : memref<200x1024x128xf32, #tpu.memory_space<hbm>> -> memref<1x1024x128xf32, #tpu.memory_space<hbm>>
        %dma_wait3A_185 = tpu.memref_squeeze %dma_wait3A_184 : memref<1x1024x128xf32, #tpu.memory_space<hbm>> -> memref<1024x128xf32, #tpu.memory_space<hbm>>
        %dma_wait3A_186 = arith.constant 0 : i32
        %dma_wait3A_187 = arith.constant 0 : i32
        %dma_wait3A_188 = tpu.memref_slice %dma_wait3A_185[%dma_wait3A_186, %dma_wait3A_187] : memref<1024x128xf32, #tpu.memory_space<hbm>> -> memref<1024x64xf32, #tpu.memory_space<hbm>>
        tpu.wait_dma2 semaphore(%run_scoped3A_174 : memref<!tpu.dma_semaphore, #tpu.memory_space<semaphore_mem>>) src(%arg6 : memref<1024x64xf32, #tpu.memory_space<hbm>>) dst(%dma_wait3A_188 : memref<1024x64xf32, #tpu.memory_space<hbm>>)
        tpu.yield
      }) : () -> ()
    } else {
    }
    return
  }
}

#map = affine_map<(d0, d1) -> (0, 0)>
#map1 = affine_map<(d0, d1) -> (0, 0, 0)>
module attributes {stable_mosaic.version = 14 : i64} {
  func.func @_body(%arg0: i32, %arg1: i32, %arg2: memref<1000000x64xf32, #tpu.memory_space<hbm>>, %arg3: memref<200x1024xi32, #tpu.memory_space<hbm>>, %arg4: memref<1000000x64xf32, #tpu.memory_space<hbm>>, %arg5: memref<200x1024xi32, #tpu.memory_space<hbm>>, %arg6: memref<1024x64xf32, #tpu.memory_space<hbm>>, %arg7: memref<200x1024x128xf32, #tpu.memory_space<hbm>>, %arg8: memref<200x1024x128xf32, #tpu.memory_space<hbm>>, %arg9: memref<2x8x1024xi32, #tpu.memory_space<vmem>>, %arg10: memref<2x128x64xf32, #tpu.memory_space<vmem>>, %arg11: memref<!tpu.dma_semaphore, #tpu.memory_space<semaphore_mem>>, %arg12: memref<!tpu.dma_semaphore, #tpu.memory_space<semaphore_mem>>) attributes {dimension_semantics = [#tpu.dimension_semantics<core_parallel>, #tpu.dimension_semantics<subcore_parallel>], iteration_bounds = array<i64: 2, 16>, scalar_prefetch = 0 : i64, scratch_operands = 4 : i64, tpu.core_type = #tpu.core_type<sc_vector_subcore>, window_params = [{transform_indices = #map}, {transform_indices = #map}, {transform_indices = #map}, {transform_indices = #map}, {transform_indices = #map}, {transform_indices = #map1}, {transform_indices = #map1}]} {
    %mul3A = arith.constant 2 : i32
    %mul3A_0 = arith.muli %arg1, %mul3A : i32
    %add3A = arith.addi %mul3A_0, %arg0 : i32
    %lt3A = arith.constant 24 : i32
    %lt3A_1 = arith.cmpi slt, %add3A, %lt3A : i32
    %mul3A_2 = arith.constant 6 : i32
    %mul3A_3 = arith.muli %mul3A_2, %add3A : i32
    %mul3A_4 = arith.constant 7 : i32
    %mul3A_5 = arith.muli %mul3A_4, %add3A : i32
    %sub3A = arith.constant 24 : i32
    %sub3A_6 = arith.subi %mul3A_5, %sub3A : i32
    %select_n3A = arith.select %lt3A_1, %mul3A_3, %sub3A_6 : i32
    %lt3A_7 = arith.constant 24 : i32
    %lt3A_8 = arith.cmpi slt, %add3A, %lt3A_7 : i32
    %jit3A = arith.constant 48 : i32
    %jit3A_9 = arith.constant 56 : i32
    %select_n3A_10 = arith.select %lt3A_8, %jit3A, %jit3A_9 : i32
    %eq3A = arith.constant 0 : i32
    %eq3A_11 = arith.cmpi eq, %add3A, %eq3A : i32
    %jit3A_12 = arith.constant 8 : i32
    %jit3A_13 = arith.constant 0 : i32
    %select_n3A_14 = arith.select %eq3A_11, %jit3A_12, %jit3A_13 : i32
    %sub3A_15 = arith.constant 1 : i32
    %sub3A_16 = arith.subi %select_n3A, %sub3A_15 : i32
    %jit3A_17 = arith.constant 0 : i32
    %jit3A_18 = arith.constant 192 : i32
    %max3A = arith.maxsi %jit3A_17, %sub3A_16 : i32
    %min3A = arith.minsi %jit3A_18, %max3A : i32
    %sub3A_19 = arith.constant 1 : i32
    %sub3A_20 = arith.subi %select_n3A, %sub3A_19 : i32
    %sub3A_21 = arith.subi %sub3A_20, %min3A : i32
    %run_scoped3A = arith.constant 0 : i32
    "tpu.region"() ({
      %run_scoped3A_172 = tpu.sem_alloc : memref<!tpu.dma_semaphore, #tpu.memory_space<semaphore_mem>>
      %dma_start3A_173 = arith.constant 0 : i32
      %dma_start3A_174 = arith.constant 0 : i32
      %dma_start3A_175 = tpu.memref_slice %arg9[%run_scoped3A, %dma_start3A_173, %dma_start3A_174] : memref<2x8x1024xi32, #tpu.memory_space<vmem>> -> memref<1x8x1024xi32, #tpu.memory_space<vmem>>
      %dma_start3A_176 = tpu.memref_squeeze %dma_start3A_175 : memref<1x8x1024xi32, #tpu.memory_space<vmem>> -> memref<8x1024xi32, #tpu.memory_space<vmem>>
      %dma_start3A_177 = arith.constant 0 : i32
      %dma_start3A_178 = tpu.memref_slice %arg3[%min3A, %dma_start3A_177] : memref<200x1024xi32, #tpu.memory_space<hbm>> -> memref<8x1024xi32, #tpu.memory_space<hbm>>
      %dma_start3A_179 = arith.constant 0 : i32
      %dma_start3A_180 = arith.constant 0 : i32
      %dma_start3A_181 = tpu.memref_slice %arg9[%run_scoped3A, %dma_start3A_179, %dma_start3A_180] : memref<2x8x1024xi32, #tpu.memory_space<vmem>> -> memref<1x8x1024xi32, #tpu.memory_space<vmem>>
      %dma_start3A_182 = tpu.memref_squeeze %dma_start3A_181 : memref<1x8x1024xi32, #tpu.memory_space<vmem>> -> memref<8x1024xi32, #tpu.memory_space<vmem>>
      %dma_start3A_183 = arith.constant 0 : i32
      %dma_start3A_184 = tpu.memref_slice %arg3[%min3A, %dma_start3A_183] : memref<200x1024xi32, #tpu.memory_space<hbm>> -> memref<8x1024xi32, #tpu.memory_space<hbm>>
      tpu.enqueue_dma source(%dma_start3A_184 : memref<8x1024xi32, #tpu.memory_space<hbm>>) target(%dma_start3A_182 : memref<8x1024xi32, #tpu.memory_space<vmem>>) target_semaphore(%run_scoped3A_172 : memref<!tpu.dma_semaphore, #tpu.memory_space<semaphore_mem>>)
      %dma_wait3A_185 = arith.constant 0 : i32
      %dma_wait3A_186 = arith.constant 0 : i32
      %dma_wait3A_187 = tpu.memref_slice %arg9[%run_scoped3A, %dma_wait3A_185, %dma_wait3A_186] : memref<2x8x1024xi32, #tpu.memory_space<vmem>> -> memref<1x8x1024xi32, #tpu.memory_space<vmem>>
      %dma_wait3A_188 = tpu.memref_squeeze %dma_wait3A_187 : memref<1x8x1024xi32, #tpu.memory_space<vmem>> -> memref<8x1024xi32, #tpu.memory_space<vmem>>
      %dma_wait3A_189 = arith.constant 0 : i32
      %dma_wait3A_190 = tpu.memref_slice %arg3[%min3A, %dma_wait3A_189] : memref<200x1024xi32, #tpu.memory_space<hbm>> -> memref<8x1024xi32, #tpu.memory_space<hbm>>
      %dma_wait3A_191 = arith.constant 0 : i32
      %dma_wait3A_192 = arith.constant 0 : i32
      %dma_wait3A_193 = tpu.memref_slice %arg9[%run_scoped3A, %dma_wait3A_191, %dma_wait3A_192] : memref<2x8x1024xi32, #tpu.memory_space<vmem>> -> memref<1x8x1024xi32, #tpu.memory_space<vmem>>
      %dma_wait3A_194 = tpu.memref_squeeze %dma_wait3A_193 : memref<1x8x1024xi32, #tpu.memory_space<vmem>> -> memref<8x1024xi32, #tpu.memory_space<vmem>>
      %dma_wait3A_195 = arith.constant 0 : i32
      %dma_wait3A_196 = tpu.memref_slice %arg3[%min3A, %dma_wait3A_195] : memref<200x1024xi32, #tpu.memory_space<hbm>> -> memref<8x1024xi32, #tpu.memory_space<hbm>>
      tpu.wait_dma2 semaphore(%run_scoped3A_172 : memref<!tpu.dma_semaphore, #tpu.memory_space<semaphore_mem>>) src(%dma_wait3A_196 : memref<8x1024xi32, #tpu.memory_space<hbm>>) dst(%dma_wait3A_194 : memref<8x1024xi32, #tpu.memory_space<vmem>>)
      tpu.yield
    }) : () -> ()
    %jit3A_22 = arith.constant 2 : i32
    %eq3A_23 = arith.constant 0 : i32
    %eq3A_24 = arith.cmpi eq, %jit3A_22, %eq3A_23 : i32
    %jit3A_25 = arith.constant 1 : i32
    %select_n3A_26 = arith.select %eq3A_24, %jit3A_25, %jit3A_22 : i32
    %rem3A = arith.remsi %select_n3A_14, %select_n3A_26 : i32
    %ne3A = arith.constant 0 : i32
    %ne3A_27 = arith.cmpi ne, %rem3A, %ne3A : i32
    %lt3A_28 = arith.constant 0 : i32
    %lt3A_29 = arith.cmpi slt, %rem3A, %lt3A_28 : i32
    %lt3A_30 = arith.constant 0 : i32
    %lt3A_31 = arith.cmpi slt, %select_n3A_26, %lt3A_30 : i32
    %ne3A_32 = arith.xori %lt3A_29, %lt3A_31 : i1
    %and3A = arith.andi %ne3A_32, %ne3A_27 : i1
    %add3A_33 = arith.addi %rem3A, %select_n3A_26 : i32
    %select_n3A_34 = arith.select %and3A, %add3A_33, %rem3A : i32
    %div3A = arith.constant 8 : i32
    %div3A_35 = arith.divsi %select_n3A_14, %div3A : i32
    %add3A_36 = arith.addi %div3A_35, %sub3A_21 : i32
    %rem3A_37 = arith.constant 8 : i32
    %rem3A_38 = arith.remsi %select_n3A_14, %rem3A_37 : i32
    %mul3A_39 = arith.constant 128 : i32
    %mul3A_40 = arith.muli %rem3A_38, %mul3A_39 : i32
    %dma_start3A = arith.constant 0 : i32
    %dma_start3A_41 = arith.constant 0 : i32
    %dma_start3A_42 = arith.constant 0 : i32
    %dma_start3A_43 = tpu.memref_slice %arg10[%select_n3A_34, %dma_start3A_41, %dma_start3A_42] : memref<2x128x64xf32, #tpu.memory_space<vmem>> -> memref<1x128x64xf32, #tpu.memory_space<vmem>>
    %dma_start3A_44 = tpu.memref_squeeze %dma_start3A_43 : memref<1x128x64xf32, #tpu.memory_space<vmem>> -> memref<128x64xf32, #tpu.memory_space<vmem>>
    %dma_start3A_45 = arith.constant 0 : i32
    %dma_start3A_46 = arith.constant 0 : i32
    %dma_start3A_47 = tpu.memref_slice %arg9[%dma_start3A, %dma_start3A_45, %dma_start3A_46] : memref<2x8x1024xi32, #tpu.memory_space<vmem>> -> memref<1x8x1024xi32, #tpu.memory_space<vmem>>
    %dma_start3A_48 = tpu.memref_squeeze %dma_start3A_47 : memref<1x8x1024xi32, #tpu.memory_space<vmem>> -> memref<8x1024xi32, #tpu.memory_space<vmem>>
    %dma_start3A_49 = arith.constant 0 : i32
    %dma_start3A_50 = tpu.memref_slice %dma_start3A_48[%add3A_36, %dma_start3A_49] : memref<8x1024xi32, #tpu.memory_space<vmem>> -> memref<1x1024xi32, #tpu.memory_space<vmem>>
    %dma_start3A_51 = tpu.memref_squeeze %dma_start3A_50 : memref<1x1024xi32, #tpu.memory_space<vmem>> -> memref<1024xi32, #tpu.memory_space<vmem>>
    %dma_start3A_52 = tpu.memref_slice %dma_start3A_51[%mul3A_40] : memref<1024xi32, #tpu.memory_space<vmem>> -> memref<128xi32, #tpu.memory_space<vmem>>
    %dma_start3A_53 = arith.constant 0 : i32
    %dma_start3A_54 = arith.constant 0 : i32
    %dma_start3A_55 = tpu.memref_slice %arg2[%dma_start3A_53, %dma_start3A_54] : memref<1000000x64xf32, #tpu.memory_space<hbm>> -> memref<1000000x64xf32, #tpu.memory_space<hbm>>
    tpu.enqueue_indirect_dma source(%dma_start3A_55 : memref<1000000x64xf32, #tpu.memory_space<hbm>>) target(%dma_start3A_44 : memref<128x64xf32, #tpu.memory_space<vmem>>) offsets(%dma_start3A_52 : memref<128xi32, #tpu.memory_space<vmem>>) semaphore(%arg11 : memref<!tpu.dma_semaphore, #tpu.memory_space<semaphore_mem>>)
    %while3A = arith.constant 0 : i32
    %while3A_56 = arith.subi %select_n3A_10, %select_n3A_14 : i32
    %while3A_57 = arith.addi %select_n3A_14, %while3A_56 : i32
    %while3A_58 = arith.constant 1 : i32
    %while3A_59 = arith.divsi %while3A_56, %while3A_58 : i32
    %while3A_60 = arith.muli %while3A_59, %while3A_58 : i32
    %while3A_61 = arith.addi %select_n3A_14, %while3A_60 : i32
    %while3A_62 = arith.constant 1 : i32
    scf.for %while3A_172 = %select_n3A_14 to %while3A_61 step %while3A_62  : i32 {
      %rem3A_173 = arith.constant 2 : i32
      %rem3A_174 = arith.remsi %while3A_172, %rem3A_173 : i32
      %add3A_175 = arith.constant 1 : i32
      %add3A_176 = arith.addi %select_n3A_14, %add3A_175 : i32
      %ge3A = arith.cmpi sge, %while3A_172, %add3A_176 : i32
      %convert_element_type3A_177 = arith.extui %ge3A : i1 to i32
      %cond3A_178 = arith.constant 0 : i32
      %cond3A_179 = arith.cmpi ne, %convert_element_type3A_177, %cond3A_178 : i32
      scf.if %cond3A_179 {
        %sub3A_236 = arith.constant 1 : i32
        %sub3A_237 = arith.subi %while3A_172, %sub3A_236 : i32
        %rem3A_238 = arith.constant 2 : i32
        %rem3A_239 = arith.remsi %sub3A_237, %rem3A_238 : i32
        %dma_wait3A_240 = arith.constant 0 : i32
        %dma_wait3A_241 = arith.constant 0 : i32
        %dma_wait3A_242 = arith.constant 0 : i32
        %dma_wait3A_243 = tpu.memref_slice %arg10[%rem3A_239, %dma_wait3A_241, %dma_wait3A_242] : memref<2x128x64xf32, #tpu.memory_space<vmem>> -> memref<1x128x64xf32, #tpu.memory_space<vmem>>
        %dma_wait3A_244 = tpu.memref_squeeze %dma_wait3A_243 : memref<1x128x64xf32, #tpu.memory_space<vmem>> -> memref<128x64xf32, #tpu.memory_space<vmem>>
        %dma_wait3A_245 = arith.constant 0 : i32
        %dma_wait3A_246 = arith.constant 0 : i32
        %dma_wait3A_247 = tpu.memref_slice %arg7[%dma_wait3A_240, %dma_wait3A_245, %dma_wait3A_246] : memref<200x1024x128xf32, #tpu.memory_space<hbm>> -> memref<1x1024x128xf32, #tpu.memory_space<hbm>>
        %dma_wait3A_248 = tpu.memref_squeeze %dma_wait3A_247 : memref<1x1024x128xf32, #tpu.memory_space<hbm>> -> memref<1024x128xf32, #tpu.memory_space<hbm>>
        %dma_wait3A_249 = arith.constant 0 : i32
        %dma_wait3A_250 = arith.constant 0 : i32
        %dma_wait3A_251 = tpu.memref_slice %dma_wait3A_248[%dma_wait3A_249, %dma_wait3A_250] : memref<1024x128xf32, #tpu.memory_space<hbm>> -> memref<128x64xf32, #tpu.memory_space<hbm>>
        %dma_wait3A_252 = arith.constant 0 : i32
        %dma_wait3A_253 = arith.constant 0 : i32
        %dma_wait3A_254 = tpu.memref_slice %arg7[%dma_wait3A_240, %dma_wait3A_252, %dma_wait3A_253] : memref<200x1024x128xf32, #tpu.memory_space<hbm>> -> memref<1x1024x128xf32, #tpu.memory_space<hbm>>
        %dma_wait3A_255 = tpu.memref_squeeze %dma_wait3A_254 : memref<1x1024x128xf32, #tpu.memory_space<hbm>> -> memref<1024x128xf32, #tpu.memory_space<hbm>>
        %dma_wait3A_256 = arith.constant 0 : i32
        %dma_wait3A_257 = arith.constant 0 : i32
        %dma_wait3A_258 = tpu.memref_slice %dma_wait3A_255[%dma_wait3A_256, %dma_wait3A_257] : memref<1024x128xf32, #tpu.memory_space<hbm>> -> memref<128x64xf32, #tpu.memory_space<hbm>>
        %dma_wait3A_259 = arith.constant 0 : i32
        %dma_wait3A_260 = arith.constant 0 : i32
        %dma_wait3A_261 = tpu.memref_slice %arg10[%rem3A_239, %dma_wait3A_259, %dma_wait3A_260] : memref<2x128x64xf32, #tpu.memory_space<vmem>> -> memref<1x128x64xf32, #tpu.memory_space<vmem>>
        %dma_wait3A_262 = tpu.memref_squeeze %dma_wait3A_261 : memref<1x128x64xf32, #tpu.memory_space<vmem>> -> memref<128x64xf32, #tpu.memory_space<vmem>>
        tpu.wait_dma2 semaphore(%arg12 : memref<!tpu.dma_semaphore, #tpu.memory_space<semaphore_mem>>) src(%dma_wait3A_262 : memref<128x64xf32, #tpu.memory_space<vmem>>) dst(%dma_wait3A_258 : memref<128x64xf32, #tpu.memory_space<hbm>>)
      } else {
      }
      %add3A_180 = arith.constant 1 : i32
      %add3A_181 = arith.addi %while3A_172, %add3A_180 : i32
      %lt3A_182 = arith.cmpi slt, %add3A_181, %select_n3A_10 : i32
      %convert_element_type3A_183 = arith.extui %lt3A_182 : i1 to i32
      %cond3A_184 = arith.constant 0 : i32
      %cond3A_185 = arith.cmpi ne, %convert_element_type3A_183, %cond3A_184 : i32
      scf.if %cond3A_185 {
        %add3A_236 = arith.constant 1 : i32
        %add3A_237 = arith.addi %while3A_172, %add3A_236 : i32
        %add3A_238 = arith.constant 1 : i32
        %add3A_239 = arith.addi %while3A_172, %add3A_238 : i32
        %rem3A_240 = arith.constant 2 : i32
        %rem3A_241 = arith.remsi %add3A_239, %rem3A_240 : i32
        %div3A_242 = arith.constant 8 : i32
        %div3A_243 = arith.divsi %add3A_237, %div3A_242 : i32
        %add3A_244 = arith.addi %div3A_243, %sub3A_21 : i32
        %rem3A_245 = arith.constant 8 : i32
        %rem3A_246 = arith.remsi %add3A_237, %rem3A_245 : i32
        %mul3A_247 = arith.constant 128 : i32
        %mul3A_248 = arith.muli %rem3A_246, %mul3A_247 : i32
        %dma_start3A_249 = arith.constant 0 : i32
        %dma_start3A_250 = arith.constant 0 : i32
        %dma_start3A_251 = arith.constant 0 : i32
        %dma_start3A_252 = tpu.memref_slice %arg10[%rem3A_241, %dma_start3A_250, %dma_start3A_251] : memref<2x128x64xf32, #tpu.memory_space<vmem>> -> memref<1x128x64xf32, #tpu.memory_space<vmem>>
        %dma_start3A_253 = tpu.memref_squeeze %dma_start3A_252 : memref<1x128x64xf32, #tpu.memory_space<vmem>> -> memref<128x64xf32, #tpu.memory_space<vmem>>
        %dma_start3A_254 = arith.constant 0 : i32
        %dma_start3A_255 = arith.constant 0 : i32
        %dma_start3A_256 = tpu.memref_slice %arg9[%dma_start3A_249, %dma_start3A_254, %dma_start3A_255] : memref<2x8x1024xi32, #tpu.memory_space<vmem>> -> memref<1x8x1024xi32, #tpu.memory_space<vmem>>
        %dma_start3A_257 = tpu.memref_squeeze %dma_start3A_256 : memref<1x8x1024xi32, #tpu.memory_space<vmem>> -> memref<8x1024xi32, #tpu.memory_space<vmem>>
        %dma_start3A_258 = arith.constant 0 : i32
        %dma_start3A_259 = tpu.memref_slice %dma_start3A_257[%add3A_244, %dma_start3A_258] : memref<8x1024xi32, #tpu.memory_space<vmem>> -> memref<1x1024xi32, #tpu.memory_space<vmem>>
        %dma_start3A_260 = tpu.memref_squeeze %dma_start3A_259 : memref<1x1024xi32, #tpu.memory_space<vmem>> -> memref<1024xi32, #tpu.memory_space<vmem>>
        %dma_start3A_261 = tpu.memref_slice %dma_start3A_260[%mul3A_248] : memref<1024xi32, #tpu.memory_space<vmem>> -> memref<128xi32, #tpu.memory_space<vmem>>
        %dma_start3A_262 = arith.constant 0 : i32
        %dma_start3A_263 = arith.constant 0 : i32
        %dma_start3A_264 = tpu.memref_slice %arg2[%dma_start3A_262, %dma_start3A_263] : memref<1000000x64xf32, #tpu.memory_space<hbm>> -> memref<1000000x64xf32, #tpu.memory_space<hbm>>
        tpu.enqueue_indirect_dma source(%dma_start3A_264 : memref<1000000x64xf32, #tpu.memory_space<hbm>>) target(%dma_start3A_253 : memref<128x64xf32, #tpu.memory_space<vmem>>) offsets(%dma_start3A_261 : memref<128xi32, #tpu.memory_space<vmem>>) semaphore(%arg11 : memref<!tpu.dma_semaphore, #tpu.memory_space<semaphore_mem>>)
      } else {
      }
      %dma_wait3A_186 = arith.constant 0 : i32
      %dma_wait3A_187 = arith.constant 0 : i32
      %dma_wait3A_188 = arith.constant 0 : i32
      %dma_wait3A_189 = tpu.memref_slice %arg10[%rem3A_174, %dma_wait3A_187, %dma_wait3A_188] : memref<2x128x64xf32, #tpu.memory_space<vmem>> -> memref<1x128x64xf32, #tpu.memory_space<vmem>>
      %dma_wait3A_190 = tpu.memref_squeeze %dma_wait3A_189 : memref<1x128x64xf32, #tpu.memory_space<vmem>> -> memref<128x64xf32, #tpu.memory_space<vmem>>
      %dma_wait3A_191 = arith.constant 0 : i32
      %dma_wait3A_192 = arith.constant 0 : i32
      %dma_wait3A_193 = tpu.memref_slice %arg7[%dma_wait3A_186, %dma_wait3A_191, %dma_wait3A_192] : memref<200x1024x128xf32, #tpu.memory_space<hbm>> -> memref<1x1024x128xf32, #tpu.memory_space<hbm>>
      %dma_wait3A_194 = tpu.memref_squeeze %dma_wait3A_193 : memref<1x1024x128xf32, #tpu.memory_space<hbm>> -> memref<1024x128xf32, #tpu.memory_space<hbm>>
      %dma_wait3A_195 = arith.constant 0 : i32
      %dma_wait3A_196 = arith.constant 0 : i32
      %dma_wait3A_197 = tpu.memref_slice %dma_wait3A_194[%dma_wait3A_195, %dma_wait3A_196] : memref<1024x128xf32, #tpu.memory_space<hbm>> -> memref<128x64xf32, #tpu.memory_space<hbm>>
      %dma_wait3A_198 = arith.constant 0 : i32
      %dma_wait3A_199 = arith.constant 0 : i32
      %dma_wait3A_200 = tpu.memref_slice %arg10[%rem3A_174, %dma_wait3A_198, %dma_wait3A_199] : memref<2x128x64xf32, #tpu.memory_space<vmem>> -> memref<1x128x64xf32, #tpu.memory_space<vmem>>
      %dma_wait3A_201 = tpu.memref_squeeze %dma_wait3A_200 : memref<1x128x64xf32, #tpu.memory_space<vmem>> -> memref<128x64xf32, #tpu.memory_space<vmem>>
      %dma_wait3A_202 = arith.constant 0 : i32
      %dma_wait3A_203 = arith.constant 0 : i32
      %dma_wait3A_204 = tpu.memref_slice %arg7[%dma_wait3A_186, %dma_wait3A_202, %dma_wait3A_203] : memref<200x1024x128xf32, #tpu.memory_space<hbm>> -> memref<1x1024x128xf32, #tpu.memory_space<hbm>>
      %dma_wait3A_205 = tpu.memref_squeeze %dma_wait3A_204 : memref<1x1024x128xf32, #tpu.memory_space<hbm>> -> memref<1024x128xf32, #tpu.memory_space<hbm>>
      %dma_wait3A_206 = arith.constant 0 : i32
      %dma_wait3A_207 = arith.constant 0 : i32
      %dma_wait3A_208 = tpu.memref_slice %dma_wait3A_205[%dma_wait3A_206, %dma_wait3A_207] : memref<1024x128xf32, #tpu.memory_space<hbm>> -> memref<128x64xf32, #tpu.memory_space<hbm>>
      tpu.wait_dma2 semaphore(%arg11 : memref<!tpu.dma_semaphore, #tpu.memory_space<semaphore_mem>>) src(%dma_wait3A_208 : memref<128x64xf32, #tpu.memory_space<hbm>>) dst(%dma_wait3A_201 : memref<128x64xf32, #tpu.memory_space<vmem>>)
      %div3A_209 = arith.constant 8 : i32
      %div3A_210 = arith.divsi %while3A_172, %div3A_209 : i32
      %add3A_211 = arith.addi %select_n3A, %div3A_210 : i32
      %rem3A_212 = arith.constant 8 : i32
      %rem3A_213 = arith.remsi %while3A_172, %rem3A_212 : i32
      %mul3A_214 = arith.constant 128 : i32
      %mul3A_215 = arith.muli %rem3A_213, %mul3A_214 : i32
      %dma_start3A_216 = arith.constant 0 : i32
      %dma_start3A_217 = arith.constant 0 : i32
      %dma_start3A_218 = tpu.memref_slice %arg10[%rem3A_174, %dma_start3A_216, %dma_start3A_217] : memref<2x128x64xf32, #tpu.memory_space<vmem>> -> memref<1x128x64xf32, #tpu.memory_space<vmem>>
      %dma_start3A_219 = tpu.memref_squeeze %dma_start3A_218 : memref<1x128x64xf32, #tpu.memory_space<vmem>> -> memref<128x64xf32, #tpu.memory_space<vmem>>
      %dma_start3A_220 = arith.constant 0 : i32
      %dma_start3A_221 = arith.constant 0 : i32
      %dma_start3A_222 = tpu.memref_slice %arg7[%add3A_211, %dma_start3A_220, %dma_start3A_221] : memref<200x1024x128xf32, #tpu.memory_space<hbm>> -> memref<1x1024x128xf32, #tpu.memory_space<hbm>>
      %dma_start3A_223 = tpu.memref_squeeze %dma_start3A_222 : memref<1x1024x128xf32, #tpu.memory_space<hbm>> -> memref<1024x128xf32, #tpu.memory_space<hbm>>
      %dma_start3A_224 = arith.constant 0 : i32
      %dma_start3A_225 = tpu.memref_slice %dma_start3A_223[%mul3A_215, %dma_start3A_224] : memref<1024x128xf32, #tpu.memory_space<hbm>> -> memref<128x64xf32, #tpu.memory_space<hbm>>
      %dma_start3A_226 = arith.constant 0 : i32
      %dma_start3A_227 = arith.constant 0 : i32
      %dma_start3A_228 = tpu.memref_slice %arg7[%add3A_211, %dma_start3A_226, %dma_start3A_227] : memref<200x1024x128xf32, #tpu.memory_space<hbm>> -> memref<1x1024x128xf32, #tpu.memory_space<hbm>>
      %dma_start3A_229 = tpu.memref_squeeze %dma_start3A_228 : memref<1x1024x128xf32, #tpu.memory_space<hbm>> -> memref<1024x128xf32, #tpu.memory_space<hbm>>
      %dma_start3A_230 = arith.constant 0 : i32
      %dma_start3A_231 = tpu.memref_slice %dma_start3A_229[%mul3A_215, %dma_start3A_230] : memref<1024x128xf32, #tpu.memory_space<hbm>> -> memref<128x64xf32, #tpu.memory_space<hbm>>
      %dma_start3A_232 = arith.constant 0 : i32
      %dma_start3A_233 = arith.constant 0 : i32
      %dma_start3A_234 = tpu.memref_slice %arg10[%rem3A_174, %dma_start3A_232, %dma_start3A_233] : memref<2x128x64xf32, #tpu.memory_space<vmem>> -> memref<1x128x64xf32, #tpu.memory_space<vmem>>
      %dma_start3A_235 = tpu.memref_squeeze %dma_start3A_234 : memref<1x128x64xf32, #tpu.memory_space<vmem>> -> memref<128x64xf32, #tpu.memory_space<vmem>>
      tpu.enqueue_dma source(%dma_start3A_235 : memref<128x64xf32, #tpu.memory_space<vmem>>) target(%dma_start3A_231 : memref<128x64xf32, #tpu.memory_space<hbm>>) target_semaphore(%arg12 : memref<!tpu.dma_semaphore, #tpu.memory_space<semaphore_mem>>)
    }
    %while3A_63 = arith.constant 1 : i32
    scf.for %while3A_172 = %while3A_61 to %while3A_57 step %while3A_63  : i32 {
      %rem3A_173 = arith.constant 2 : i32
      %rem3A_174 = arith.remsi %while3A_172, %rem3A_173 : i32
      %add3A_175 = arith.constant 1 : i32
      %add3A_176 = arith.addi %select_n3A_14, %add3A_175 : i32
      %ge3A = arith.cmpi sge, %while3A_172, %add3A_176 : i32
      %convert_element_type3A_177 = arith.extui %ge3A : i1 to i32
      %cond3A_178 = arith.constant 0 : i32
      %cond3A_179 = arith.cmpi ne, %convert_element_type3A_177, %cond3A_178 : i32
      scf.if %cond3A_179 {
        %sub3A_236 = arith.constant 1 : i32
        %sub3A_237 = arith.subi %while3A_172, %sub3A_236 : i32
        %rem3A_238 = arith.constant 2 : i32
        %rem3A_239 = arith.remsi %sub3A_237, %rem3A_238 : i32
        %dma_wait3A_240 = arith.constant 0 : i32
        %dma_wait3A_241 = arith.constant 0 : i32
        %dma_wait3A_242 = arith.constant 0 : i32
        %dma_wait3A_243 = tpu.memref_slice %arg10[%rem3A_239, %dma_wait3A_241, %dma_wait3A_242] : memref<2x128x64xf32, #tpu.memory_space<vmem>> -> memref<1x128x64xf32, #tpu.memory_space<vmem>>
        %dma_wait3A_244 = tpu.memref_squeeze %dma_wait3A_243 : memref<1x128x64xf32, #tpu.memory_space<vmem>> -> memref<128x64xf32, #tpu.memory_space<vmem>>
        %dma_wait3A_245 = arith.constant 0 : i32
        %dma_wait3A_246 = arith.constant 0 : i32
        %dma_wait3A_247 = tpu.memref_slice %arg7[%dma_wait3A_240, %dma_wait3A_245, %dma_wait3A_246] : memref<200x1024x128xf32, #tpu.memory_space<hbm>> -> memref<1x1024x128xf32, #tpu.memory_space<hbm>>
        %dma_wait3A_248 = tpu.memref_squeeze %dma_wait3A_247 : memref<1x1024x128xf32, #tpu.memory_space<hbm>> -> memref<1024x128xf32, #tpu.memory_space<hbm>>
        %dma_wait3A_249 = arith.constant 0 : i32
        %dma_wait3A_250 = arith.constant 0 : i32
        %dma_wait3A_251 = tpu.memref_slice %dma_wait3A_248[%dma_wait3A_249, %dma_wait3A_250] : memref<1024x128xf32, #tpu.memory_space<hbm>> -> memref<128x64xf32, #tpu.memory_space<hbm>>
        %dma_wait3A_252 = arith.constant 0 : i32
        %dma_wait3A_253 = arith.constant 0 : i32
        %dma_wait3A_254 = tpu.memref_slice %arg7[%dma_wait3A_240, %dma_wait3A_252, %dma_wait3A_253] : memref<200x1024x128xf32, #tpu.memory_space<hbm>> -> memref<1x1024x128xf32, #tpu.memory_space<hbm>>
        %dma_wait3A_255 = tpu.memref_squeeze %dma_wait3A_254 : memref<1x1024x128xf32, #tpu.memory_space<hbm>> -> memref<1024x128xf32, #tpu.memory_space<hbm>>
        %dma_wait3A_256 = arith.constant 0 : i32
        %dma_wait3A_257 = arith.constant 0 : i32
        %dma_wait3A_258 = tpu.memref_slice %dma_wait3A_255[%dma_wait3A_256, %dma_wait3A_257] : memref<1024x128xf32, #tpu.memory_space<hbm>> -> memref<128x64xf32, #tpu.memory_space<hbm>>
        %dma_wait3A_259 = arith.constant 0 : i32
        %dma_wait3A_260 = arith.constant 0 : i32
        %dma_wait3A_261 = tpu.memref_slice %arg10[%rem3A_239, %dma_wait3A_259, %dma_wait3A_260] : memref<2x128x64xf32, #tpu.memory_space<vmem>> -> memref<1x128x64xf32, #tpu.memory_space<vmem>>
        %dma_wait3A_262 = tpu.memref_squeeze %dma_wait3A_261 : memref<1x128x64xf32, #tpu.memory_space<vmem>> -> memref<128x64xf32, #tpu.memory_space<vmem>>
        tpu.wait_dma2 semaphore(%arg12 : memref<!tpu.dma_semaphore, #tpu.memory_space<semaphore_mem>>) src(%dma_wait3A_262 : memref<128x64xf32, #tpu.memory_space<vmem>>) dst(%dma_wait3A_258 : memref<128x64xf32, #tpu.memory_space<hbm>>)
      } else {
      }
      %add3A_180 = arith.constant 1 : i32
      %add3A_181 = arith.addi %while3A_172, %add3A_180 : i32
      %lt3A_182 = arith.cmpi slt, %add3A_181, %select_n3A_10 : i32
      %convert_element_type3A_183 = arith.extui %lt3A_182 : i1 to i32
      %cond3A_184 = arith.constant 0 : i32
      %cond3A_185 = arith.cmpi ne, %convert_element_type3A_183, %cond3A_184 : i32
      scf.if %cond3A_185 {
        %add3A_236 = arith.constant 1 : i32
        %add3A_237 = arith.addi %while3A_172, %add3A_236 : i32
        %add3A_238 = arith.constant 1 : i32
        %add3A_239 = arith.addi %while3A_172, %add3A_238 : i32
        %rem3A_240 = arith.constant 2 : i32
        %rem3A_241 = arith.remsi %add3A_239, %rem3A_240 : i32
        %div3A_242 = arith.constant 8 : i32
        %div3A_243 = arith.divsi %add3A_237, %div3A_242 : i32
        %add3A_244 = arith.addi %div3A_243, %sub3A_21 : i32
        %rem3A_245 = arith.constant 8 : i32
        %rem3A_246 = arith.remsi %add3A_237, %rem3A_245 : i32
        %mul3A_247 = arith.constant 128 : i32
        %mul3A_248 = arith.muli %rem3A_246, %mul3A_247 : i32
        %dma_start3A_249 = arith.constant 0 : i32
        %dma_start3A_250 = arith.constant 0 : i32
        %dma_start3A_251 = arith.constant 0 : i32
        %dma_start3A_252 = tpu.memref_slice %arg10[%rem3A_241, %dma_start3A_250, %dma_start3A_251] : memref<2x128x64xf32, #tpu.memory_space<vmem>> -> memref<1x128x64xf32, #tpu.memory_space<vmem>>
        %dma_start3A_253 = tpu.memref_squeeze %dma_start3A_252 : memref<1x128x64xf32, #tpu.memory_space<vmem>> -> memref<128x64xf32, #tpu.memory_space<vmem>>
        %dma_start3A_254 = arith.constant 0 : i32
        %dma_start3A_255 = arith.constant 0 : i32
        %dma_start3A_256 = tpu.memref_slice %arg9[%dma_start3A_249, %dma_start3A_254, %dma_start3A_255] : memref<2x8x1024xi32, #tpu.memory_space<vmem>> -> memref<1x8x1024xi32, #tpu.memory_space<vmem>>
        %dma_start3A_257 = tpu.memref_squeeze %dma_start3A_256 : memref<1x8x1024xi32, #tpu.memory_space<vmem>> -> memref<8x1024xi32, #tpu.memory_space<vmem>>
        %dma_start3A_258 = arith.constant 0 : i32
        %dma_start3A_259 = tpu.memref_slice %dma_start3A_257[%add3A_244, %dma_start3A_258] : memref<8x1024xi32, #tpu.memory_space<vmem>> -> memref<1x1024xi32, #tpu.memory_space<vmem>>
        %dma_start3A_260 = tpu.memref_squeeze %dma_start3A_259 : memref<1x1024xi32, #tpu.memory_space<vmem>> -> memref<1024xi32, #tpu.memory_space<vmem>>
        %dma_start3A_261 = tpu.memref_slice %dma_start3A_260[%mul3A_248] : memref<1024xi32, #tpu.memory_space<vmem>> -> memref<128xi32, #tpu.memory_space<vmem>>
        %dma_start3A_262 = arith.constant 0 : i32
        %dma_start3A_263 = arith.constant 0 : i32
        %dma_start3A_264 = tpu.memref_slice %arg2[%dma_start3A_262, %dma_start3A_263] : memref<1000000x64xf32, #tpu.memory_space<hbm>> -> memref<1000000x64xf32, #tpu.memory_space<hbm>>
        tpu.enqueue_indirect_dma source(%dma_start3A_264 : memref<1000000x64xf32, #tpu.memory_space<hbm>>) target(%dma_start3A_253 : memref<128x64xf32, #tpu.memory_space<vmem>>) offsets(%dma_start3A_261 : memref<128xi32, #tpu.memory_space<vmem>>) semaphore(%arg11 : memref<!tpu.dma_semaphore, #tpu.memory_space<semaphore_mem>>)
      } else {
      }
      %dma_wait3A_186 = arith.constant 0 : i32
      %dma_wait3A_187 = arith.constant 0 : i32
      %dma_wait3A_188 = arith.constant 0 : i32
      %dma_wait3A_189 = tpu.memref_slice %arg10[%rem3A_174, %dma_wait3A_187, %dma_wait3A_188] : memref<2x128x64xf32, #tpu.memory_space<vmem>> -> memref<1x128x64xf32, #tpu.memory_space<vmem>>
      %dma_wait3A_190 = tpu.memref_squeeze %dma_wait3A_189 : memref<1x128x64xf32, #tpu.memory_space<vmem>> -> memref<128x64xf32, #tpu.memory_space<vmem>>
      %dma_wait3A_191 = arith.constant 0 : i32
      %dma_wait3A_192 = arith.constant 0 : i32
      %dma_wait3A_193 = tpu.memref_slice %arg7[%dma_wait3A_186, %dma_wait3A_191, %dma_wait3A_192] : memref<200x1024x128xf32, #tpu.memory_space<hbm>> -> memref<1x1024x128xf32, #tpu.memory_space<hbm>>
      %dma_wait3A_194 = tpu.memref_squeeze %dma_wait3A_193 : memref<1x1024x128xf32, #tpu.memory_space<hbm>> -> memref<1024x128xf32, #tpu.memory_space<hbm>>
      %dma_wait3A_195 = arith.constant 0 : i32
      %dma_wait3A_196 = arith.constant 0 : i32
      %dma_wait3A_197 = tpu.memref_slice %dma_wait3A_194[%dma_wait3A_195, %dma_wait3A_196] : memref<1024x128xf32, #tpu.memory_space<hbm>> -> memref<128x64xf32, #tpu.memory_space<hbm>>
      %dma_wait3A_198 = arith.constant 0 : i32
      %dma_wait3A_199 = arith.constant 0 : i32
      %dma_wait3A_200 = tpu.memref_slice %arg10[%rem3A_174, %dma_wait3A_198, %dma_wait3A_199] : memref<2x128x64xf32, #tpu.memory_space<vmem>> -> memref<1x128x64xf32, #tpu.memory_space<vmem>>
      %dma_wait3A_201 = tpu.memref_squeeze %dma_wait3A_200 : memref<1x128x64xf32, #tpu.memory_space<vmem>> -> memref<128x64xf32, #tpu.memory_space<vmem>>
      %dma_wait3A_202 = arith.constant 0 : i32
      %dma_wait3A_203 = arith.constant 0 : i32
      %dma_wait3A_204 = tpu.memref_slice %arg7[%dma_wait3A_186, %dma_wait3A_202, %dma_wait3A_203] : memref<200x1024x128xf32, #tpu.memory_space<hbm>> -> memref<1x1024x128xf32, #tpu.memory_space<hbm>>
      %dma_wait3A_205 = tpu.memref_squeeze %dma_wait3A_204 : memref<1x1024x128xf32, #tpu.memory_space<hbm>> -> memref<1024x128xf32, #tpu.memory_space<hbm>>
      %dma_wait3A_206 = arith.constant 0 : i32
      %dma_wait3A_207 = arith.constant 0 : i32
      %dma_wait3A_208 = tpu.memref_slice %dma_wait3A_205[%dma_wait3A_206, %dma_wait3A_207] : memref<1024x128xf32, #tpu.memory_space<hbm>> -> memref<128x64xf32, #tpu.memory_space<hbm>>
      tpu.wait_dma2 semaphore(%arg11 : memref<!tpu.dma_semaphore, #tpu.memory_space<semaphore_mem>>) src(%dma_wait3A_208 : memref<128x64xf32, #tpu.memory_space<hbm>>) dst(%dma_wait3A_201 : memref<128x64xf32, #tpu.memory_space<vmem>>)
      %div3A_209 = arith.constant 8 : i32
      %div3A_210 = arith.divsi %while3A_172, %div3A_209 : i32
      %add3A_211 = arith.addi %select_n3A, %div3A_210 : i32
      %rem3A_212 = arith.constant 8 : i32
      %rem3A_213 = arith.remsi %while3A_172, %rem3A_212 : i32
      %mul3A_214 = arith.constant 128 : i32
      %mul3A_215 = arith.muli %rem3A_213, %mul3A_214 : i32
      %dma_start3A_216 = arith.constant 0 : i32
      %dma_start3A_217 = arith.constant 0 : i32
      %dma_start3A_218 = tpu.memref_slice %arg10[%rem3A_174, %dma_start3A_216, %dma_start3A_217] : memref<2x128x64xf32, #tpu.memory_space<vmem>> -> memref<1x128x64xf32, #tpu.memory_space<vmem>>
      %dma_start3A_219 = tpu.memref_squeeze %dma_start3A_218 : memref<1x128x64xf32, #tpu.memory_space<vmem>> -> memref<128x64xf32, #tpu.memory_space<vmem>>
      %dma_start3A_220 = arith.constant 0 : i32
      %dma_start3A_221 = arith.constant 0 : i32
      %dma_start3A_222 = tpu.memref_slice %arg7[%add3A_211, %dma_start3A_220, %dma_start3A_221] : memref<200x1024x128xf32, #tpu.memory_space<hbm>> -> memref<1x1024x128xf32, #tpu.memory_space<hbm>>
      %dma_start3A_223 = tpu.memref_squeeze %dma_start3A_222 : memref<1x1024x128xf32, #tpu.memory_space<hbm>> -> memref<1024x128xf32, #tpu.memory_space<hbm>>
      %dma_start3A_224 = arith.constant 0 : i32
      %dma_start3A_225 = tpu.memref_slice %dma_start3A_223[%mul3A_215, %dma_start3A_224] : memref<1024x128xf32, #tpu.memory_space<hbm>> -> memref<128x64xf32, #tpu.memory_space<hbm>>
      %dma_start3A_226 = arith.constant 0 : i32
      %dma_start3A_227 = arith.constant 0 : i32
      %dma_start3A_228 = tpu.memref_slice %arg7[%add3A_211, %dma_start3A_226, %dma_start3A_227] : memref<200x1024x128xf32, #tpu.memory_space<hbm>> -> memref<1x1024x128xf32, #tpu.memory_space<hbm>>
      %dma_start3A_229 = tpu.memref_squeeze %dma_start3A_228 : memref<1x1024x128xf32, #tpu.memory_space<hbm>> -> memref<1024x128xf32, #tpu.memory_space<hbm>>
      %dma_start3A_230 = arith.constant 0 : i32
      %dma_start3A_231 = tpu.memref_slice %dma_start3A_229[%mul3A_215, %dma_start3A_230] : memref<1024x128xf32, #tpu.memory_space<hbm>> -> memref<128x64xf32, #tpu.memory_space<hbm>>
      %dma_start3A_232 = arith.constant 0 : i32
      %dma_start3A_233 = arith.constant 0 : i32
      %dma_start3A_234 = tpu.memref_slice %arg10[%rem3A_174, %dma_start3A_232, %dma_start3A_233] : memref<2x128x64xf32, #tpu.memory_space<vmem>> -> memref<1x128x64xf32, #tpu.memory_space<vmem>>
      %dma_start3A_235 = tpu.memref_squeeze %dma_start3A_234 : memref<1x128x64xf32, #tpu.memory_space<vmem>> -> memref<128x64xf32, #tpu.memory_space<vmem>>
      tpu.enqueue_dma source(%dma_start3A_235 : memref<128x64xf32, #tpu.memory_space<vmem>>) target(%dma_start3A_231 : memref<128x64xf32, #tpu.memory_space<hbm>>) target_semaphore(%arg12 : memref<!tpu.dma_semaphore, #tpu.memory_space<semaphore_mem>>)
    }
    %sub3A_64 = arith.constant 1 : i32
    %sub3A_65 = arith.subi %select_n3A_10, %sub3A_64 : i32
    %rem3A_66 = arith.constant 2 : i32
    %rem3A_67 = arith.remsi %sub3A_65, %rem3A_66 : i32
    %dma_wait3A = arith.constant 0 : i32
    %dma_wait3A_68 = arith.constant 0 : i32
    %dma_wait3A_69 = arith.constant 0 : i32
    %dma_wait3A_70 = tpu.memref_slice %arg10[%rem3A_67, %dma_wait3A_68, %dma_wait3A_69] : memref<2x128x64xf32, #tpu.memory_space<vmem>> -> memref<1x128x64xf32, #tpu.memory_space<vmem>>
    %dma_wait3A_71 = tpu.memref_squeeze %dma_wait3A_70 : memref<1x128x64xf32, #tpu.memory_space<vmem>> -> memref<128x64xf32, #tpu.memory_space<vmem>>
    %dma_wait3A_72 = arith.constant 0 : i32
    %dma_wait3A_73 = arith.constant 0 : i32
    %dma_wait3A_74 = tpu.memref_slice %arg7[%dma_wait3A, %dma_wait3A_72, %dma_wait3A_73] : memref<200x1024x128xf32, #tpu.memory_space<hbm>> -> memref<1x1024x128xf32, #tpu.memory_space<hbm>>
    %dma_wait3A_75 = tpu.memref_squeeze %dma_wait3A_74 : memref<1x1024x128xf32, #tpu.memory_space<hbm>> -> memref<1024x128xf32, #tpu.memory_space<hbm>>
    %dma_wait3A_76 = arith.constant 0 : i32
    %dma_wait3A_77 = arith.constant 0 : i32
    %dma_wait3A_78 = tpu.memref_slice %dma_wait3A_75[%dma_wait3A_76, %dma_wait3A_77] : memref<1024x128xf32, #tpu.memory_space<hbm>> -> memref<128x64xf32, #tpu.memory_space<hbm>>
    %dma_wait3A_79 = arith.constant 0 : i32
    %dma_wait3A_80 = arith.constant 0 : i32
    %dma_wait3A_81 = tpu.memref_slice %arg7[%dma_wait3A, %dma_wait3A_79, %dma_wait3A_80] : memref<200x1024x128xf32, #tpu.memory_space<hbm>> -> memref<1x1024x128xf32, #tpu.memory_space<hbm>>
    %dma_wait3A_82 = tpu.memref_squeeze %dma_wait3A_81 : memref<1x1024x128xf32, #tpu.memory_space<hbm>> -> memref<1024x128xf32, #tpu.memory_space<hbm>>
    %dma_wait3A_83 = arith.constant 0 : i32
    %dma_wait3A_84 = arith.constant 0 : i32
    %dma_wait3A_85 = tpu.memref_slice %dma_wait3A_82[%dma_wait3A_83, %dma_wait3A_84] : memref<1024x128xf32, #tpu.memory_space<hbm>> -> memref<128x64xf32, #tpu.memory_space<hbm>>
    %dma_wait3A_86 = arith.constant 0 : i32
    %dma_wait3A_87 = arith.constant 0 : i32
    %dma_wait3A_88 = tpu.memref_slice %arg10[%rem3A_67, %dma_wait3A_86, %dma_wait3A_87] : memref<2x128x64xf32, #tpu.memory_space<vmem>> -> memref<1x128x64xf32, #tpu.memory_space<vmem>>
    %dma_wait3A_89 = tpu.memref_squeeze %dma_wait3A_88 : memref<1x128x64xf32, #tpu.memory_space<vmem>> -> memref<128x64xf32, #tpu.memory_space<vmem>>
    tpu.wait_dma2 semaphore(%arg12 : memref<!tpu.dma_semaphore, #tpu.memory_space<semaphore_mem>>) src(%dma_wait3A_89 : memref<128x64xf32, #tpu.memory_space<vmem>>) dst(%dma_wait3A_85 : memref<128x64xf32, #tpu.memory_space<hbm>>)
    %min3A_90 = arith.constant 192 : i32
    %min3A_91 = arith.minsi %select_n3A, %min3A_90 : i32
    %sub3A_92 = arith.subi %select_n3A, %min3A_91 : i32
    %run_scoped3A_93 = arith.constant 1 : i32
    "tpu.region"() ({
      %run_scoped3A_172 = tpu.sem_alloc : memref<!tpu.dma_semaphore, #tpu.memory_space<semaphore_mem>>
      %dma_start3A_173 = arith.constant 0 : i32
      %dma_start3A_174 = arith.constant 0 : i32
      %dma_start3A_175 = tpu.memref_slice %arg9[%run_scoped3A_93, %dma_start3A_173, %dma_start3A_174] : memref<2x8x1024xi32, #tpu.memory_space<vmem>> -> memref<1x8x1024xi32, #tpu.memory_space<vmem>>
      %dma_start3A_176 = tpu.memref_squeeze %dma_start3A_175 : memref<1x8x1024xi32, #tpu.memory_space<vmem>> -> memref<8x1024xi32, #tpu.memory_space<vmem>>
      %dma_start3A_177 = arith.constant 0 : i32
      %dma_start3A_178 = tpu.memref_slice %arg5[%min3A_91, %dma_start3A_177] : memref<200x1024xi32, #tpu.memory_space<hbm>> -> memref<8x1024xi32, #tpu.memory_space<hbm>>
      %dma_start3A_179 = arith.constant 0 : i32
      %dma_start3A_180 = arith.constant 0 : i32
      %dma_start3A_181 = tpu.memref_slice %arg9[%run_scoped3A_93, %dma_start3A_179, %dma_start3A_180] : memref<2x8x1024xi32, #tpu.memory_space<vmem>> -> memref<1x8x1024xi32, #tpu.memory_space<vmem>>
      %dma_start3A_182 = tpu.memref_squeeze %dma_start3A_181 : memref<1x8x1024xi32, #tpu.memory_space<vmem>> -> memref<8x1024xi32, #tpu.memory_space<vmem>>
      %dma_start3A_183 = arith.constant 0 : i32
      %dma_start3A_184 = tpu.memref_slice %arg5[%min3A_91, %dma_start3A_183] : memref<200x1024xi32, #tpu.memory_space<hbm>> -> memref<8x1024xi32, #tpu.memory_space<hbm>>
      tpu.enqueue_dma source(%dma_start3A_184 : memref<8x1024xi32, #tpu.memory_space<hbm>>) target(%dma_start3A_182 : memref<8x1024xi32, #tpu.memory_space<vmem>>) target_semaphore(%run_scoped3A_172 : memref<!tpu.dma_semaphore, #tpu.memory_space<semaphore_mem>>)
      %dma_wait3A_185 = arith.constant 0 : i32
      %dma_wait3A_186 = arith.constant 0 : i32
      %dma_wait3A_187 = tpu.memref_slice %arg9[%run_scoped3A_93, %dma_wait3A_185, %dma_wait3A_186] : memref<2x8x1024xi32, #tpu.memory_space<vmem>> -> memref<1x8x1024xi32, #tpu.memory_space<vmem>>
      %dma_wait3A_188 = tpu.memref_squeeze %dma_wait3A_187 : memref<1x8x1024xi32, #tpu.memory_space<vmem>> -> memref<8x1024xi32, #tpu.memory_space<vmem>>
      %dma_wait3A_189 = arith.constant 0 : i32
      %dma_wait3A_190 = tpu.memref_slice %arg5[%min3A_91, %dma_wait3A_189] : memref<200x1024xi32, #tpu.memory_space<hbm>> -> memref<8x1024xi32, #tpu.memory_space<hbm>>
      %dma_wait3A_191 = arith.constant 0 : i32
      %dma_wait3A_192 = arith.constant 0 : i32
      %dma_wait3A_193 = tpu.memref_slice %arg9[%run_scoped3A_93, %dma_wait3A_191, %dma_wait3A_192] : memref<2x8x1024xi32, #tpu.memory_space<vmem>> -> memref<1x8x1024xi32, #tpu.memory_space<vmem>>
      %dma_wait3A_194 = tpu.memref_squeeze %dma_wait3A_193 : memref<1x8x1024xi32, #tpu.memory_space<vmem>> -> memref<8x1024xi32, #tpu.memory_space<vmem>>
      %dma_wait3A_195 = arith.constant 0 : i32
      %dma_wait3A_196 = tpu.memref_slice %arg5[%min3A_91, %dma_wait3A_195] : memref<200x1024xi32, #tpu.memory_space<hbm>> -> memref<8x1024xi32, #tpu.memory_space<hbm>>
      tpu.wait_dma2 semaphore(%run_scoped3A_172 : memref<!tpu.dma_semaphore, #tpu.memory_space<semaphore_mem>>) src(%dma_wait3A_196 : memref<8x1024xi32, #tpu.memory_space<hbm>>) dst(%dma_wait3A_194 : memref<8x1024xi32, #tpu.memory_space<vmem>>)
      tpu.yield
    }) : () -> ()
    %jit3A_94 = arith.constant 2 : i32
    %eq3A_95 = arith.constant 0 : i32
    %eq3A_96 = arith.cmpi eq, %jit3A_94, %eq3A_95 : i32
    %jit3A_97 = arith.constant 1 : i32
    %select_n3A_98 = arith.select %eq3A_96, %jit3A_97, %jit3A_94 : i32
    %rem3A_99 = arith.remsi %select_n3A_14, %select_n3A_98 : i32
    %ne3A_100 = arith.constant 0 : i32
    %ne3A_101 = arith.cmpi ne, %rem3A_99, %ne3A_100 : i32
    %lt3A_102 = arith.constant 0 : i32
    %lt3A_103 = arith.cmpi slt, %rem3A_99, %lt3A_102 : i32
    %lt3A_104 = arith.constant 0 : i32
    %lt3A_105 = arith.cmpi slt, %select_n3A_98, %lt3A_104 : i32
    %ne3A_106 = arith.xori %lt3A_103, %lt3A_105 : i1
    %and3A_107 = arith.andi %ne3A_106, %ne3A_101 : i1
    %add3A_108 = arith.addi %rem3A_99, %select_n3A_98 : i32
    %select_n3A_109 = arith.select %and3A_107, %add3A_108, %rem3A_99 : i32
    %div3A_110 = arith.constant 8 : i32
    %div3A_111 = arith.divsi %select_n3A_14, %div3A_110 : i32
    %add3A_112 = arith.addi %div3A_111, %sub3A_92 : i32
    %rem3A_113 = arith.constant 8 : i32
    %rem3A_114 = arith.remsi %select_n3A_14, %rem3A_113 : i32
    %mul3A_115 = arith.constant 128 : i32
    %mul3A_116 = arith.muli %rem3A_114, %mul3A_115 : i32
    %dma_start3A_117 = arith.constant 1 : i32
    %dma_start3A_118 = arith.constant 0 : i32
    %dma_start3A_119 = arith.constant 0 : i32
    %dma_start3A_120 = tpu.memref_slice %arg10[%select_n3A_109, %dma_start3A_118, %dma_start3A_119] : memref<2x128x64xf32, #tpu.memory_space<vmem>> -> memref<1x128x64xf32, #tpu.memory_space<vmem>>
    %dma_start3A_121 = tpu.memref_squeeze %dma_start3A_120 : memref<1x128x64xf32, #tpu.memory_space<vmem>> -> memref<128x64xf32, #tpu.memory_space<vmem>>
    %dma_start3A_122 = arith.constant 0 : i32
    %dma_start3A_123 = arith.constant 0 : i32
    %dma_start3A_124 = tpu.memref_slice %arg9[%dma_start3A_117, %dma_start3A_122, %dma_start3A_123] : memref<2x8x1024xi32, #tpu.memory_space<vmem>> -> memref<1x8x1024xi32, #tpu.memory_space<vmem>>
    %dma_start3A_125 = tpu.memref_squeeze %dma_start3A_124 : memref<1x8x1024xi32, #tpu.memory_space<vmem>> -> memref<8x1024xi32, #tpu.memory_space<vmem>>
    %dma_start3A_126 = arith.constant 0 : i32
    %dma_start3A_127 = tpu.memref_slice %dma_start3A_125[%add3A_112, %dma_start3A_126] : memref<8x1024xi32, #tpu.memory_space<vmem>> -> memref<1x1024xi32, #tpu.memory_space<vmem>>
    %dma_start3A_128 = tpu.memref_squeeze %dma_start3A_127 : memref<1x1024xi32, #tpu.memory_space<vmem>> -> memref<1024xi32, #tpu.memory_space<vmem>>
    %dma_start3A_129 = tpu.memref_slice %dma_start3A_128[%mul3A_116] : memref<1024xi32, #tpu.memory_space<vmem>> -> memref<128xi32, #tpu.memory_space<vmem>>
    %dma_start3A_130 = arith.constant 0 : i32
    %dma_start3A_131 = arith.constant 0 : i32
    %dma_start3A_132 = tpu.memref_slice %arg4[%dma_start3A_130, %dma_start3A_131] : memref<1000000x64xf32, #tpu.memory_space<hbm>> -> memref<1000000x64xf32, #tpu.memory_space<hbm>>
    tpu.enqueue_indirect_dma source(%dma_start3A_132 : memref<1000000x64xf32, #tpu.memory_space<hbm>>) target(%dma_start3A_121 : memref<128x64xf32, #tpu.memory_space<vmem>>) offsets(%dma_start3A_129 : memref<128xi32, #tpu.memory_space<vmem>>) semaphore(%arg11 : memref<!tpu.dma_semaphore, #tpu.memory_space<semaphore_mem>>)
    %while3A_133 = arith.constant 0 : i32
    %while3A_134 = arith.subi %select_n3A_10, %select_n3A_14 : i32
    %while3A_135 = arith.addi %select_n3A_14, %while3A_134 : i32
    %while3A_136 = arith.constant 1 : i32
    %while3A_137 = arith.divsi %while3A_134, %while3A_136 : i32
    %while3A_138 = arith.muli %while3A_137, %while3A_136 : i32
    %while3A_139 = arith.addi %select_n3A_14, %while3A_138 : i32
    %while3A_140 = arith.constant 1 : i32
    scf.for %while3A_172 = %select_n3A_14 to %while3A_139 step %while3A_140  : i32 {
      %rem3A_173 = arith.constant 2 : i32
      %rem3A_174 = arith.remsi %while3A_172, %rem3A_173 : i32
      %add3A_175 = arith.constant 1 : i32
      %add3A_176 = arith.addi %select_n3A_14, %add3A_175 : i32
      %ge3A = arith.cmpi sge, %while3A_172, %add3A_176 : i32
      %convert_element_type3A_177 = arith.extui %ge3A : i1 to i32
      %cond3A_178 = arith.constant 0 : i32
      %cond3A_179 = arith.cmpi ne, %convert_element_type3A_177, %cond3A_178 : i32
      scf.if %cond3A_179 {
        %sub3A_236 = arith.constant 1 : i32
        %sub3A_237 = arith.subi %while3A_172, %sub3A_236 : i32
        %rem3A_238 = arith.constant 2 : i32
        %rem3A_239 = arith.remsi %sub3A_237, %rem3A_238 : i32
        %dma_wait3A_240 = arith.constant 0 : i32
        %dma_wait3A_241 = arith.constant 0 : i32
        %dma_wait3A_242 = arith.constant 0 : i32
        %dma_wait3A_243 = tpu.memref_slice %arg10[%rem3A_239, %dma_wait3A_241, %dma_wait3A_242] : memref<2x128x64xf32, #tpu.memory_space<vmem>> -> memref<1x128x64xf32, #tpu.memory_space<vmem>>
        %dma_wait3A_244 = tpu.memref_squeeze %dma_wait3A_243 : memref<1x128x64xf32, #tpu.memory_space<vmem>> -> memref<128x64xf32, #tpu.memory_space<vmem>>
        %dma_wait3A_245 = arith.constant 0 : i32
        %dma_wait3A_246 = arith.constant 0 : i32
        %dma_wait3A_247 = tpu.memref_slice %arg8[%dma_wait3A_240, %dma_wait3A_245, %dma_wait3A_246] : memref<200x1024x128xf32, #tpu.memory_space<hbm>> -> memref<1x1024x128xf32, #tpu.memory_space<hbm>>
        %dma_wait3A_248 = tpu.memref_squeeze %dma_wait3A_247 : memref<1x1024x128xf32, #tpu.memory_space<hbm>> -> memref<1024x128xf32, #tpu.memory_space<hbm>>
        %dma_wait3A_249 = arith.constant 0 : i32
        %dma_wait3A_250 = arith.constant 0 : i32
        %dma_wait3A_251 = tpu.memref_slice %dma_wait3A_248[%dma_wait3A_249, %dma_wait3A_250] : memref<1024x128xf32, #tpu.memory_space<hbm>> -> memref<128x64xf32, #tpu.memory_space<hbm>>
        %dma_wait3A_252 = arith.constant 0 : i32
        %dma_wait3A_253 = arith.constant 0 : i32
        %dma_wait3A_254 = tpu.memref_slice %arg8[%dma_wait3A_240, %dma_wait3A_252, %dma_wait3A_253] : memref<200x1024x128xf32, #tpu.memory_space<hbm>> -> memref<1x1024x128xf32, #tpu.memory_space<hbm>>
        %dma_wait3A_255 = tpu.memref_squeeze %dma_wait3A_254 : memref<1x1024x128xf32, #tpu.memory_space<hbm>> -> memref<1024x128xf32, #tpu.memory_space<hbm>>
        %dma_wait3A_256 = arith.constant 0 : i32
        %dma_wait3A_257 = arith.constant 0 : i32
        %dma_wait3A_258 = tpu.memref_slice %dma_wait3A_255[%dma_wait3A_256, %dma_wait3A_257] : memref<1024x128xf32, #tpu.memory_space<hbm>> -> memref<128x64xf32, #tpu.memory_space<hbm>>
        %dma_wait3A_259 = arith.constant 0 : i32
        %dma_wait3A_260 = arith.constant 0 : i32
        %dma_wait3A_261 = tpu.memref_slice %arg10[%rem3A_239, %dma_wait3A_259, %dma_wait3A_260] : memref<2x128x64xf32, #tpu.memory_space<vmem>> -> memref<1x128x64xf32, #tpu.memory_space<vmem>>
        %dma_wait3A_262 = tpu.memref_squeeze %dma_wait3A_261 : memref<1x128x64xf32, #tpu.memory_space<vmem>> -> memref<128x64xf32, #tpu.memory_space<vmem>>
        tpu.wait_dma2 semaphore(%arg12 : memref<!tpu.dma_semaphore, #tpu.memory_space<semaphore_mem>>) src(%dma_wait3A_262 : memref<128x64xf32, #tpu.memory_space<vmem>>) dst(%dma_wait3A_258 : memref<128x64xf32, #tpu.memory_space<hbm>>)
      } else {
      }
      %add3A_180 = arith.constant 1 : i32
      %add3A_181 = arith.addi %while3A_172, %add3A_180 : i32
      %lt3A_182 = arith.cmpi slt, %add3A_181, %select_n3A_10 : i32
      %convert_element_type3A_183 = arith.extui %lt3A_182 : i1 to i32
      %cond3A_184 = arith.constant 0 : i32
      %cond3A_185 = arith.cmpi ne, %convert_element_type3A_183, %cond3A_184 : i32
      scf.if %cond3A_185 {
        %add3A_236 = arith.constant 1 : i32
        %add3A_237 = arith.addi %while3A_172, %add3A_236 : i32
        %add3A_238 = arith.constant 1 : i32
        %add3A_239 = arith.addi %while3A_172, %add3A_238 : i32
        %rem3A_240 = arith.constant 2 : i32
        %rem3A_241 = arith.remsi %add3A_239, %rem3A_240 : i32
        %div3A_242 = arith.constant 8 : i32
        %div3A_243 = arith.divsi %add3A_237, %div3A_242 : i32
        %add3A_244 = arith.addi %div3A_243, %sub3A_92 : i32
        %rem3A_245 = arith.constant 8 : i32
        %rem3A_246 = arith.remsi %add3A_237, %rem3A_245 : i32
        %mul3A_247 = arith.constant 128 : i32
        %mul3A_248 = arith.muli %rem3A_246, %mul3A_247 : i32
        %dma_start3A_249 = arith.constant 1 : i32
        %dma_start3A_250 = arith.constant 0 : i32
        %dma_start3A_251 = arith.constant 0 : i32
        %dma_start3A_252 = tpu.memref_slice %arg10[%rem3A_241, %dma_start3A_250, %dma_start3A_251] : memref<2x128x64xf32, #tpu.memory_space<vmem>> -> memref<1x128x64xf32, #tpu.memory_space<vmem>>
        %dma_start3A_253 = tpu.memref_squeeze %dma_start3A_252 : memref<1x128x64xf32, #tpu.memory_space<vmem>> -> memref<128x64xf32, #tpu.memory_space<vmem>>
        %dma_start3A_254 = arith.constant 0 : i32
        %dma_start3A_255 = arith.constant 0 : i32
        %dma_start3A_256 = tpu.memref_slice %arg9[%dma_start3A_249, %dma_start3A_254, %dma_start3A_255] : memref<2x8x1024xi32, #tpu.memory_space<vmem>> -> memref<1x8x1024xi32, #tpu.memory_space<vmem>>
        %dma_start3A_257 = tpu.memref_squeeze %dma_start3A_256 : memref<1x8x1024xi32, #tpu.memory_space<vmem>> -> memref<8x1024xi32, #tpu.memory_space<vmem>>
        %dma_start3A_258 = arith.constant 0 : i32
        %dma_start3A_259 = tpu.memref_slice %dma_start3A_257[%add3A_244, %dma_start3A_258] : memref<8x1024xi32, #tpu.memory_space<vmem>> -> memref<1x1024xi32, #tpu.memory_space<vmem>>
        %dma_start3A_260 = tpu.memref_squeeze %dma_start3A_259 : memref<1x1024xi32, #tpu.memory_space<vmem>> -> memref<1024xi32, #tpu.memory_space<vmem>>
        %dma_start3A_261 = tpu.memref_slice %dma_start3A_260[%mul3A_248] : memref<1024xi32, #tpu.memory_space<vmem>> -> memref<128xi32, #tpu.memory_space<vmem>>
        %dma_start3A_262 = arith.constant 0 : i32
        %dma_start3A_263 = arith.constant 0 : i32
        %dma_start3A_264 = tpu.memref_slice %arg4[%dma_start3A_262, %dma_start3A_263] : memref<1000000x64xf32, #tpu.memory_space<hbm>> -> memref<1000000x64xf32, #tpu.memory_space<hbm>>
        tpu.enqueue_indirect_dma source(%dma_start3A_264 : memref<1000000x64xf32, #tpu.memory_space<hbm>>) target(%dma_start3A_253 : memref<128x64xf32, #tpu.memory_space<vmem>>) offsets(%dma_start3A_261 : memref<128xi32, #tpu.memory_space<vmem>>) semaphore(%arg11 : memref<!tpu.dma_semaphore, #tpu.memory_space<semaphore_mem>>)
      } else {
      }
      %dma_wait3A_186 = arith.constant 0 : i32
      %dma_wait3A_187 = arith.constant 0 : i32
      %dma_wait3A_188 = arith.constant 0 : i32
      %dma_wait3A_189 = tpu.memref_slice %arg10[%rem3A_174, %dma_wait3A_187, %dma_wait3A_188] : memref<2x128x64xf32, #tpu.memory_space<vmem>> -> memref<1x128x64xf32, #tpu.memory_space<vmem>>
      %dma_wait3A_190 = tpu.memref_squeeze %dma_wait3A_189 : memref<1x128x64xf32, #tpu.memory_space<vmem>> -> memref<128x64xf32, #tpu.memory_space<vmem>>
      %dma_wait3A_191 = arith.constant 0 : i32
      %dma_wait3A_192 = arith.constant 0 : i32
      %dma_wait3A_193 = tpu.memref_slice %arg8[%dma_wait3A_186, %dma_wait3A_191, %dma_wait3A_192] : memref<200x1024x128xf32, #tpu.memory_space<hbm>> -> memref<1x1024x128xf32, #tpu.memory_space<hbm>>
      %dma_wait3A_194 = tpu.memref_squeeze %dma_wait3A_193 : memref<1x1024x128xf32, #tpu.memory_space<hbm>> -> memref<1024x128xf32, #tpu.memory_space<hbm>>
      %dma_wait3A_195 = arith.constant 0 : i32
      %dma_wait3A_196 = arith.constant 0 : i32
      %dma_wait3A_197 = tpu.memref_slice %dma_wait3A_194[%dma_wait3A_195, %dma_wait3A_196] : memref<1024x128xf32, #tpu.memory_space<hbm>> -> memref<128x64xf32, #tpu.memory_space<hbm>>
      %dma_wait3A_198 = arith.constant 0 : i32
      %dma_wait3A_199 = arith.constant 0 : i32
      %dma_wait3A_200 = tpu.memref_slice %arg10[%rem3A_174, %dma_wait3A_198, %dma_wait3A_199] : memref<2x128x64xf32, #tpu.memory_space<vmem>> -> memref<1x128x64xf32, #tpu.memory_space<vmem>>
      %dma_wait3A_201 = tpu.memref_squeeze %dma_wait3A_200 : memref<1x128x64xf32, #tpu.memory_space<vmem>> -> memref<128x64xf32, #tpu.memory_space<vmem>>
      %dma_wait3A_202 = arith.constant 0 : i32
      %dma_wait3A_203 = arith.constant 0 : i32
      %dma_wait3A_204 = tpu.memref_slice %arg8[%dma_wait3A_186, %dma_wait3A_202, %dma_wait3A_203] : memref<200x1024x128xf32, #tpu.memory_space<hbm>> -> memref<1x1024x128xf32, #tpu.memory_space<hbm>>
      %dma_wait3A_205 = tpu.memref_squeeze %dma_wait3A_204 : memref<1x1024x128xf32, #tpu.memory_space<hbm>> -> memref<1024x128xf32, #tpu.memory_space<hbm>>
      %dma_wait3A_206 = arith.constant 0 : i32
      %dma_wait3A_207 = arith.constant 0 : i32
      %dma_wait3A_208 = tpu.memref_slice %dma_wait3A_205[%dma_wait3A_206, %dma_wait3A_207] : memref<1024x128xf32, #tpu.memory_space<hbm>> -> memref<128x64xf32, #tpu.memory_space<hbm>>
      tpu.wait_dma2 semaphore(%arg11 : memref<!tpu.dma_semaphore, #tpu.memory_space<semaphore_mem>>) src(%dma_wait3A_208 : memref<128x64xf32, #tpu.memory_space<hbm>>) dst(%dma_wait3A_201 : memref<128x64xf32, #tpu.memory_space<vmem>>)
      %div3A_209 = arith.constant 8 : i32
      %div3A_210 = arith.divsi %while3A_172, %div3A_209 : i32
      %add3A_211 = arith.addi %select_n3A, %div3A_210 : i32
      %rem3A_212 = arith.constant 8 : i32
      %rem3A_213 = arith.remsi %while3A_172, %rem3A_212 : i32
      %mul3A_214 = arith.constant 128 : i32
      %mul3A_215 = arith.muli %rem3A_213, %mul3A_214 : i32
      %dma_start3A_216 = arith.constant 0 : i32
      %dma_start3A_217 = arith.constant 0 : i32
      %dma_start3A_218 = tpu.memref_slice %arg10[%rem3A_174, %dma_start3A_216, %dma_start3A_217] : memref<2x128x64xf32, #tpu.memory_space<vmem>> -> memref<1x128x64xf32, #tpu.memory_space<vmem>>
      %dma_start3A_219 = tpu.memref_squeeze %dma_start3A_218 : memref<1x128x64xf32, #tpu.memory_space<vmem>> -> memref<128x64xf32, #tpu.memory_space<vmem>>
      %dma_start3A_220 = arith.constant 0 : i32
      %dma_start3A_221 = arith.constant 0 : i32
      %dma_start3A_222 = tpu.memref_slice %arg8[%add3A_211, %dma_start3A_220, %dma_start3A_221] : memref<200x1024x128xf32, #tpu.memory_space<hbm>> -> memref<1x1024x128xf32, #tpu.memory_space<hbm>>
      %dma_start3A_223 = tpu.memref_squeeze %dma_start3A_222 : memref<1x1024x128xf32, #tpu.memory_space<hbm>> -> memref<1024x128xf32, #tpu.memory_space<hbm>>
      %dma_start3A_224 = arith.constant 0 : i32
      %dma_start3A_225 = tpu.memref_slice %dma_start3A_223[%mul3A_215, %dma_start3A_224] : memref<1024x128xf32, #tpu.memory_space<hbm>> -> memref<128x64xf32, #tpu.memory_space<hbm>>
      %dma_start3A_226 = arith.constant 0 : i32
      %dma_start3A_227 = arith.constant 0 : i32
      %dma_start3A_228 = tpu.memref_slice %arg8[%add3A_211, %dma_start3A_226, %dma_start3A_227] : memref<200x1024x128xf32, #tpu.memory_space<hbm>> -> memref<1x1024x128xf32, #tpu.memory_space<hbm>>
      %dma_start3A_229 = tpu.memref_squeeze %dma_start3A_228 : memref<1x1024x128xf32, #tpu.memory_space<hbm>> -> memref<1024x128xf32, #tpu.memory_space<hbm>>
      %dma_start3A_230 = arith.constant 0 : i32
      %dma_start3A_231 = tpu.memref_slice %dma_start3A_229[%mul3A_215, %dma_start3A_230] : memref<1024x128xf32, #tpu.memory_space<hbm>> -> memref<128x64xf32, #tpu.memory_space<hbm>>
      %dma_start3A_232 = arith.constant 0 : i32
      %dma_start3A_233 = arith.constant 0 : i32
      %dma_start3A_234 = tpu.memref_slice %arg10[%rem3A_174, %dma_start3A_232, %dma_start3A_233] : memref<2x128x64xf32, #tpu.memory_space<vmem>> -> memref<1x128x64xf32, #tpu.memory_space<vmem>>
      %dma_start3A_235 = tpu.memref_squeeze %dma_start3A_234 : memref<1x128x64xf32, #tpu.memory_space<vmem>> -> memref<128x64xf32, #tpu.memory_space<vmem>>
      tpu.enqueue_dma source(%dma_start3A_235 : memref<128x64xf32, #tpu.memory_space<vmem>>) target(%dma_start3A_231 : memref<128x64xf32, #tpu.memory_space<hbm>>) target_semaphore(%arg12 : memref<!tpu.dma_semaphore, #tpu.memory_space<semaphore_mem>>)
    }
    %while3A_141 = arith.constant 1 : i32
    scf.for %while3A_172 = %while3A_139 to %while3A_135 step %while3A_141  : i32 {
      %rem3A_173 = arith.constant 2 : i32
      %rem3A_174 = arith.remsi %while3A_172, %rem3A_173 : i32
      %add3A_175 = arith.constant 1 : i32
      %add3A_176 = arith.addi %select_n3A_14, %add3A_175 : i32
      %ge3A = arith.cmpi sge, %while3A_172, %add3A_176 : i32
      %convert_element_type3A_177 = arith.extui %ge3A : i1 to i32
      %cond3A_178 = arith.constant 0 : i32
      %cond3A_179 = arith.cmpi ne, %convert_element_type3A_177, %cond3A_178 : i32
      scf.if %cond3A_179 {
        %sub3A_236 = arith.constant 1 : i32
        %sub3A_237 = arith.subi %while3A_172, %sub3A_236 : i32
        %rem3A_238 = arith.constant 2 : i32
        %rem3A_239 = arith.remsi %sub3A_237, %rem3A_238 : i32
        %dma_wait3A_240 = arith.constant 0 : i32
        %dma_wait3A_241 = arith.constant 0 : i32
        %dma_wait3A_242 = arith.constant 0 : i32
        %dma_wait3A_243 = tpu.memref_slice %arg10[%rem3A_239, %dma_wait3A_241, %dma_wait3A_242] : memref<2x128x64xf32, #tpu.memory_space<vmem>> -> memref<1x128x64xf32, #tpu.memory_space<vmem>>
        %dma_wait3A_244 = tpu.memref_squeeze %dma_wait3A_243 : memref<1x128x64xf32, #tpu.memory_space<vmem>> -> memref<128x64xf32, #tpu.memory_space<vmem>>
        %dma_wait3A_245 = arith.constant 0 : i32
        %dma_wait3A_246 = arith.constant 0 : i32
        %dma_wait3A_247 = tpu.memref_slice %arg8[%dma_wait3A_240, %dma_wait3A_245, %dma_wait3A_246] : memref<200x1024x128xf32, #tpu.memory_space<hbm>> -> memref<1x1024x128xf32, #tpu.memory_space<hbm>>
        %dma_wait3A_248 = tpu.memref_squeeze %dma_wait3A_247 : memref<1x1024x128xf32, #tpu.memory_space<hbm>> -> memref<1024x128xf32, #tpu.memory_space<hbm>>
        %dma_wait3A_249 = arith.constant 0 : i32
        %dma_wait3A_250 = arith.constant 0 : i32
        %dma_wait3A_251 = tpu.memref_slice %dma_wait3A_248[%dma_wait3A_249, %dma_wait3A_250] : memref<1024x128xf32, #tpu.memory_space<hbm>> -> memref<128x64xf32, #tpu.memory_space<hbm>>
        %dma_wait3A_252 = arith.constant 0 : i32
        %dma_wait3A_253 = arith.constant 0 : i32
        %dma_wait3A_254 = tpu.memref_slice %arg8[%dma_wait3A_240, %dma_wait3A_252, %dma_wait3A_253] : memref<200x1024x128xf32, #tpu.memory_space<hbm>> -> memref<1x1024x128xf32, #tpu.memory_space<hbm>>
        %dma_wait3A_255 = tpu.memref_squeeze %dma_wait3A_254 : memref<1x1024x128xf32, #tpu.memory_space<hbm>> -> memref<1024x128xf32, #tpu.memory_space<hbm>>
        %dma_wait3A_256 = arith.constant 0 : i32
        %dma_wait3A_257 = arith.constant 0 : i32
        %dma_wait3A_258 = tpu.memref_slice %dma_wait3A_255[%dma_wait3A_256, %dma_wait3A_257] : memref<1024x128xf32, #tpu.memory_space<hbm>> -> memref<128x64xf32, #tpu.memory_space<hbm>>
        %dma_wait3A_259 = arith.constant 0 : i32
        %dma_wait3A_260 = arith.constant 0 : i32
        %dma_wait3A_261 = tpu.memref_slice %arg10[%rem3A_239, %dma_wait3A_259, %dma_wait3A_260] : memref<2x128x64xf32, #tpu.memory_space<vmem>> -> memref<1x128x64xf32, #tpu.memory_space<vmem>>
        %dma_wait3A_262 = tpu.memref_squeeze %dma_wait3A_261 : memref<1x128x64xf32, #tpu.memory_space<vmem>> -> memref<128x64xf32, #tpu.memory_space<vmem>>
        tpu.wait_dma2 semaphore(%arg12 : memref<!tpu.dma_semaphore, #tpu.memory_space<semaphore_mem>>) src(%dma_wait3A_262 : memref<128x64xf32, #tpu.memory_space<vmem>>) dst(%dma_wait3A_258 : memref<128x64xf32, #tpu.memory_space<hbm>>)
      } else {
      }
      %add3A_180 = arith.constant 1 : i32
      %add3A_181 = arith.addi %while3A_172, %add3A_180 : i32
      %lt3A_182 = arith.cmpi slt, %add3A_181, %select_n3A_10 : i32
      %convert_element_type3A_183 = arith.extui %lt3A_182 : i1 to i32
      %cond3A_184 = arith.constant 0 : i32
      %cond3A_185 = arith.cmpi ne, %convert_element_type3A_183, %cond3A_184 : i32
      scf.if %cond3A_185 {
        %add3A_236 = arith.constant 1 : i32
        %add3A_237 = arith.addi %while3A_172, %add3A_236 : i32
        %add3A_238 = arith.constant 1 : i32
        %add3A_239 = arith.addi %while3A_172, %add3A_238 : i32
        %rem3A_240 = arith.constant 2 : i32
        %rem3A_241 = arith.remsi %add3A_239, %rem3A_240 : i32
        %div3A_242 = arith.constant 8 : i32
        %div3A_243 = arith.divsi %add3A_237, %div3A_242 : i32
        %add3A_244 = arith.addi %div3A_243, %sub3A_92 : i32
        %rem3A_245 = arith.constant 8 : i32
        %rem3A_246 = arith.remsi %add3A_237, %rem3A_245 : i32
        %mul3A_247 = arith.constant 128 : i32
        %mul3A_248 = arith.muli %rem3A_246, %mul3A_247 : i32
        %dma_start3A_249 = arith.constant 1 : i32
        %dma_start3A_250 = arith.constant 0 : i32
        %dma_start3A_251 = arith.constant 0 : i32
        %dma_start3A_252 = tpu.memref_slice %arg10[%rem3A_241, %dma_start3A_250, %dma_start3A_251] : memref<2x128x64xf32, #tpu.memory_space<vmem>> -> memref<1x128x64xf32, #tpu.memory_space<vmem>>
        %dma_start3A_253 = tpu.memref_squeeze %dma_start3A_252 : memref<1x128x64xf32, #tpu.memory_space<vmem>> -> memref<128x64xf32, #tpu.memory_space<vmem>>
        %dma_start3A_254 = arith.constant 0 : i32
        %dma_start3A_255 = arith.constant 0 : i32
        %dma_start3A_256 = tpu.memref_slice %arg9[%dma_start3A_249, %dma_start3A_254, %dma_start3A_255] : memref<2x8x1024xi32, #tpu.memory_space<vmem>> -> memref<1x8x1024xi32, #tpu.memory_space<vmem>>
        %dma_start3A_257 = tpu.memref_squeeze %dma_start3A_256 : memref<1x8x1024xi32, #tpu.memory_space<vmem>> -> memref<8x1024xi32, #tpu.memory_space<vmem>>
        %dma_start3A_258 = arith.constant 0 : i32
        %dma_start3A_259 = tpu.memref_slice %dma_start3A_257[%add3A_244, %dma_start3A_258] : memref<8x1024xi32, #tpu.memory_space<vmem>> -> memref<1x1024xi32, #tpu.memory_space<vmem>>
        %dma_start3A_260 = tpu.memref_squeeze %dma_start3A_259 : memref<1x1024xi32, #tpu.memory_space<vmem>> -> memref<1024xi32, #tpu.memory_space<vmem>>
        %dma_start3A_261 = tpu.memref_slice %dma_start3A_260[%mul3A_248] : memref<1024xi32, #tpu.memory_space<vmem>> -> memref<128xi32, #tpu.memory_space<vmem>>
        %dma_start3A_262 = arith.constant 0 : i32
        %dma_start3A_263 = arith.constant 0 : i32
        %dma_start3A_264 = tpu.memref_slice %arg4[%dma_start3A_262, %dma_start3A_263] : memref<1000000x64xf32, #tpu.memory_space<hbm>> -> memref<1000000x64xf32, #tpu.memory_space<hbm>>
        tpu.enqueue_indirect_dma source(%dma_start3A_264 : memref<1000000x64xf32, #tpu.memory_space<hbm>>) target(%dma_start3A_253 : memref<128x64xf32, #tpu.memory_space<vmem>>) offsets(%dma_start3A_261 : memref<128xi32, #tpu.memory_space<vmem>>) semaphore(%arg11 : memref<!tpu.dma_semaphore, #tpu.memory_space<semaphore_mem>>)
      } else {
      }
      %dma_wait3A_186 = arith.constant 0 : i32
      %dma_wait3A_187 = arith.constant 0 : i32
      %dma_wait3A_188 = arith.constant 0 : i32
      %dma_wait3A_189 = tpu.memref_slice %arg10[%rem3A_174, %dma_wait3A_187, %dma_wait3A_188] : memref<2x128x64xf32, #tpu.memory_space<vmem>> -> memref<1x128x64xf32, #tpu.memory_space<vmem>>
      %dma_wait3A_190 = tpu.memref_squeeze %dma_wait3A_189 : memref<1x128x64xf32, #tpu.memory_space<vmem>> -> memref<128x64xf32, #tpu.memory_space<vmem>>
      %dma_wait3A_191 = arith.constant 0 : i32
      %dma_wait3A_192 = arith.constant 0 : i32
      %dma_wait3A_193 = tpu.memref_slice %arg8[%dma_wait3A_186, %dma_wait3A_191, %dma_wait3A_192] : memref<200x1024x128xf32, #tpu.memory_space<hbm>> -> memref<1x1024x128xf32, #tpu.memory_space<hbm>>
      %dma_wait3A_194 = tpu.memref_squeeze %dma_wait3A_193 : memref<1x1024x128xf32, #tpu.memory_space<hbm>> -> memref<1024x128xf32, #tpu.memory_space<hbm>>
      %dma_wait3A_195 = arith.constant 0 : i32
      %dma_wait3A_196 = arith.constant 0 : i32
      %dma_wait3A_197 = tpu.memref_slice %dma_wait3A_194[%dma_wait3A_195, %dma_wait3A_196] : memref<1024x128xf32, #tpu.memory_space<hbm>> -> memref<128x64xf32, #tpu.memory_space<hbm>>
      %dma_wait3A_198 = arith.constant 0 : i32
      %dma_wait3A_199 = arith.constant 0 : i32
      %dma_wait3A_200 = tpu.memref_slice %arg10[%rem3A_174, %dma_wait3A_198, %dma_wait3A_199] : memref<2x128x64xf32, #tpu.memory_space<vmem>> -> memref<1x128x64xf32, #tpu.memory_space<vmem>>
      %dma_wait3A_201 = tpu.memref_squeeze %dma_wait3A_200 : memref<1x128x64xf32, #tpu.memory_space<vmem>> -> memref<128x64xf32, #tpu.memory_space<vmem>>
      %dma_wait3A_202 = arith.constant 0 : i32
      %dma_wait3A_203 = arith.constant 0 : i32
      %dma_wait3A_204 = tpu.memref_slice %arg8[%dma_wait3A_186, %dma_wait3A_202, %dma_wait3A_203] : memref<200x1024x128xf32, #tpu.memory_space<hbm>> -> memref<1x1024x128xf32, #tpu.memory_space<hbm>>
      %dma_wait3A_205 = tpu.memref_squeeze %dma_wait3A_204 : memref<1x1024x128xf32, #tpu.memory_space<hbm>> -> memref<1024x128xf32, #tpu.memory_space<hbm>>
      %dma_wait3A_206 = arith.constant 0 : i32
      %dma_wait3A_207 = arith.constant 0 : i32
      %dma_wait3A_208 = tpu.memref_slice %dma_wait3A_205[%dma_wait3A_206, %dma_wait3A_207] : memref<1024x128xf32, #tpu.memory_space<hbm>> -> memref<128x64xf32, #tpu.memory_space<hbm>>
      tpu.wait_dma2 semaphore(%arg11 : memref<!tpu.dma_semaphore, #tpu.memory_space<semaphore_mem>>) src(%dma_wait3A_208 : memref<128x64xf32, #tpu.memory_space<hbm>>) dst(%dma_wait3A_201 : memref<128x64xf32, #tpu.memory_space<vmem>>)
      %div3A_209 = arith.constant 8 : i32
      %div3A_210 = arith.divsi %while3A_172, %div3A_209 : i32
      %add3A_211 = arith.addi %select_n3A, %div3A_210 : i32
      %rem3A_212 = arith.constant 8 : i32
      %rem3A_213 = arith.remsi %while3A_172, %rem3A_212 : i32
      %mul3A_214 = arith.constant 128 : i32
      %mul3A_215 = arith.muli %rem3A_213, %mul3A_214 : i32
      %dma_start3A_216 = arith.constant 0 : i32
      %dma_start3A_217 = arith.constant 0 : i32
      %dma_start3A_218 = tpu.memref_slice %arg10[%rem3A_174, %dma_start3A_216, %dma_start3A_217] : memref<2x128x64xf32, #tpu.memory_space<vmem>> -> memref<1x128x64xf32, #tpu.memory_space<vmem>>
      %dma_start3A_219 = tpu.memref_squeeze %dma_start3A_218 : memref<1x128x64xf32, #tpu.memory_space<vmem>> -> memref<128x64xf32, #tpu.memory_space<vmem>>
      %dma_start3A_220 = arith.constant 0 : i32
      %dma_start3A_221 = arith.constant 0 : i32
      %dma_start3A_222 = tpu.memref_slice %arg8[%add3A_211, %dma_start3A_220, %dma_start3A_221] : memref<200x1024x128xf32, #tpu.memory_space<hbm>> -> memref<1x1024x128xf32, #tpu.memory_space<hbm>>
      %dma_start3A_223 = tpu.memref_squeeze %dma_start3A_222 : memref<1x1024x128xf32, #tpu.memory_space<hbm>> -> memref<1024x128xf32, #tpu.memory_space<hbm>>
      %dma_start3A_224 = arith.constant 0 : i32
      %dma_start3A_225 = tpu.memref_slice %dma_start3A_223[%mul3A_215, %dma_start3A_224] : memref<1024x128xf32, #tpu.memory_space<hbm>> -> memref<128x64xf32, #tpu.memory_space<hbm>>
      %dma_start3A_226 = arith.constant 0 : i32
      %dma_start3A_227 = arith.constant 0 : i32
      %dma_start3A_228 = tpu.memref_slice %arg8[%add3A_211, %dma_start3A_226, %dma_start3A_227] : memref<200x1024x128xf32, #tpu.memory_space<hbm>> -> memref<1x1024x128xf32, #tpu.memory_space<hbm>>
      %dma_start3A_229 = tpu.memref_squeeze %dma_start3A_228 : memref<1x1024x128xf32, #tpu.memory_space<hbm>> -> memref<1024x128xf32, #tpu.memory_space<hbm>>
      %dma_start3A_230 = arith.constant 0 : i32
      %dma_start3A_231 = tpu.memref_slice %dma_start3A_229[%mul3A_215, %dma_start3A_230] : memref<1024x128xf32, #tpu.memory_space<hbm>> -> memref<128x64xf32, #tpu.memory_space<hbm>>
      %dma_start3A_232 = arith.constant 0 : i32
      %dma_start3A_233 = arith.constant 0 : i32
      %dma_start3A_234 = tpu.memref_slice %arg10[%rem3A_174, %dma_start3A_232, %dma_start3A_233] : memref<2x128x64xf32, #tpu.memory_space<vmem>> -> memref<1x128x64xf32, #tpu.memory_space<vmem>>
      %dma_start3A_235 = tpu.memref_squeeze %dma_start3A_234 : memref<1x128x64xf32, #tpu.memory_space<vmem>> -> memref<128x64xf32, #tpu.memory_space<vmem>>
      tpu.enqueue_dma source(%dma_start3A_235 : memref<128x64xf32, #tpu.memory_space<vmem>>) target(%dma_start3A_231 : memref<128x64xf32, #tpu.memory_space<hbm>>) target_semaphore(%arg12 : memref<!tpu.dma_semaphore, #tpu.memory_space<semaphore_mem>>)
    }
    %sub3A_142 = arith.constant 1 : i32
    %sub3A_143 = arith.subi %select_n3A_10, %sub3A_142 : i32
    %rem3A_144 = arith.constant 2 : i32
    %rem3A_145 = arith.remsi %sub3A_143, %rem3A_144 : i32
    %dma_wait3A_146 = arith.constant 0 : i32
    %dma_wait3A_147 = arith.constant 0 : i32
    %dma_wait3A_148 = arith.constant 0 : i32
    %dma_wait3A_149 = tpu.memref_slice %arg10[%rem3A_145, %dma_wait3A_147, %dma_wait3A_148] : memref<2x128x64xf32, #tpu.memory_space<vmem>> -> memref<1x128x64xf32, #tpu.memory_space<vmem>>
    %dma_wait3A_150 = tpu.memref_squeeze %dma_wait3A_149 : memref<1x128x64xf32, #tpu.memory_space<vmem>> -> memref<128x64xf32, #tpu.memory_space<vmem>>
    %dma_wait3A_151 = arith.constant 0 : i32
    %dma_wait3A_152 = arith.constant 0 : i32
    %dma_wait3A_153 = tpu.memref_slice %arg8[%dma_wait3A_146, %dma_wait3A_151, %dma_wait3A_152] : memref<200x1024x128xf32, #tpu.memory_space<hbm>> -> memref<1x1024x128xf32, #tpu.memory_space<hbm>>
    %dma_wait3A_154 = tpu.memref_squeeze %dma_wait3A_153 : memref<1x1024x128xf32, #tpu.memory_space<hbm>> -> memref<1024x128xf32, #tpu.memory_space<hbm>>
    %dma_wait3A_155 = arith.constant 0 : i32
    %dma_wait3A_156 = arith.constant 0 : i32
    %dma_wait3A_157 = tpu.memref_slice %dma_wait3A_154[%dma_wait3A_155, %dma_wait3A_156] : memref<1024x128xf32, #tpu.memory_space<hbm>> -> memref<128x64xf32, #tpu.memory_space<hbm>>
    %dma_wait3A_158 = arith.constant 0 : i32
    %dma_wait3A_159 = arith.constant 0 : i32
    %dma_wait3A_160 = tpu.memref_slice %arg8[%dma_wait3A_146, %dma_wait3A_158, %dma_wait3A_159] : memref<200x1024x128xf32, #tpu.memory_space<hbm>> -> memref<1x1024x128xf32, #tpu.memory_space<hbm>>
    %dma_wait3A_161 = tpu.memref_squeeze %dma_wait3A_160 : memref<1x1024x128xf32, #tpu.memory_space<hbm>> -> memref<1024x128xf32, #tpu.memory_space<hbm>>
    %dma_wait3A_162 = arith.constant 0 : i32
    %dma_wait3A_163 = arith.constant 0 : i32
    %dma_wait3A_164 = tpu.memref_slice %dma_wait3A_161[%dma_wait3A_162, %dma_wait3A_163] : memref<1024x128xf32, #tpu.memory_space<hbm>> -> memref<128x64xf32, #tpu.memory_space<hbm>>
    %dma_wait3A_165 = arith.constant 0 : i32
    %dma_wait3A_166 = arith.constant 0 : i32
    %dma_wait3A_167 = tpu.memref_slice %arg10[%rem3A_145, %dma_wait3A_165, %dma_wait3A_166] : memref<2x128x64xf32, #tpu.memory_space<vmem>> -> memref<1x128x64xf32, #tpu.memory_space<vmem>>
    %dma_wait3A_168 = tpu.memref_squeeze %dma_wait3A_167 : memref<1x128x64xf32, #tpu.memory_space<vmem>> -> memref<128x64xf32, #tpu.memory_space<vmem>>
    tpu.wait_dma2 semaphore(%arg12 : memref<!tpu.dma_semaphore, #tpu.memory_space<semaphore_mem>>) src(%dma_wait3A_168 : memref<128x64xf32, #tpu.memory_space<vmem>>) dst(%dma_wait3A_164 : memref<128x64xf32, #tpu.memory_space<hbm>>)
    %eq3A_169 = arith.constant 0 : i32
    %eq3A_170 = arith.cmpi eq, %add3A, %eq3A_169 : i32
    %convert_element_type3A = arith.extui %eq3A_170 : i1 to i32
    %cond3A = arith.constant 0 : i32
    %cond3A_171 = arith.cmpi ne, %convert_element_type3A, %cond3A : i32
    scf.if %cond3A_171 {
      %run_scoped3A_172 = arith.constant 0 : i32
      "tpu.region"() ({
        %run_scoped3A_174 = tpu.sem_alloc : memref<!tpu.dma_semaphore, #tpu.memory_space<semaphore_mem>>
        %dma_start3A_175 = arith.constant 0 : i32
        %dma_start3A_176 = arith.constant 0 : i32
        %dma_start3A_177 = tpu.memref_slice %arg7[%run_scoped3A_172, %dma_start3A_175, %dma_start3A_176] : memref<200x1024x128xf32, #tpu.memory_space<hbm>> -> memref<1x1024x128xf32, #tpu.memory_space<hbm>>
        %dma_start3A_178 = tpu.memref_squeeze %dma_start3A_177 : memref<1x1024x128xf32, #tpu.memory_space<hbm>> -> memref<1024x128xf32, #tpu.memory_space<hbm>>
        %dma_start3A_179 = arith.constant 0 : i32
        %dma_start3A_180 = arith.constant 0 : i32
        %dma_start3A_181 = tpu.memref_slice %dma_start3A_178[%dma_start3A_179, %dma_start3A_180] : memref<1024x128xf32, #tpu.memory_space<hbm>> -> memref<1024x64xf32, #tpu.memory_space<hbm>>
        tpu.enqueue_dma source(%arg6 : memref<1024x64xf32, #tpu.memory_space<hbm>>) target(%dma_start3A_181 : memref<1024x64xf32, #tpu.memory_space<hbm>>) target_semaphore(%run_scoped3A_174 : memref<!tpu.dma_semaphore, #tpu.memory_space<semaphore_mem>>)
        %dma_wait3A_182 = arith.constant 0 : i32
        %dma_wait3A_183 = arith.constant 0 : i32
        %dma_wait3A_184 = tpu.memref_slice %arg7[%run_scoped3A_172, %dma_wait3A_182, %dma_wait3A_183] : memref<200x1024x128xf32, #tpu.memory_space<hbm>> -> memref<1x1024x128xf32, #tpu.memory_space<hbm>>
        %dma_wait3A_185 = tpu.memref_squeeze %dma_wait3A_184 : memref<1x1024x128xf32, #tpu.memory_space<hbm>> -> memref<1024x128xf32, #tpu.memory_space<hbm>>
        %dma_wait3A_186 = arith.constant 0 : i32
        %dma_wait3A_187 = arith.constant 0 : i32
        %dma_wait3A_188 = tpu.memref_slice %dma_wait3A_185[%dma_wait3A_186, %dma_wait3A_187] : memref<1024x128xf32, #tpu.memory_space<hbm>> -> memref<1024x64xf32, #tpu.memory_space<hbm>>
        tpu.wait_dma2 semaphore(%run_scoped3A_174 : memref<!tpu.dma_semaphore, #tpu.memory_space<semaphore_mem>>) src(%arg6 : memref<1024x64xf32, #tpu.memory_space<hbm>>) dst(%dma_wait3A_188 : memref<1024x64xf32, #tpu.memory_space<hbm>>)
        tpu.yield
      }) : () -> ()
      %run_scoped3A_173 = arith.constant 0 : i32
      "tpu.region"() ({
        %run_scoped3A_174 = tpu.sem_alloc : memref<!tpu.dma_semaphore, #tpu.memory_space<semaphore_mem>>
        %dma_start3A_175 = arith.constant 0 : i32
        %dma_start3A_176 = arith.constant 0 : i32
        %dma_start3A_177 = tpu.memref_slice %arg8[%run_scoped3A_173, %dma_start3A_175, %dma_start3A_176] : memref<200x1024x128xf32, #tpu.memory_space<hbm>> -> memref<1x1024x128xf32, #tpu.memory_space<hbm>>
        %dma_start3A_178 = tpu.memref_squeeze %dma_start3A_177 : memref<1x1024x128xf32, #tpu.memory_space<hbm>> -> memref<1024x128xf32, #tpu.memory_space<hbm>>
        %dma_start3A_179 = arith.constant 0 : i32
        %dma_start3A_180 = arith.constant 0 : i32
        %dma_start3A_181 = tpu.memref_slice %dma_start3A_178[%dma_start3A_179, %dma_start3A_180] : memref<1024x128xf32, #tpu.memory_space<hbm>> -> memref<1024x64xf32, #tpu.memory_space<hbm>>
        tpu.enqueue_dma source(%arg6 : memref<1024x64xf32, #tpu.memory_space<hbm>>) target(%dma_start3A_181 : memref<1024x64xf32, #tpu.memory_space<hbm>>) target_semaphore(%run_scoped3A_174 : memref<!tpu.dma_semaphore, #tpu.memory_space<semaphore_mem>>)
        %dma_wait3A_182 = arith.constant 0 : i32
        %dma_wait3A_183 = arith.constant 0 : i32
        %dma_wait3A_184 = tpu.memref_slice %arg8[%run_scoped3A_173, %dma_wait3A_182, %dma_wait3A_183] : memref<200x1024x128xf32, #tpu.memory_space<hbm>> -> memref<1x1024x128xf32, #tpu.memory_space<hbm>>
        %dma_wait3A_185 = tpu.memref_squeeze %dma_wait3A_184 : memref<1x1024x128xf32, #tpu.memory_space<hbm>> -> memref<1024x128xf32, #tpu.memory_space<hbm>>
        %dma_wait3A_186 = arith.constant 0 : i32
        %dma_wait3A_187 = arith.constant 0 : i32
        %dma_wait3A_188 = tpu.memref_slice %dma_wait3A_185[%dma_wait3A_186, %dma_wait3A_187] : memref<1024x128xf32, #tpu.memory_space<hbm>> -> memref<1024x64xf32, #tpu.memory_space<hbm>>
        tpu.wait_dma2 semaphore(%run_scoped3A_174 : memref<!tpu.dma_semaphore, #tpu.memory_space<semaphore_mem>>) src(%arg6 : memref<1024x64xf32, #tpu.memory_space<hbm>>) dst(%dma_wait3A_188 : memref<1024x64xf32, #tpu.memory_space<hbm>>)
        tpu.yield
      }) : () -> ()
    } else {
    }
    return
  }
}

</mosaic_0001>

<sc_bundles>
// kernel: kernel.4.cloned.1.call-start
scs
__scs_entry_jumppad:
0x0: {  	(pc) =	sbr.rel $0x88, $3  }
0x1: {  	(tag) =	ssettag $0x0;
	lr =	simm.s32 $0x1  }
0x2: {  	[smem:$0x3F9A] =	sst lr;
	_ =	strace $0xD0000000  }
0x3: {  	_ = 	snop  }
0x4: {  	_ = 	snop  }
0x5: {  	_ = 	snop  }
0x6: {  	_ = 	snop  }
0x7: {  	_ = 	snop  }
__scs_overlays_trampoline_lowered:
0x8: {  	[smem:$0x3FA9] =	sst s0  }
0x9: {  	[smem:$0x3FAA] =	sst s1  }
0xa: {  	[smem:$0x3FAB] =	sst s2  }
0xb: {  	[smem:$0x3FAC] =	sst s3  }
0xc: {  	[smem:$0x3FAD] =	sst s4  }
0xd: {  	[smem:$0x3FAE] =	sst s5  }
0xe: {  	[smem:$0x3FAF] =	sst s6  }
0xf: {  	[smem:$0x3FB0] =	sst s7  }
0x10: {  	[smem:$0x3FB1] =	sst s8  }
0x11: {  	[smem:$0x3FB2] =	sst s9;
	s0 =	simm.s32 @!p0 $0x0  }
0x12: {  	s1 =	sld [smem:$0x3F98];
	s0 =	simm.s32 @p0 $0x1  }
0x13: {  	[smem:$0x3FB3] =	sst s0;
	s0 =	simm.s32 @!p1 $0x0  }
0x14: {  	s2 =	sld [smem:$0x3F97];
	s0 =	simm.s32 @p1 $0x1  }
0x15: {  	[smem:$0x3FB4] =	sst s0;
	s0 =	simm.s32 @!p2 $0x0  }
0x16: {  	s3 =	sld [smem:$0x3FDB];
	s0 =	simm.s32 @p2 $0x1  }
0x17: {  	s4 =	simm.s32 $0x1BF5;
	[smem:$0x3FB6] =	sst s0  }
0x18: {  	s0 =	sld [smem:$0x3F99];
	_ =	swait.ge [sflag:s4], $0x0  }
0x19: {  	s7 =	sld [smem:$0x3F9A]  }
0x1a: {  	s8 =	sadd.s32 $0xFFFFE003, lr  }
0x1b: {  	s9 =	sadd.s32 $0xFFFFFEF7, lr;
	s5 =	simm.s32 $0xFFFFFFFF;
	p2 =	slt.u32 s8, $0xFFFFF086  }
0x1c: {  	p1 =	slt.u32 s9, $0xF7A;
	s5 =	simm.s32 @!p2 $0x0  }
0x1d: {  	s5 =	simm.s32 @p1 $0x1;
	p0 =	seq.s32 s7, s2  }
0x1e: {  	s7 =	smul.u32 @!p0 $0xF7A, s2;
	p2 =	seq.s32 @!p0 s5, $0x0  }
0x1f: {  	s9 =	smul.u32 $0xF7A, s1;
	s8 =	simm.s32 @!p0 $0x1BF5;
	p2 =	por !p2, p0  }
0x20: {  	[sflag:s8] =	ssyncset.s32 @!p0 $0xFFFFF086;
	s6 =	sadd.s32 @!p0 s3, s7;
	s7 =	simm.s32 @!p0 $0x108  }
0x21: {  	s3 =	sadd.s32 s3, s9;
	s6 =	sadd.s32 @!p0 $0x88, s6;
	s7 =	simm.s32 @p2 $0x1082  }
0x22: {  	[simem:s7], [sflag:s8] =	dma.local @!p0 [hbm:s6], $0xF7A  }
0x23: {  	s9 =	sor.u32 $0xD0000000, s2;
	s6 =	simm.s32 $0x108;
	_ =	swait.ge @!p0 [sflag:s8], $0x0  }
0x24: {  	s3 =	sadd.s32 $0x88, s3;
	s6 =	simm.s32 @!p1 $0x1082;
	[sflag:s4] =	ssyncset.s32 $0xFFFFF086  }
0x25: {  	[simem:s6], [sflag:s4] =	dma.local [hbm:s3], $0xF7A  }
0x26: {  	[smem:$0x3F9A] =	sst s1;
	(tag) =	ssettag s2;
	_ =	strace s9  }
0x27: {  	s1 =	sld [smem:$0x3FAA]  }
0x28: {  	s2 =	sld [smem:$0x3FAB]  }
0x29: {  	s4 =	sld [smem:$0x3FAD]  }
0x2a: {  	p0 =	seq.s32 s5, $0x0;
	s5 =	sld [smem:$0x3FAE]  }
0x2b: {  	s6 =	sld [smem:$0x3FAF]  }
0x2c: {  	s7 =	sld [smem:$0x3FB0]  }
0x2d: {  	s3 =	simm.s32 $0x108;
	s8 =	sld [smem:$0x3FB1]  }
0x2e: {  	s3 =	simm.s32 @!p0 $0x1082;
	s9 =	sld [smem:$0x3FB2]  }
0x2f: {  	lr =	sadd.s32 s0, s3;
	s0 =	sld [smem:$0x3FA9]  }
0x30: {  	s3 =	sld [smem:$0x3FAC]  }
0x31: {  	[smem:$0x3FB5] =	sst s10  }
0x32: {  	s10 =	sld [smem:$0x3FB3];
	_ =	sdelay $0x3  }
0x33: {  	p0 =	seq.s32 s10, $0x1;
	s10 =	sld [smem:$0x3FB5];
	_ =	sdelay $0x3  }
0x34: {  	[smem:$0x3FB5] =	sst s10  }
0x35: {  	s10 =	sld [smem:$0x3FB4];
	_ =	sdelay $0x3  }
0x36: {  	p1 =	seq.s32 s10, $0x1;
	s10 =	sld [smem:$0x3FB5];
	_ =	sdelay $0x3  }
0x37: {  	[smem:$0x3FB5] =	sst s10  }
0x38: {  	s10 =	sld [smem:$0x3FB6]  }
0x39: {  	_ = 	snop;
	(pc) =	sbr.ind lr, $3  }
0x3a: {  	_ = 	snop  }
0x3b: {  	_ = 	snop  }
0x3c: {  	p2 =	seq.s32 s10, $0x1;
	s10 =	sld [smem:$0x3FB5]  }
0x3d: {  	_ =	shalt  }
0x3e: {  	_ =	shalt  }
0x3f: {  	_ =	shalt  }
0x40: {  	_ =	shalt  }
0x41: {  	_ =	shalt  }
0x42: {  	_ =	shalt  }
0x43: {  	_ =	shalt  }
0x44: {  	_ =	shalt  }
0x45: {  	_ =	shalt  }
0x46: {  	_ =	shalt  }
0x47: {  	_ =	shalt  }
0x48: {  	_ =	shalt  }
0x49: {  	_ =	shalt  }
0x4a: {  	_ =	shalt  }
0x4b: {  	_ =	shalt  }
0x4c: {  	_ =	shalt  }
0x4d: {  	_ =	shalt  }
0x4e: {  	_ =	shalt  }
0x4f: {  	_ =	shalt  }
0x50: {  	_ =	shalt  }
0x51: {  	_ =	shalt  }
0x52: {  	_ =	shalt  }
0x53: {  	_ =	shalt  }
0x54: {  	_ =	shalt  }
0x55: {  	_ =	shalt  }
0x56: {  	_ =	shalt  }
0x57: {  	_ =	shalt  }
0x58: {  	_ =	shalt  }
0x59: {  	_ =	shalt  }
0x5a: {  	_ =	shalt  }
0x5b: {  	_ =	shalt  }
0x5c: {  	_ =	shalt  }
0x5d: {  	_ =	shalt  }
0x5e: {  	_ =	shalt  }
0x5f: {  	_ =	shalt  }
0x60: {  	_ =	shalt  }
0x61: {  	_ =	shalt  }
0x62: {  	_ =	shalt  }
0x63: {  	_ =	shalt  }
0x64: {  	_ =	shalt  }
0x65: {  	_ =	shalt  }
0x66: {  	_ =	shalt  }
0x67: {  	_ =	shalt  }
0x68: {  	_ =	shalt  }
0x69: {  	_ =	shalt  }
0x6a: {  	_ =	shalt  }
0x6b: {  	_ =	shalt  }
0x6c: {  	_ =	shalt  }
0x6d: {  	_ =	shalt  }
0x6e: {  	_ =	shalt  }
0x6f: {  	_ =	shalt  }
0x70: {  	_ =	shalt  }
0x71: {  	_ =	shalt  }
0x72: {  	_ =	shalt  }
0x73: {  	_ =	shalt  }
0x74: {  	_ =	shalt  }
0x75: {  	_ =	shalt  }
0x76: {  	_ =	shalt  }
0x77: {  	_ =	shalt  }
0x78: {  	_ =	shalt  }
0x79: {  	_ =	shalt  }
0x7a: {  	_ =	shalt  }
0x7b: {  	_ =	shalt  }
0x7c: {  	_ =	shalt  }
0x7d: {  	_ =	shalt  }
0x7e: {  	_ =	shalt  }
0x7f: {  	_ =	shalt  }
0x80: {  	_ =	shalt  }
0x81: {  	_ =	shalt  }
0x82: {  	_ =	shalt  }
0x83: {  	_ =	shalt  }
0x84: {  	_ =	shalt  }
0x85: {  	_ =	shalt  }
0x86: {  	_ =	shalt  }
0x87: {  	_ =	shalt  }
.Lfunc_end0:
.L_simem_size_0:
called_computation.4_lowered:
.L_overlay_start_0:
0x88: {  	s2 =	sld [smem:$0x3FD9]  }
0x89: {  	s3 =	sld [smem:$0x3FFE];
	_ =	sdelay $0x1  }
0x8a: {  	s1 =	srdreg.scid  }
0x8b: {  	s0 =	sand.u32 $0x1, s1  }
0x8c: {  	s15 =	sshll.u32 s0, $0xA;
	s2 =	sadd.s32 s3, s2  }
0x8d: {  	s2 =	sadd.s32 s2, s15  }
0x8e: {  	[smem:$0x3FC1] =	sst s2  }
0x8f: {  	_ = 	snop  }
0x90: {  	s2 =	sld [smem:$0x3FD0];
	_ =	sdelay $0x2  }
0x91: {  	s16 =	simm.s32 $0xD;
	s4 =	simm.s32 $0x10  }
0x92: {  	[smem:s4], [sflag:s16] =	dma.local [hbm:s2], $0x1  }
0x93: {  	_ =	swait.eq [sflag:s16], $0x1  }
0x94: {  	[sflag:s16] =	ssyncset.done $0x0  }
0x95: {  	[sflag:s16] =	ssyncadd.s32 $0xFFFFFFFF  }
0x96: {  	s17 =	sld [smem:$0x11];
	(tm) =	ssettm $0x1  }
0x97: {  	s18 =	sld [smem:$0x3FFB];
	_ =	sdelay $0x3  }
0x98: {  	_ =	strace s18  }
0x99: {  	s2 =	sld [smem:$0x3FFC];
	_ =	sdelay $0x3  }
0x9a: {  	_ =	strace s2  }
0x9b: {  	s2 =	sld [smem:$0x3FFD];
	_ =	sdelay $0x3  }
0x9c: {  	_ =	strace s2  }
0x9d: {  	_ =	strace $0x8FFFFFFF  }
0x9e: {  	s19 =	sld [smem:$0x3FDB];
	_ =	sdelay $0x1  }
0x9f: {  	s20 =	simm.s32 $_scs_section_size  }
0xa0: {  	s5 =	simm.s32 $_size__tile_overlayer_lowered;
	s6 =	simm.s32 $_tile_overlayer_lowered  }
0xa1: {  	s7 =	simm.s32 $0x1BFF;
	s21 =	sshll.u32 s6, $0x1;
	s4 =	sadd.s32 s20, s19  }
0xa2: {  	s22 =	simm.s32 $0x0;
	s5 =	sshll.u32 s5, $0x1;
	s6 =	sadd.s32 s21, s4  }
0xa3: {  	[timem:s22], [sflag:s7] =	dma.local [hbm:s6], s5  }
0xa4: {  	_ =	swait.ge [sflag:s7], s5  }
0xa5: {  	s5 =	ssub.s32 $0x0, s5;
	[sflag:s7] =	ssyncset.done $0x0  }
0xa6: {  	[sflag:s7] =	ssyncadd.s32 s5;
	_ =	sdelay $0x1  }
0xa7: {  	s23 =	simm.s32 $0x1B8B  }
0xa8: {  	_ =	swait.ge [sflag:s23], $0x1  }
0xa9: {  	[sflag:s23] =	ssyncset.done $0x0  }
0xaa: {  	[sflag:s23] =	ssyncadd.s32 $0xFFFFFFFF  }
0xab: {  	s5 =	sld [smem:$0x0]  }
0xac: {  	s6 =	sand.u32 $0xFFFFFFFE, s1  }
0xad: {  	p0 =	sne.s32 s1, s6  }
0xae: {  	s6 =	sshll.u32 @p0 s6, $0xE  }
0xaf: {  	s6 =	sadd.s32 @p0 $0x11B8D, s6;
	s7 =	sshll.u32 @p0 s5, $0x11  }
0xb0: {  	s6 =	sor.u32 @p0 s7, s6  }
0xb1: {  	[sflag:s6] =	ssyncadd.remote.s32 @p0 $0x1;
	_ =	sdelay $0x1  }
0xb2: {  	s6 =	simm.s32 @p0 $0x1B8D  }
0xb3: {  	_ =	swait.eq @p0 [sflag:s6], $0x1  }
0xb4: {  	[sflag:s6] =	ssyncadd.s32 @p0 $0xFFFFFFFF  }
0xb5: {  	s7 =	sshll.u32 @!p0 s1, $0xE  }
0xb6: {  	s7 =	sor.u32 @!p0 $0x4000, s7;
	s6 =	simm.s32 @!p0 $0x1B8D  }
0xb7: {  	s5 =	sshll.u32 @!p0 s5, $0x11;
	s7 =	sadd.s32 @!p0 $0x11B8D, s7;
	_ =	swait.eq @!p0 [sflag:s6], $0x1  }
0xb8: {  	s5 =	sor.u32 @!p0 s5, s7;
	[sflag:s6] =	ssyncadd.s32 @!p0 $0xFFFFFFFF  }
0xb9: {  	s25 =	simm.s32 $0x1B8E;
	s24 =	sld [smem:$0x3FFE];
	[sflag:s5] =	ssyncadd.remote.s32 @!p0 $0x1  }
0xba: {  	s26 =	simm.s32 $execute0_lowered;
	[smem:$0x3FD2] =	sst s25  }
0xbb: {  	s6 =	sshll.u32 s26, $0x1;
	_ =	strace $0x80000049;
	[dreg:$0x1] =	wrdreg $0xFFFFFFFF  }
0xbc: {  	s28 =	simm.s32 $_size_execute0_lowered;
	s4 =	sadd.s32 s4, s6;
	[dreg:$0x0] =	wrdreg $0x0  }
0xbd: {  	s6 =	sshll.u32 s28, $0x1;
	[dreg:$0x2] =	wrdreg s4  }
0xbe: {  	[dreg:$0x3] =	wrdreg s6  }
0xbf: {  	[dreg:$0x4] =	wrdreg $0xC0  }
0xc0: {  	_ =	task [dreg:s22], $0x5FFFF  }
0xc1: {  	[dreg:$0x1] =	wrdreg $0xFFFFFFFF  }
0xc2: {  	[dreg:$0x0] =	wrdreg $0x60  }
0xc3: {  	[dreg:$0x2] =	wrdreg s17  }
0xc4: {  	[dreg:$0x3] =	wrdreg s24  }
0xc5: {  	[dreg:$0x4] =	wrdreg $0xA  }
0xc6: {  	_ =	task.clear_ibuf [dreg:s22], $0x5FFFF;
	_ =	strace $0x90000049  }
0xc7: {  	s29 =	simm.s32 $0xA;
	_ =	strace $0x8000004B  }
0xc8: {  	_ =	swait.ge [sflag:s29], $0x1  }
0xc9: {  	[sflag:s29] =	ssyncadd.s32 $0xFFFFFFFF  }
0xca: {  	_ =	strace $0x9000004B  }
0xcb: {  	_ =	sfence  }
0xcc: {  	s30 =	sld [smem:$0x0];
	_ =	sdelay $0x2  }
0xcd: {  	s31 =	sshll.u32 s1, $0xD;
	s1 =	sshrl.u32 s1, $0x2  }
0xce: {  	s4 =	sand.u32 $0x4000, s31;
	s1 =	sadd.s32 s1, s30  }
0xcf: {  	s0 =	sor.u32 s4, s0;
	s1 =	sshll.u32 s1, $0x11  }
0xd0: {  	s0 =	sor.u32 s1, s0  }
0xd1: {  	s0 =	sadd.s32 $0x8F2B, s0  }
0xd2: {  	[sflag:s0] =	ssyncadd.remote.s32 $0x1  }
0xd3: {  	_ =	sfence.sel $0xFFFF  }
0xd4: {  	[dreg:$0x0] =	wrdreg $0xFFFFFFFF;
	(pc) =	sbr.abs _section_cstart, $3  }
0xd5: {  	[dreg:$0x1] =	wrdreg $0xFFFFFFFF  }
0xd6: {  	_ =	task.clear_ibuf [dreg:s22], $0x2FFFF;
	_ =	strace $0x9FFFFFFF  }
0xd7: {  	(tm) =	ssettm $0x7FFFFFFF  }
tec
execute0_lowered:
.L_overlay_start_1:
0x0: {  	(tag) =	ssettag $0x1  }
0x1: {  	s0 =	srdreg.scid  }
0x2: {  	s5 =	stileid.u32;
	s2 =	rddreg [dreg:$0x0]  }
0x3: {  	s6 =	rddreg [dreg:$0x1];
	s23 =	simm.s32 $0x0;
	s8 =	simm.s32 $0x8  }
0x4: {  	s28 =	simm.s32 $0x80;
	s30 =	simm.s32 $0x4000;
	s31 =	simm.s32 $0x1  }
0x5: {  	s0 =	sand.u32 $0x1, s0;
	s1 =	sshll.u32 s5, $0x1;
	p0 =	slt.u32 s5, $0xC  }
0x6: {  	[smem:$0x7FF] =	sst s23;
	s19 =	sadd.s32 $0x2C00, s6;
	s1 =	sor.u32 s0, s1  }
0x7: {  	s9 =	sadd.s32 $0x651C00, s6;
	s0 =	ssub.s32 $0x2, s0;
	s3 =	smul.u32 $0x7, s1  }
0x8: {  	_ =	strace $0x8000004A;
	s4 =	smul.u32 $0x6, s1;
	s10 =	sshrl.u32 s0, $0x1  }
0x9: {  	[dreg:$0x3] =	wrdreg s19;
	s0 =	ssub.s32 s0, s10;
	s3 =	sadd.s32 $0xFFFFFFE8, s3  }
0xa: {  	s10 =	simm.s32 $0x30;
	s0 =	smax.u32 s0, $0x1;
	s3 =	smov.u32 @p0 s4  }
0xb: {  	p1 =	slt.s32 s3, $0xC0;
	s4 =	smov.u32 s3;
	s12 =	sadd.s32 $0xFFFFFFFF, s3  }
0xc: {  	s4 =	simm.s32 @!p1 $0xC0;
	p1 =	sgt.s32 s12, $0x0;
	s13 =	smov.u32 s12  }
0xd: {  	[dreg:$0x8] =	wrdreg s0;
	s18 =	sshll.u32 s4, $0x7;
	s13 =	simm.s32 @!p1 $0x0  }
0xe: {  	p1 =	seq.s32 s1, $0x0;
	s11 =	ssub.s32 s3, s4;
	s5 =	sand.u32 $0x1FFFFF80, s18  }
0xf: {  	s7 =	sshll.u32 s13, $0x7;
	s8 =	simm.s32 @!p1 $0x0;
	s12 =	ssub.s32 s12, s13  }
0x10: {  	s14 =	sadd.s32 s5, s6;
	s5 =	sadd.s32 $0x64B000, s6;
	s20 =	sshrl.u32 s8, $0x3  }
0x11: {  	s15 =	sadd.s32 s7, s6;
	s7 =	sadd.s32 $0x971C00, s6;
	s21 =	sadd.s32 s20, s11  }
0x12: {  	s22 =	sadd.s32 $0x644C00, s14;
	s24 =	sadd.s32 s20, s12;
	s16 =	sadd.s32 $0x64B800, s15  }
0x13: {  	[dreg:$0x4] =	wrdreg s22;
	s6 =	sshll.u32 s21, $0xC;
	s26 =	sshll.u32 s24, $0xC  }
0x14: {  	[dreg:$0x6] =	wrdreg s16;
	s24 =	sshll.u32 s8, $0xF;
	s25 =	sshra.s32 s6, $0x2  }
0x15: {  	s4 =	sadd.s32 s3, s20;
	s29 =	sor.u32 $0x10000, s24;
	[dreg:$0x5] =	wrdreg s25  }
0x16: {  	s6 =	sshra.s32 s26, $0x2;
	s26 =	sor.u32 $0x2, s8;
	[dreg:$0xe] =	wrdreg s29  }
0x17: {  	s4 =	sshll.u32 s4, $0xE;
	s17 =	sadd.s32 $0x2000, s6;
	[dreg:$0xf] =	wrdreg s26  }
0x18: {  	s18 =	sand.u32 $0x1FFFC000, s4;
	s19 =	sor.u32 $0x80, s25;
	[dreg:$0x7] =	wrdreg s17  }
0x19: {  	s10 =	simm.s32 @!p0 $0x38;
	s20 =	sadd.s32 s7, s18;
	[dreg:$0x9] =	wrdreg s19  }
0x1a: {  	p0 =	sne.s32 s1, $0x0;
	s21 =	sadd.s32 $0x2080, s6;
	[dreg:$0xa] =	wrdreg s20  }
0x1b: {  	s22 =	sshll.u32 s8, $0x9;
	s0 =	sadd.s32 s9, s18;
	[dreg:$0xb] =	wrdreg s21  }
0x1c: {  	s25 =	sshll.u32 s8, $0xB;
	[dreg:$0xc] =	wrdreg s0;
	s0 =	sor.u32 $0x400, s22  }
0x1d: {  	s1 =	simm.s32 $0x40;
	[dreg:$0xd] =	wrdreg s0;
	s0 =	sor.u32 $0x800, s25  }
0x1e: {  	s24 =	simm.s32 $0x3;
	s4 =	simm.s32 $0x0;
	[dreg:$0x10] =	wrdreg s0  }
.LBB2_1:
0x1f: {  	s0 =	rddreg [dreg:$0x4];
	s6 =	simm.s32 $0x6000  }
0x20: {  	[tilespmem:s23], [sflag:$0x3] =	stream.linear.gather [hbm4b:s0+s23], $0x2000, $0x38;
	[tilespmem:$0x8000] =	vst v63  }
0x21: {  	s17 =	sadd.s32 $0x1, s26;
	s15 =	sadd.s32 $0x8000, s29;
	_ =	swait.ge [sflag:s24], $0x2000  }
0x22: {  	p2 =	sge.u32 s26, s10;
	p1 =	sne.s32 s10, s17;
	[sflag:s24] =	ssyncset.done $0x0  }
0x23: {  	s21 =	rddreg [dreg:$0x5];
	[sflag:s24] =	ssyncadd.s32 $0xFFFFE000;
	s24 =	sadd.s32 $0xFFFFFFFF, s26  }
0x24: {  	[tilespmem:s30], [sflag:$0x1] =	stream.indirect.gather [hbm4b:s2+s28], $0x40, s21, s28, $0xb8;
	[tilespmem:$0x8000] =	vst v63  }
0x25: {  	s14 =	sshrl.u32 @!p2 s26, $0x3;
	s22 =	rddreg [dreg:$0x9];
	p3 =	sle.u32 s24, s8  }
0x26: {  	[tilespmem:s6], [sflag:$0x1] =	stream.indirect.gather [hbm4b:s2+s28], $0x40, s22, s28, $0xb8;
	[tilespmem:$0x8000] =	vst v63  }
0x27: {  	s18 =	simm.s32 @!p3 $0x2;
	_ =	swait.ge [sflag:s31], $0x2000;
	[dreg:$0x11] =	wrdreg s14  }
0x28: {  	s6 =	sshrl.u32 s24, $0x3;
	s24 =	smov.u32 s17;
	s23 =	rddreg [dreg:$0xa]  }
0x29: {  	s14 =	sadd.s32 @!p2 s11, s14;
	s6 =	sadd.s32 s3, s6;
	s13 =	rddreg [dreg:$0xd]  }
0x2a: {  	[sflag:s31] =	ssyncset.done $0x0;
	s16 =	rddreg [dreg:$0x10];
	s14 =	sshll.u32 @!p2 s14, $0xC  }
0x2b: {  	s6 =	sshll.u32 s6, $0xE;
	[sflag:s31] =	ssyncadd.s32 $0xFFFFE000;
	s0 =	sadd.s32 $0x200, s13  }
0x2c: {  	s25 =	sadd.s32 $0x800, s16;
	s13 =	sand.u32 @!p2 $0xE00, s13;
	s14 =	sshra.s32 @!p2 s14, $0x2  }
0x2d: {  	[hbm4b:s23+s1] =	stream.strided.scatter [tilespmem:s30], [sflag:$0x2], $0x2000, s28, s1, $0x38;
	[tilespmem:$0x8000] =	vst v63  }
0x2e: {  	s6 =	sand.u32 $0x1FFFC000, s6;
	s19 =	sshrl.u32 @!p2 s13, $0x2;
	s13 =	sand.u32 @!p2 $0x8000, s29  }
0x2f: {  	s30 =	sadd.s32 $0xFFFF8000, s29;
	s23 =	smov.u32 s15;
	_ =	swait.ge @!p3 [sflag:s18], $0x2000  }
0x30: {  	s13 =	sshrl.u32 @!p2 s13, $0x2;
	[dreg:$0x12] =	wrdreg s19;
	s14 =	sor.u32 @!p2 s19, s14  }
0x31: {  	s22 =	sand.u32 $0x8000, s30;
	[sflag:s18] =	ssyncset.done @!p3 $0x0;
	s13 =	sor.u32 @!p2 $0x4000, s13  }
.Ltmp0:
0x32: {  	[sflag:s18] =	ssyncadd.s32 @!p3 $0xFFFFE000;
	s18 =	simm.s32 @!p2 $0x80;
	(pc) =	sbr.rel @!p1 .LBB2_3-.Ltmp0, $4  }
0x33: {  	[tilespmem:s13], [sflag:$0x1] =	stream.indirect.gather @!p2 [hbm4b:s2+s18], $0x40, s14, s18, $0xb8;
	[tilespmem:$0x8000] =	vst v63  }
0x34: {  	[dreg:$0x13] =	wrdreg s13;
	s14 =	sand.u32 $0x3800, s16;
	s16 =	smov.u32 s0  }
0x35: {  	s13 =	smov.u32 s25;
	_ =	swait.ge [sflag:s31], $0x2000;
	[dreg:$0x15] =	wrdreg s22  }
0x36: {  	[dreg:$0x14] =	wrdreg s6;
	s18 =	smov.u32 s14;
	[sflag:s31] =	ssyncset.done $0x0  }
.LBB2_2:
0x37: {  	s29 =	smov.u32 s23;
	s26 =	smov.u32 s24  }
0x38: {  	s22 =	sshrl.u32 s22, $0x2;
	s6 =	sadd.s32 s7, s6;
	s21 =	smov.u32 s24  }
0x39: {  	s24 =	sadd.s32 $0x1, s24;
	s30 =	smov.u32 s16;
	s20 =	smov.u32 s23  }
0x3a: {  	s22 =	sor.u32 $0x4000, s22;
	s6 =	sadd.s32 s18, s6;
	[sflag:s31] =	ssyncadd.s32 $0xFFFFE000  }
0x3b: {  	[hbm4b:s6+s1] =	stream.strided.scatter [tilespmem:s22], [sflag:$0x2], $0x2000, s28, s1, $0x38;
	[tilespmem:$0x8000] =	vst v63  }
0x3c: {  	p4 =	sne.s32 s10, s24;
	s6 =	smov.u32 s13  }
0x3d: {  	s16 =	sadd.s32 $0x200, s16  }
0x3e: {  	s23 =	sadd.s32 $0x8000, s23;
	p5 =	sge.u32 s21, s10;
	s13 =	sadd.s32 $0x800, s13  }
0x3f: {  	s19 =	sand.u32 @!p5 $0x8000, s20;
	s22 =	sadd.s32 $0xFFFFFFFF, s21;
	s18 =	sand.u32 $0x3800, s6  }
0x40: {  	p6 =	sle.u32 s22, s8;
	s6 =	sshrl.u32 @!p5 s21, $0x3;
	s21 =	sand.u32 @!p5 $0xE00, s30  }
0x41: {  	s30 =	simm.s32 @!p6 $0x2;
	s6 =	sadd.s32 @!p5 s11, s6;
	s21 =	sshrl.u32 @!p5 s21, $0x2  }
0x42: {  	s19 =	sshrl.u32 @!p5 s19, $0x2;
	s6 =	sshll.u32 @!p5 s6, $0xC;
	_ =	swait.ge @!p6 [sflag:s30], $0x2000  }
0x43: {  	s22 =	sshrl.u32 s22, $0x3;
	s6 =	sshra.s32 @!p5 s6, $0x2;
	[sflag:s30] =	ssyncset.done @!p6 $0x0  }
.Ltmp1:
0x44: {  	s6 =	sor.u32 @!p5 s21, s6;
	[sflag:s30] =	ssyncadd.s32 @!p6 $0xFFFFE000;
	(pc) =	sbr.rel @p4 .LBB2_2-.Ltmp1, $4  }
0x45: {  	s19 =	sor.u32 @!p5 $0x4000, s19;
	s22 =	sadd.s32 s3, s22;
	s21 =	simm.s32 @!p5 $0x80  }
0x46: {  	[tilespmem:s19], [sflag:$0x1] =	stream.indirect.gather @!p5 [hbm4b:s2+s21], $0x40, s6, s21, $0xb8;
	[tilespmem:$0x8000] =	vst v63  }
0x47: {  	s6 =	sadd.s32 $0xFFFF8000, s20;
	s19 =	sshll.u32 s22, $0xE;
	_ =	swait.ge [sflag:s31], $0x2000  }
0x48: {  	s22 =	sand.u32 $0x8000, s6;
	s6 =	sand.u32 $0x1FFFC000, s19;
	[sflag:s31] =	ssyncset.done $0x0  }
.LBB2_3:
0x49: {  	s19 =	sshrl.u32 s22, $0x2  }
0x4a: {  	s6 =	sadd.s32 s7, s6;
	[sflag:s31] =	ssyncadd.s32 $0xFFFFE000;
	s21 =	sadd.s32 $0xFFFFFFFE, s24  }
0x4b: {  	s6 =	sadd.s32 s18, s6;
	s20 =	sor.u32 $0x4000, s19;
	p4 =	slt.u32 s21, s8  }
0x4c: {  	[hbm4b:s6+s1] =	stream.strided.scatter [tilespmem:s20], [sflag:$0x2], $0x2000, s28, s1, $0x38;
	[tilespmem:$0x8000] =	vst v63  }
0x4d: {  	s6 =	simm.s32 @!p4 $0x2  }
0x4e: {  	p5 =	sge.u32 s24, s10;
	_ =	swait.ge @!p4 [sflag:s6], $0x2000  }
0x4f: {  	s18 =	sshrl.u32 @!p5 s24, $0x3;
	[sflag:s6] =	ssyncset.done @!p4 $0x0  }
0x50: {  	s22 =	sshrl.u32 s26, $0x3;
	[sflag:s6] =	ssyncadd.s32 @!p4 $0xFFFFE000;
	s6 =	sadd.s32 @!p5 s11, s18  }
0x51: {  	s16 =	sand.u32 @!p5 $0xE00, s16;
	s18 =	sand.u32 @!p5 $0x8000, s23;
	s6 =	sshll.u32 @!p5 s6, $0xC  }
0x52: {  	s16 =	sshrl.u32 @!p5 s16, $0x2;
	s18 =	sshrl.u32 @!p5 s18, $0x2;
	s6 =	sshra.s32 @!p5 s6, $0x2  }
0x53: {  	s18 =	sor.u32 @!p5 $0x4000, s18;
	s6 =	sor.u32 @!p5 s16, s6;
	s16 =	simm.s32 @!p5 $0x80  }
0x54: {  	[tilespmem:s18], [sflag:$0x1] =	stream.indirect.gather @!p5 [hbm4b:s2+s16], $0x40, s6, s16, $0xb8;
	[tilespmem:$0x8000] =	vst v63  }
0x55: {  	s6 =	sadd.s32 s3, s22  }
0x56: {  	s13 =	sand.u32 $0x3800, s13;
	s26 =	simm.s32 $0x2;
	s6 =	sshll.u32 s6, $0xE  }
0x57: {  	s23 =	sand.u32 $0x8000, s29;
	_ =	swait.ge [sflag:s31], $0x2000;
	s6 =	sand.u32 $0x1FFFC000, s6  }
0x58: {  	s16 =	sshrl.u32 s23, $0x2;
	[sflag:s31] =	ssyncset.done $0x0;
	s6 =	sadd.s32 s7, s6  }
0x59: {  	s24 =	sor.u32 $0x4000, s16;
	[sflag:s31] =	ssyncadd.s32 $0xFFFFE000;
	s6 =	sadd.s32 s13, s6  }
0x5a: {  	[hbm4b:s6+s1] =	stream.strided.scatter [tilespmem:s24], [sflag:$0x2], $0x2000, s28, s1, $0x38;
	[tilespmem:$0x8000] =	vst v63  }
0x5b: {  	_ =	swait.ge [sflag:s26], $0x2000  }
0x5c: {  	s23 =	simm.s32 $0x0;
	s16 =	simm.s32 $0x2000;
	[sflag:s26] =	ssyncset.done $0x0  }
0x5d: {  	s24 =	simm.s32 $0x3;
	s13 =	rddreg [dreg:$0x6];
	[sflag:s26] =	ssyncadd.s32 $0xFFFFE000  }
0x5e: {  	[tilespmem:s16], [sflag:$0x3] =	stream.linear.gather [hbm4b:s13+s23], $0x2000, $0x38;
	[tilespmem:$0x8000] =	vst v63  }
0x5f: {  	_ =	swait.ge [sflag:s24], $0x2000  }
0x60: {  	[sflag:s24] =	ssyncset.done $0x0  }
0x61: {  	s30 =	simm.s32 $0x4000;
	s18 =	rddreg [dreg:$0x7];
	[sflag:s24] =	ssyncadd.s32 $0xFFFFE000  }
0x62: {  	[tilespmem:s30], [sflag:$0x1] =	stream.indirect.gather [hbm4b:s5+s28], $0x40, s18, s28, $0xb8;
	[tilespmem:$0x8000] =	vst v63  }
0x63: {  	s20 =	simm.s32 $0x6000;
	s19 =	rddreg [dreg:$0xb]  }
0x64: {  	[tilespmem:s20], [sflag:$0x1] =	stream.indirect.gather [hbm4b:s5+s28], $0x40, s19, s28, $0xb8;
	[tilespmem:$0x8000] =	vst v63  }
0x65: {  	_ =	swait.ge [sflag:s31], $0x2000  }
0x66: {  	s13 =	simm.s32 @!p3 $0x2;
	[sflag:s31] =	ssyncset.done $0x0;
	s6 =	rddreg [dreg:$0x11]  }
0x67: {  	s21 =	rddreg [dreg:$0xc];
	[sflag:s31] =	ssyncadd.s32 $0xFFFFE000;
	s6 =	sadd.s32 @!p2 s12, s6  }
0x68: {  	[hbm4b:s21+s1] =	stream.strided.scatter [tilespmem:s30], [sflag:$0x2], $0x2000, s28, s1, $0x38;
	[tilespmem:$0x8000] =	vst v63  }
0x69: {  	s6 =	sshll.u32 @!p2 s6, $0xC;
	_ =	swait.ge @!p3 [sflag:s13], $0x2000  }
0x6a: {  	s6 =	sshra.s32 @!p2 s6, $0x2;
	s16 =	rddreg [dreg:$0x12];
	[sflag:s13] =	ssyncset.done @!p3 $0x0  }
0x6b: {  	s6 =	sor.u32 @!p2 s16, s6;
	[sflag:s13] =	ssyncadd.s32 @!p3 $0xFFFFE000  }
0x6c: {  	s13 =	rddreg [dreg:$0x13];
	s16 =	simm.s32 @!p2 $0x80;
	s6 =	sadd.s32 @!p2 $0x2000, s6  }
0x6d: {  	[tilespmem:s13], [sflag:$0x1] =	stream.indirect.gather @!p2 [hbm4b:s5+s16], $0x40, s6, s16, $0xb8;
	[tilespmem:$0x8000] =	vst v63  }
.Ltmp2:
0x6e: {  	s22 =	rddreg [dreg:$0x15];
	_ =	swait.ge [sflag:s31], $0x2000;
	(pc) =	sbr.rel @!p1 .LBB2_5-.Ltmp2, $4  }
0x6f: {  	s26 =	rddreg [dreg:$0x14]  }
0x70: {  	s29 =	rddreg [dreg:$0xe]  }
0x71: {  	s18 =	sadd.s32 s9, s26;
	s26 =	rddreg [dreg:$0xf]  }
0x72: {  	s16 =	sshrl.u32 s22, $0x2;
	s6 =	smov.u32 s29;
	s13 =	smov.u32 s26  }
.LBB2_4:
0x73: {  	s6 =	smov.u32 s15;
	s13 =	smov.u32 s17;
	s16 =	sor.u32 $0x4000, s16  }
0x74: {  	s14 =	sadd.s32 s14, s18;
	s18 =	smov.u32 s17;
	[sflag:s31] =	ssyncset.done $0x0  }
0x75: {  	s17 =	sadd.s32 $0x1, s17;
	s19 =	smov.u32 s0;
	[sflag:s31] =	ssyncadd.s32 $0xFFFFE000  }
0x76: {  	[hbm4b:s14+s1] =	stream.strided.scatter [tilespmem:s16], [sflag:$0x2], $0x2000, s28, s1, $0x38;
	[tilespmem:$0x8000] =	vst v63  }
0x77: {  	p1 =	sne.s32 s10, s17;
	s14 =	smov.u32 s15;
	s16 =	smov.u32 s25  }
0x78: {  	p2 =	sge.u32 s18, s10;
	s15 =	sadd.s32 $0x8000, s15;
	s25 =	sadd.s32 $0x800, s25  }
0x79: {  	s0 =	sadd.s32 $0x200, s0;
	s20 =	sadd.s32 $0xFFFFFFFF, s18;
	s18 =	sshrl.u32 @!p2 s18, $0x3  }
0x7a: {  	s19 =	sand.u32 @!p2 $0xE00, s19;
	s22 =	sshrl.u32 s20, $0x3;
	s21 =	sand.u32 @!p2 $0x8000, s14  }
0x7b: {  	p3 =	sle.u32 s20, s8;
	s18 =	sadd.s32 @!p2 s12, s18;
	s19 =	sshrl.u32 @!p2 s19, $0x2  }
0x7c: {  	s20 =	sadd.s32 s3, s22;
	s18 =	sshll.u32 @!p2 s18, $0xC;
	s21 =	sshrl.u32 @!p2 s21, $0x2  }
0x7d: {  	s22 =	simm.s32 @!p3 $0x2;
	s18 =	sshra.s32 @!p2 s18, $0x2;
	s21 =	sor.u32 @!p2 $0x4000, s21  }
0x7e: {  	s18 =	sor.u32 @!p2 s19, s18;
	s19 =	simm.s32 @!p2 $0x80;
	_ =	swait.ge @!p3 [sflag:s22], $0x2000  }
.Ltmp3:
0x7f: {  	s18 =	sadd.s32 @!p2 $0x2000, s18;
	[sflag:s22] =	ssyncset.done @!p3 $0x0;
	(pc) =	sbr.rel @p1 .LBB2_4-.Ltmp3, $4  }
0x80: {  	s14 =	sadd.s32 $0xFFFF8000, s14;
	s20 =	sshll.u32 s20, $0xE;
	[sflag:s22] =	ssyncadd.s32 @!p3 $0xFFFFE000  }
0x81: {  	s20 =	sand.u32 $0x1FFFC000, s20;
	s22 =	sand.u32 $0x8000, s14;
	s14 =	sand.u32 $0x3800, s16  }
0x82: {  	[tilespmem:s21], [sflag:$0x1] =	stream.indirect.gather @!p2 [hbm4b:s5+s19], $0x40, s18, s19, $0xb8;
	[tilespmem:$0x8000] =	vst v63  }
0x83: {  	s16 =	sshrl.u32 s22, $0x2;
	s18 =	sadd.s32 s9, s20;
	_ =	swait.ge [sflag:s31], $0x2000  }
.LBB2_5:
0x84: {  	[sflag:s31] =	ssyncset.done $0x0;
	s16 =	sor.u32 $0x4000, s16;
	s14 =	sadd.s32 s14, s18  }
0x85: {  	s19 =	sadd.s32 $0xFFFFFFFE, s17;
	p1 =	sge.u32 s17, s10;
	[sflag:s31] =	ssyncadd.s32 $0xFFFFE000  }
0x86: {  	[hbm4b:s14+s1] =	stream.strided.scatter [tilespmem:s16], [sflag:$0x2], $0x2000, s28, s1, $0x38;
	[tilespmem:$0x8000] =	vst v63  }
0x87: {  	s20 =	sshrl.u32 s13, $0x3;
	p2 =	slt.u32 s19, s8;
	s16 =	sshrl.u32 @!p1 s17, $0x3  }
0x88: {  	s0 =	sand.u32 @!p1 $0xE00, s0;
	s14 =	simm.s32 @!p2 $0x2;
	s16 =	sadd.s32 @!p1 s12, s16  }
0x89: {  	s15 =	sand.u32 @!p1 $0x8000, s15;
	_ =	swait.ge @!p2 [sflag:s14], $0x2000;
	s16 =	sshll.u32 @!p1 s16, $0xC  }
0x8a: {  	s0 =	sshrl.u32 @!p1 s0, $0x2;
	[sflag:s14] =	ssyncset.done @!p2 $0x0;
	s16 =	sshra.s32 @!p1 s16, $0x2  }
0x8b: {  	[sflag:s14] =	ssyncadd.s32 @!p2 $0xFFFFE000;
	s14 =	sshrl.u32 @!p1 s15, $0x2;
	s0 =	sor.u32 @!p1 s0, s16  }
0x8c: {  	s15 =	simm.s32 @!p1 $0x80;
	s14 =	sor.u32 @!p1 $0x4000, s14;
	s0 =	sadd.s32 @!p1 $0x2000, s0  }
0x8d: {  	[tilespmem:s14], [sflag:$0x1] =	stream.indirect.gather @!p1 [hbm4b:s5+s15], $0x40, s0, s15, $0xb8;
	[tilespmem:$0x8000] =	vst v63  }
0x8e: {  	s6 =	sand.u32 $0x8000, s6;
	s21 =	sand.u32 $0x3800, s25;
	s0 =	sadd.s32 s3, s20  }
0x8f: {  	s22 =	simm.s32 $0x2;
	s13 =	simm.s32 @!p0 $0x10;
	s0 =	sshll.u32 s0, $0xE  }
0x90: {  	s6 =	sshrl.u32 s6, $0x2;
	_ =	swait.ge [sflag:s31], $0x2000;
	s0 =	sand.u32 $0x1FFFC000, s0  }
0x91: {  	s6 =	sor.u32 $0x4000, s6;
	[sflag:s31] =	ssyncset.done $0x0;
	s0 =	sadd.s32 s9, s0  }
0x92: {  	s14 =	simm.s32 @!p0 $0x8;
	[sflag:s31] =	ssyncadd.s32 $0xFFFFE000;
	s0 =	sadd.s32 s21, s0  }
0x93: {  	[hbm4b:s0+s1] =	stream.strided.scatter [tilespmem:s6], [sflag:$0x2], $0x2000, s28, s1, $0x38;
	[tilespmem:$0x8000] =	vst v63  }
0x94: {  	s15 =	simm.s32 @!p0 $0x3;
	s0 =	stileid.u32;
	_ =	swait.ge [sflag:s22], $0x2000  }
0x95: {  	s6 =	simm.s32 @!p0 $0x1;
	s0 =	sshll.u32 @!p0 s0, $0x6;
	[sflag:s22] =	ssyncset.done $0x0  }
0x96: {  	s0 =	sor.u32 @!p0 $0x1C03, s0;
	s16 =	rddreg [dreg:$0x3];
	[sflag:s22] =	ssyncadd.s32 $0xFFFFE000  }
0x97: {  	[hbm:s7@s13], [sflag:s0] =	dma.strided @!p0 [hbm:s16@s14], $0x2000, s6, $0x8   }
0x98: {  	_ =	swait.ge @!p0 [sflag:s15], $0x2000  }
0x99: {  	[sflag:s15] =	ssyncset.done @!p0 $0x0  }
0x9a: {  	[sflag:s15] =	ssyncadd.s32 @!p0 $0xFFFFE000  }
0x9b: {  	[hbm:s9@s13], [sflag:s0] =	dma.strided @!p0 [hbm:s16@s14], $0x2000, s6, $0x8   }
0x9c: {  	_ =	swait.ge @!p0 [sflag:s15], $0x2000  }
0x9d: {  	s4 =	sadd.s32 $0x1, s4;
	s25 =	rddreg [dreg:$0x8]  }
0x9e: {  	p1 =	sne.s32 s4, s25  }
.Ltmp4:
0x9f: {  	_ = 	snop;
	(pc) =	sbr.rel @p1 .LBB2_1-.Ltmp4, $3  }
0xa0: {  	_ =	sdelay $0x1  }
0xa1: {  	[sflag:s15] =	ssyncset.done @!p0 $0x0  }
0xa2: {  	[sflag:s15] =	ssyncadd.s32 @!p0 $0xFFFFE000  }
0xa3: {  	_ =	sfence.sel $0x180000  }
0xa4: {  	[bflag:$0x0] =	sbarrier.arrive $0xFFFF  }
0xa5: {  	_ =	strace $0x9000004A  }
0xa6: {  	s0 =	stileid.u32;
	[bflag:$0x2] =	sbarrier.arrive $0xFFFF  }
0xa7: {  	p0 =	sne.s32 s0, $0x0;
	s0 =	rddreg [dreg:$0x2]  }
0xa8: {  	s0 =	sadd.s32 @!p0 $0x100000, s0  }
0xa9: {  	[sflag:s0] =	ssyncadd.tile.s32 @!p0 $0x1;
	_ =	shalt  }
.Lfunc_end2:
_tile_overlayer_lowered:
.L_overlay_start_2:
0xaa: {  	(tag) =	ssettag $0x2  }
0xab: {  	s0 =	rddreg [dreg:$0x0];
	s2 =	stileid.u32  }
0xac: {  	s1 =	rddreg [dreg:$0x1];
	p0 =	sne.s32 s2, $0x0  }
0xad: {  	s3 =	rddreg [dreg:$0x2];
	[bflag:$0x3] =	sbarrier.arrive $0xFFFF;
	s2 =	simm.s32 @!p0 $0x1C03  }
0xae: {  	[timem:s3], [sflag:s2] =	dma.local @!p0 [hbm:s0], s1  }
0xaf: {  	s0 =	simm.s32 @!p0 $0x3  }
0xb0: {  	_ =	swait.ge @!p0 [sflag:s0], s1  }
0xb1: {  	s1 =	ssub.s32 @!p0 $0x0, s1;
	[sflag:s0] =	ssyncset.done @!p0 $0x0  }
0xb2: {  	[sflag:s0] =	ssyncadd.s32 @!p0 s1  }
0xb3: {  	[bflag:$0x3] =	sbarrier.arrive $0xFFFF  }
0xb4: {  	_ =	shalt  }

// kernel: kernel.7.cloned.1.call-start
scs
__scs_entry_jumppad:
0x0: {  	(pc) =	sbr.rel $0x88, $3  }
0x1: {  	(tag) =	ssettag $0x0;
	lr =	simm.s32 $0x1  }
0x2: {  	[smem:$0x3F9A] =	sst lr;
	_ =	strace $0xD0000000  }
0x3: {  	_ = 	snop  }
0x4: {  	_ = 	snop  }
0x5: {  	_ = 	snop  }
0x6: {  	_ = 	snop  }
0x7: {  	_ = 	snop  }
__scs_overlays_trampoline_lowered:
0x8: {  	[smem:$0x3FA9] =	sst s0  }
0x9: {  	[smem:$0x3FAA] =	sst s1  }
0xa: {  	[smem:$0x3FAB] =	sst s2  }
0xb: {  	[smem:$0x3FAC] =	sst s3  }
0xc: {  	[smem:$0x3FAD] =	sst s4  }
0xd: {  	[smem:$0x3FAE] =	sst s5  }
0xe: {  	[smem:$0x3FAF] =	sst s6  }
0xf: {  	[smem:$0x3FB0] =	sst s7  }
0x10: {  	[smem:$0x3FB1] =	sst s8  }
0x11: {  	[smem:$0x3FB2] =	sst s9;
	s0 =	simm.s32 @!p0 $0x0  }
0x12: {  	s1 =	sld [smem:$0x3F98];
	s0 =	simm.s32 @p0 $0x1  }
0x13: {  	[smem:$0x3FB3] =	sst s0;
	s0 =	simm.s32 @!p1 $0x0  }
0x14: {  	s2 =	sld [smem:$0x3F97];
	s0 =	simm.s32 @p1 $0x1  }
0x15: {  	[smem:$0x3FB4] =	sst s0;
	s0 =	simm.s32 @!p2 $0x0  }
0x16: {  	s3 =	sld [smem:$0x3FDB];
	s0 =	simm.s32 @p2 $0x1  }
0x17: {  	s4 =	simm.s32 $0x1BF5;
	[smem:$0x3FB6] =	sst s0  }
0x18: {  	s0 =	sld [smem:$0x3F99];
	_ =	swait.ge [sflag:s4], $0x0  }
0x19: {  	s7 =	sld [smem:$0x3F9A]  }
0x1a: {  	s8 =	sadd.s32 $0xFFFFE003, lr  }
0x1b: {  	s9 =	sadd.s32 $0xFFFFFEF7, lr;
	s5 =	simm.s32 $0xFFFFFFFF;
	p2 =	slt.u32 s8, $0xFFFFF086  }
0x1c: {  	p1 =	slt.u32 s9, $0xF7A;
	s5 =	simm.s32 @!p2 $0x0  }
0x1d: {  	s5 =	simm.s32 @p1 $0x1;
	p0 =	seq.s32 s7, s2  }
0x1e: {  	s7 =	smul.u32 @!p0 $0xF7A, s2;
	p2 =	seq.s32 @!p0 s5, $0x0  }
0x1f: {  	s9 =	smul.u32 $0xF7A, s1;
	s8 =	simm.s32 @!p0 $0x1BF5;
	p2 =	por !p2, p0  }
0x20: {  	[sflag:s8] =	ssyncset.s32 @!p0 $0xFFFFF086;
	s6 =	sadd.s32 @!p0 s3, s7;
	s7 =	simm.s32 @!p0 $0x108  }
0x21: {  	s3 =	sadd.s32 s3, s9;
	s6 =	sadd.s32 @!p0 $0x88, s6;
	s7 =	simm.s32 @p2 $0x1082  }
0x22: {  	[simem:s7], [sflag:s8] =	dma.local @!p0 [hbm:s6], $0xF7A  }
0x23: {  	s9 =	sor.u32 $0xD0000000, s2;
	s6 =	simm.s32 $0x108;
	_ =	swait.ge @!p0 [sflag:s8], $0x0  }
0x24: {  	s3 =	sadd.s32 $0x88, s3;
	s6 =	simm.s32 @!p1 $0x1082;
	[sflag:s4] =	ssyncset.s32 $0xFFFFF086  }
0x25: {  	[simem:s6], [sflag:s4] =	dma.local [hbm:s3], $0xF7A  }
0x26: {  	[smem:$0x3F9A] =	sst s1;
	(tag) =	ssettag s2;
	_ =	strace s9  }
0x27: {  	s1 =	sld [smem:$0x3FAA]  }
0x28: {  	s2 =	sld [smem:$0x3FAB]  }
0x29: {  	s4 =	sld [smem:$0x3FAD]  }
0x2a: {  	p0 =	seq.s32 s5, $0x0;
	s5 =	sld [smem:$0x3FAE]  }
0x2b: {  	s6 =	sld [smem:$0x3FAF]  }
0x2c: {  	s7 =	sld [smem:$0x3FB0]  }
0x2d: {  	s3 =	simm.s32 $0x108;
	s8 =	sld [smem:$0x3FB1]  }
0x2e: {  	s3 =	simm.s32 @!p0 $0x1082;
	s9 =	sld [smem:$0x3FB2]  }
0x2f: {  	lr =	sadd.s32 s0, s3;
	s0 =	sld [smem:$0x3FA9]  }
0x30: {  	s3 =	sld [smem:$0x3FAC]  }
0x31: {  	[smem:$0x3FB5] =	sst s10  }
0x32: {  	s10 =	sld [smem:$0x3FB3];
	_ =	sdelay $0x3  }
0x33: {  	p0 =	seq.s32 s10, $0x1;
	s10 =	sld [smem:$0x3FB5];
	_ =	sdelay $0x3  }
0x34: {  	[smem:$0x3FB5] =	sst s10  }
0x35: {  	s10 =	sld [smem:$0x3FB4];
	_ =	sdelay $0x3  }
0x36: {  	p1 =	seq.s32 s10, $0x1;
	s10 =	sld [smem:$0x3FB5];
	_ =	sdelay $0x3  }
0x37: {  	[smem:$0x3FB5] =	sst s10  }
0x38: {  	s10 =	sld [smem:$0x3FB6]  }
0x39: {  	_ = 	snop;
	(pc) =	sbr.ind lr, $3  }
0x3a: {  	_ = 	snop  }
0x3b: {  	_ = 	snop  }
0x3c: {  	p2 =	seq.s32 s10, $0x1;
	s10 =	sld [smem:$0x3FB5]  }
0x3d: {  	_ =	shalt  }
0x3e: {  	_ =	shalt  }
0x3f: {  	_ =	shalt  }
0x40: {  	_ =	shalt  }
0x41: {  	_ =	shalt  }
0x42: {  	_ =	shalt  }
0x43: {  	_ =	shalt  }
0x44: {  	_ =	shalt  }
0x45: {  	_ =	shalt  }
0x46: {  	_ =	shalt  }
0x47: {  	_ =	shalt  }
0x48: {  	_ =	shalt  }
0x49: {  	_ =	shalt  }
0x4a: {  	_ =	shalt  }
0x4b: {  	_ =	shalt  }
0x4c: {  	_ =	shalt  }
0x4d: {  	_ =	shalt  }
0x4e: {  	_ =	shalt  }
0x4f: {  	_ =	shalt  }
0x50: {  	_ =	shalt  }
0x51: {  	_ =	shalt  }
0x52: {  	_ =	shalt  }
0x53: {  	_ =	shalt  }
0x54: {  	_ =	shalt  }
0x55: {  	_ =	shalt  }
0x56: {  	_ =	shalt  }
0x57: {  	_ =	shalt  }
0x58: {  	_ =	shalt  }
0x59: {  	_ =	shalt  }
0x5a: {  	_ =	shalt  }
0x5b: {  	_ =	shalt  }
0x5c: {  	_ =	shalt  }
0x5d: {  	_ =	shalt  }
0x5e: {  	_ =	shalt  }
0x5f: {  	_ =	shalt  }
0x60: {  	_ =	shalt  }
0x61: {  	_ =	shalt  }
0x62: {  	_ =	shalt  }
0x63: {  	_ =	shalt  }
0x64: {  	_ =	shalt  }
0x65: {  	_ =	shalt  }
0x66: {  	_ =	shalt  }
0x67: {  	_ =	shalt  }
0x68: {  	_ =	shalt  }
0x69: {  	_ =	shalt  }
0x6a: {  	_ =	shalt  }
0x6b: {  	_ =	shalt  }
0x6c: {  	_ =	shalt  }
0x6d: {  	_ =	shalt  }
0x6e: {  	_ =	shalt  }
0x6f: {  	_ =	shalt  }
0x70: {  	_ =	shalt  }
0x71: {  	_ =	shalt  }
0x72: {  	_ =	shalt  }
0x73: {  	_ =	shalt  }
0x74: {  	_ =	shalt  }
0x75: {  	_ =	shalt  }
0x76: {  	_ =	shalt  }
0x77: {  	_ =	shalt  }
0x78: {  	_ =	shalt  }
0x79: {  	_ =	shalt  }
0x7a: {  	_ =	shalt  }
0x7b: {  	_ =	shalt  }
0x7c: {  	_ =	shalt  }
0x7d: {  	_ =	shalt  }
0x7e: {  	_ =	shalt  }
0x7f: {  	_ =	shalt  }
0x80: {  	_ =	shalt  }
0x81: {  	_ =	shalt  }
0x82: {  	_ =	shalt  }
0x83: {  	_ =	shalt  }
0x84: {  	_ =	shalt  }
0x85: {  	_ =	shalt  }
0x86: {  	_ =	shalt  }
0x87: {  	_ =	shalt  }
.Lfunc_end0:
.L_simem_size_0:
called_computation.5_lowered:
.L_overlay_start_0:
0x88: {  	s2 =	sld [smem:$0x3FD9]  }
0x89: {  	s3 =	sld [smem:$0x3FFE];
	_ =	sdelay $0x1  }
0x8a: {  	s1 =	srdreg.scid  }
0x8b: {  	s0 =	sand.u32 $0x1, s1  }
0x8c: {  	s14 =	sshll.u32 s0, $0xA;
	s2 =	sadd.s32 s3, s2  }
0x8d: {  	s2 =	sadd.s32 s2, s14  }
0x8e: {  	[smem:$0x3FC1] =	sst s2  }
0x8f: {  	_ = 	snop  }
0x90: {  	s2 =	sld [smem:$0x3FD0];
	_ =	sdelay $0x2  }
0x91: {  	s15 =	simm.s32 $0xD;
	s4 =	simm.s32 $0x10  }
0x92: {  	[smem:s4], [sflag:s15] =	dma.local [hbm:s2], $0x1  }
0x93: {  	_ =	swait.eq [sflag:s15], $0x1  }
0x94: {  	[sflag:s15] =	ssyncset.done $0x0  }
0x95: {  	s16 =	sld [smem:$0x12];
	[sflag:s15] =	ssyncadd.s32 $0xFFFFFFFF  }
0x96: {  	s17 =	sld [smem:$0x13];
	(tm) =	ssettm $0x1  }
0x97: {  	s18 =	sld [smem:$0x3FFB];
	_ =	sdelay $0x3  }
0x98: {  	_ =	strace s18  }
0x99: {  	s4 =	sld [smem:$0x3FFC];
	_ =	sdelay $0x3  }
0x9a: {  	_ =	strace s4  }
0x9b: {  	s4 =	sld [smem:$0x3FFD];
	_ =	sdelay $0x3  }
0x9c: {  	_ =	strace s4  }
0x9d: {  	_ =	strace $0x8FFFFFFF  }
0x9e: {  	s19 =	sld [smem:$0x3FDB];
	_ =	sdelay $0x1  }
0x9f: {  	s5 =	simm.s32 $_scs_section_size  }
0xa0: {  	s6 =	simm.s32 $_size__tile_overlayer_lowered;
	s7 =	simm.s32 $_tile_overlayer_lowered  }
0xa1: {  	s22 =	simm.s32 $0x1BFF;
	s21 =	sshll.u32 s7, $0x1;
	s4 =	sadd.s32 s5, s19  }
0xa2: {  	s8 =	simm.s32 $0x0;
	s20 =	sshll.u32 s6, $0x1;
	s6 =	sadd.s32 s21, s4  }
0xa3: {  	[timem:s8], [sflag:s22] =	dma.local [hbm:s6], s20  }
0xa4: {  	_ =	swait.ge [sflag:s22], s20  }
0xa5: {  	s5 =	ssub.s32 $0x0, s20;
	[sflag:s22] =	ssyncset.done $0x0  }
0xa6: {  	[sflag:s22] =	ssyncadd.s32 s5;
	_ =	sdelay $0x1  }
0xa7: {  	s23 =	simm.s32 $0x1B8B  }
0xa8: {  	_ =	swait.ge [sflag:s23], $0x1  }
0xa9: {  	[sflag:s23] =	ssyncset.done $0x0  }
0xaa: {  	s25 =	simm.s32 $0x1B8E;
	s24 =	sld [smem:$0x3FFE];
	[sflag:s23] =	ssyncadd.s32 $0xFFFFFFFF  }
0xab: {  	s26 =	simm.s32 $execute0_lowered;
	[smem:$0x3FD2] =	sst s25  }
0xac: {  	s6 =	sshll.u32 s26, $0x1;
	_ =	strace $0x80000046;
	[dreg:$0x1] =	wrdreg $0xFFFFFFFF  }
0xad: {  	s28 =	simm.s32 $_size_execute0_lowered;
	s4 =	sadd.s32 s4, s6;
	[dreg:$0x0] =	wrdreg $0x0  }
0xae: {  	s6 =	sshll.u32 s28, $0x1;
	[dreg:$0x2] =	wrdreg s4  }
0xaf: {  	[dreg:$0x3] =	wrdreg s6  }
0xb0: {  	[dreg:$0x4] =	wrdreg $0xC0  }
0xb1: {  	_ =	task [dreg:s8], $0x5FFFF  }
0xb2: {  	[dreg:$0x1] =	wrdreg $0xFFFFFFFF  }
0xb3: {  	[dreg:$0x0] =	wrdreg $0x60  }
0xb4: {  	[dreg:$0x2] =	wrdreg s24  }
0xb5: {  	[dreg:$0x3] =	wrdreg s16  }
0xb6: {  	[dreg:$0x4] =	wrdreg s17  }
0xb7: {  	[dreg:$0x5] =	wrdreg $0x9  }
0xb8: {  	_ =	task.clear_ibuf [dreg:s8], $0x6FFFF;
	_ =	strace $0x90000046  }
0xb9: {  	s29 =	simm.s32 $0x9;
	_ =	strace $0x80000048  }
0xba: {  	_ =	swait.ge [sflag:s29], $0x1  }
0xbb: {  	[sflag:s29] =	ssyncadd.s32 $0xFFFFFFFF  }
0xbc: {  	_ =	strace $0x90000048  }
0xbd: {  	_ =	sfence  }
0xbe: {  	s30 =	sld [smem:$0x0];
	_ =	sdelay $0x2  }
0xbf: {  	s31 =	sshll.u32 s1, $0xD;
	s1 =	sshrl.u32 s1, $0x2  }
0xc0: {  	s3 =	sand.u32 $0x4000, s31;
	s1 =	sadd.s32 s1, s30  }
0xc1: {  	s0 =	sor.u32 s3, s0;
	s1 =	sshll.u32 s1, $0x11  }
0xc2: {  	s0 =	sor.u32 s1, s0  }
0xc3: {  	s0 =	sadd.s32 $0x8F2B, s0  }
0xc4: {  	[sflag:s0] =	ssyncadd.remote.s32 $0x1  }
0xc5: {  	_ =	sfence.sel $0xFFFF  }
0xc6: {  	[dreg:$0x0] =	wrdreg $0xFFFFFFFF;
	(pc) =	sbr.abs _section_cstart, $3  }
0xc7: {  	[dreg:$0x1] =	wrdreg $0xFFFFFFFF  }
0xc8: {  	_ =	task.clear_ibuf [dreg:s8], $0x2FFFF;
	_ =	strace $0x9FFFFFFF  }
0xc9: {  	(tm) =	ssettm $0x7FFFFFFF  }
tec
execute0_lowered:
.L_overlay_start_1:
0x0: {  	(tag) =	ssettag $0x1  }
0x1: {  	s0 =	rddreg [dreg:$0x0]  }
0x2: {  	s1 =	rddreg [dreg:$0x1]  }
0x3: {  	s2 =	rddreg [dreg:$0x2]  }
0x4: {  	s3 =	srdreg.scid;
	s7 =	stileid.u32  }
0x5: {  	s22 =	simm.s32 $0x0;
	s29 =	simm.s32 $0x4000;
	s30 =	simm.s32 $0x1  }
0x6: {  	s31 =	simm.s32 $0x40;
	s4 =	sand.u32 $0x1, s3;
	s20 =	sshll.u32 s7, $0x1  }
0x7: {  	[smem:$0x7FF] =	sst s22;
	s3 =	sadd.s32 $0xF45000, s0;
	s5 =	sadd.s32 $0x2C00, s0  }
0x8: {  	p0 =	slt.u32 s7, $0xC;
	s7 =	simm.s32 $0x30;
	s9 =	sadd.s32 $0x324C00, s0  }
0x9: {  	s11 =	sor.u32 s4, s20;
	_ =	strace $0x80000047;
	s4 =	ssub.s32 $0x2, s4  }
0xa: {  	[dreg:$0x4] =	wrdreg s5;
	s6 =	smul.u32 $0x7, s11;
	s12 =	sshrl.u32 s4, $0x1  }
0xb: {  	s5 =	sadd.s32 $0x4C00, s0;
	s8 =	smul.u32 $0x6, s11;
	s21 =	ssub.s32 s4, s12  }
0xc: {  	s7 =	simm.s32 @!p0 $0x38;
	s6 =	sadd.s32 $0xFFFFFFE8, s6;
	s0 =	smax.u32 s21, $0x1  }
0xd: {  	s6 =	smov.u32 @p0 s8;
	p0 =	seq.s32 s11, $0x0;
	s8 =	simm.s32 $0x8  }
0xe: {  	[dreg:$0x9] =	wrdreg s0;
	s10 =	sadd.s32 $0xFFFFFFFF, s6;
	s8 =	simm.s32 @!p0 $0x0  }
0xf: {  	s14 =	smov.u32 s6;
	p0 =	sgt.s32 s10, $0x0;
	s13 =	smov.u32 s10  }
0x10: {  	s23 =	sshrl.u32 s8, $0x3;
	s28 =	sor.u32 $0x2, s8;
	s13 =	simm.s32 @!p0 $0x0  }
0x11: {  	p0 =	slt.s32 s6, $0xC0;
	s4 =	sadd.s32 s6, s23;
	[dreg:$0x10] =	wrdreg s28  }
0x12: {  	s10 =	ssub.s32 s10, s13;
	s24 =	sshll.u32 s13, $0x7;
	s14 =	simm.s32 @!p0 $0xC0  }
0x13: {  	s17 =	sshll.u32 s4, $0xE;
	s25 =	sadd.s32 s23, s10;
	s1 =	sadd.s32 s1, s24  }
0x14: {  	s12 =	ssub.s32 s6, s14;
	s13 =	sshll.u32 s14, $0x7;
	s19 =	sand.u32 $0x1FFFC000, s17  }
0x15: {  	s24 =	sshll.u32 s8, $0xF;
	[dreg:$0x5] =	wrdreg s1;
	s21 =	sadd.s32 s5, s19  }
0x16: {  	s26 =	sshll.u32 s25, $0xC;
	s0 =	sadd.s32 s9, s19;
	[dreg:$0xb] =	wrdreg s21  }
0x17: {  	s1 =	sand.u32 $0x1FFFFF80, s13;
	s24 =	sor.u32 $0x10000, s24;
	[dreg:$0xd] =	wrdreg s0  }
0x18: {  	s14 =	sadd.s32 s23, s12;
	s1 =	sadd.s32 s2, s1;
	[dreg:$0xf] =	wrdreg s24  }
0x19: {  	s23 =	sshll.u32 s8, $0x9;
	s15 =	sshra.s32 s26, $0x2;
	[dreg:$0x7] =	wrdreg s1  }
0x1a: {  	s25 =	sshll.u32 s8, $0xB;
	s0 =	sor.u32 $0x400, s23;
	[dreg:$0x6] =	wrdreg s15  }
0x1b: {  	s13 =	sshll.u32 s14, $0xC;
	s26 =	sor.u32 $0x800, s25;
	[dreg:$0xe] =	wrdreg s0  }
0x1c: {  	s16 =	sshra.s32 s13, $0x2;
	s20 =	sor.u32 $0x80, s15;
	[dreg:$0x11] =	wrdreg s26  }
0x1d: {  	p0 =	sne.s32 s11, $0x0;
	s18 =	sadd.s32 $0x2000, s16;
	[dreg:$0xa] =	wrdreg s20  }
0x1e: {  	s23 =	simm.s32 $0x3;
	s1 =	sadd.s32 $0x2080, s16;
	[dreg:$0x8] =	wrdreg s18  }
0x1f: {  	s26 =	simm.s32 $0x80;
	[dreg:$0xc] =	wrdreg s1;
	s1 =	simm.s32 $0x0  }
.LBB2_1:
0x20: {  	s0 =	rddreg [dreg:$0x5];
	s2 =	simm.s32 $0x6000  }
0x21: {  	[tilespmem:s22], [sflag:$0x3] =	stream.linear.gather [hbm4b:s0+s22], $0x2000, $0x38;
	[tilespmem:$0x8000] =	vst v63  }
0x22: {  	s15 =	sadd.s32 $0x1, s28;
	s11 =	sadd.s32 $0x8000, s24;
	_ =	swait.ge [sflag:s23], $0x2000  }
0x23: {  	p2 =	sge.u32 s28, s7;
	p1 =	sne.s32 s7, s15;
	[sflag:s23] =	ssyncset.done $0x0  }
0x24: {  	s22 =	sadd.s32 $0xFFFFFFFF, s28;
	s19 =	rddreg [dreg:$0x6];
	[sflag:s23] =	ssyncadd.s32 $0xFFFFE000  }
0x25: {  	[tilespmem:s29], [sflag:$0x1] =	stream.indirect.gather [hbm4b:s3+s26], $0x40, s19, s26, $0xb8;
	[tilespmem:$0x8000] =	vst v63  }
0x26: {  	s14 =	sshrl.u32 @!p2 s28, $0x3;
	p3 =	sle.u32 s22, s8;
	s20 =	rddreg [dreg:$0xa]  }
0x27: {  	[tilespmem:s2], [sflag:$0x1] =	stream.indirect.gather [hbm4b:s3+s26], $0x40, s20, s26, $0xb8;
	[tilespmem:$0x8000] =	vst v63  }
0x28: {  	s13 =	simm.s32 @!p3 $0x2;
	_ =	swait.ge [sflag:s30], $0x2000;
	[dreg:$0x12] =	wrdreg s14  }
0x29: {  	s23 =	sadd.s32 $0xFFFF8000, s24;
	s2 =	sshrl.u32 s22, $0x3;
	s21 =	rddreg [dreg:$0xb]  }
0x2a: {  	s22 =	smov.u32 s11;
	s14 =	sadd.s32 @!p2 s10, s14;
	s0 =	rddreg [dreg:$0xe]  }
0x2b: {  	s2 =	sadd.s32 s6, s2;
	[sflag:s30] =	ssyncset.done $0x0;
	s16 =	rddreg [dreg:$0x11]  }
0x2c: {  	s14 =	sshll.u32 @!p2 s14, $0xC;
	s2 =	sshll.u32 s2, $0xE;
	[sflag:s30] =	ssyncadd.s32 $0xFFFFE000  }
0x2d: {  	s20 =	sadd.s32 $0x200, s0;
	s4 =	sand.u32 @!p2 $0xE00, s0;
	s14 =	sshra.s32 @!p2 s14, $0x2  }
0x2e: {  	[hbm4b:s21+s31] =	stream.strided.scatter [tilespmem:s29], [sflag:$0x2], $0x2000, s26, s31, $0x38;
	[tilespmem:$0x8000] =	vst v63  }
0x2f: {  	s25 =	sand.u32 $0x3800, s16;
	s21 =	sadd.s32 $0x800, s16;
	s0 =	sshrl.u32 @!p2 s4, $0x2  }
0x30: {  	s4 =	sand.u32 @!p2 $0x8000, s24;
	s29 =	sand.u32 $0x1FFFC000, s2;
	s16 =	smov.u32 s25  }
0x31: {  	_ =	swait.ge @!p3 [sflag:s13], $0x2000;
	s4 =	sshrl.u32 @!p2 s4, $0x2;
	[dreg:$0x13] =	wrdreg s0  }
0x32: {  	s14 =	sor.u32 @!p2 s0, s14;
	[sflag:s13] =	ssyncset.done @!p3 $0x0;
	s0 =	sor.u32 @!p2 $0x4000, s4  }
.Ltmp0:
0x33: {  	s4 =	simm.s32 @!p2 $0x80;
	[sflag:s13] =	ssyncadd.s32 @!p3 $0xFFFFE000;
	(pc) =	sbr.rel @!p1 .LBB2_3-.Ltmp0, $4  }
0x34: {  	[tilespmem:s0], [sflag:$0x1] =	stream.indirect.gather @!p2 [hbm4b:s3+s4], $0x40, s14, s4, $0xb8;
	[tilespmem:$0x8000] =	vst v63  }
0x35: {  	s2 =	smov.u32 s21;
	[dreg:$0x14] =	wrdreg s0;
	s4 =	sand.u32 $0x8000, s23  }
0x36: {  	s23 =	smov.u32 s15;
	_ =	swait.ge [sflag:s30], $0x2000;
	[dreg:$0x16] =	wrdreg s4  }
0x37: {  	s14 =	smov.u32 s20;
	[dreg:$0x15] =	wrdreg s29;
	[sflag:s30] =	ssyncset.done $0x0  }
.LBB2_2:
0x38: {  	s24 =	smov.u32 s22;
	s28 =	smov.u32 s23  }
0x39: {  	s4 =	sshrl.u32 s4, $0x2;
	s29 =	sadd.s32 s5, s29;
	s0 =	smov.u32 s23  }
0x3a: {  	s23 =	sadd.s32 $0x1, s23;
	s19 =	smov.u32 s14;
	s18 =	smov.u32 s22  }
0x3b: {  	s4 =	sor.u32 $0x4000, s4;
	s16 =	sadd.s32 s16, s29;
	[sflag:s30] =	ssyncadd.s32 $0xFFFFE000  }
0x3c: {  	[hbm4b:s16+s31] =	stream.strided.scatter [tilespmem:s4], [sflag:$0x2], $0x2000, s26, s31, $0x38;
	[tilespmem:$0x8000] =	vst v63  }
0x3d: {  	p4 =	sne.s32 s7, s23;
	s4 =	smov.u32 s2  }
0x3e: {  	s14 =	sadd.s32 $0x200, s14  }
0x3f: {  	s22 =	sadd.s32 $0x8000, s22;
	s29 =	sadd.s32 $0xFFFFFFFF, s0;
	s2 =	sadd.s32 $0x800, s2  }
0x40: {  	p5 =	sge.u32 s0, s7;
	p6 =	sle.u32 s29, s8;
	s16 =	sand.u32 $0x3800, s4  }
0x41: {  	s0 =	sshrl.u32 @!p5 s0, $0x3;
	s17 =	sand.u32 @!p5 $0x8000, s18;
	s4 =	sand.u32 @!p5 $0xE00, s19  }
0x42: {  	s0 =	sadd.s32 @!p5 s10, s0;
	s19 =	simm.s32 @!p6 $0x2;
	s4 =	sshrl.u32 @!p5 s4, $0x2  }
0x43: {  	s29 =	sshrl.u32 s29, $0x3;
	s0 =	sshll.u32 @!p5 s0, $0xC;
	_ =	swait.ge @!p6 [sflag:s19], $0x2000  }
0x44: {  	s17 =	sshrl.u32 @!p5 s17, $0x2;
	s0 =	sshra.s32 @!p5 s0, $0x2;
	[sflag:s19] =	ssyncset.done @!p6 $0x0  }
.Ltmp1:
0x45: {  	s0 =	sor.u32 @!p5 s4, s0;
	[sflag:s19] =	ssyncadd.s32 @!p6 $0xFFFFE000;
	(pc) =	sbr.rel @p4 .LBB2_2-.Ltmp1, $4  }
0x46: {  	s4 =	sor.u32 @!p5 $0x4000, s17;
	s17 =	simm.s32 @!p5 $0x80;
	s19 =	sadd.s32 s6, s29  }
0x47: {  	[tilespmem:s4], [sflag:$0x1] =	stream.indirect.gather @!p5 [hbm4b:s3+s17], $0x40, s0, s17, $0xb8;
	[tilespmem:$0x8000] =	vst v63  }
0x48: {  	s0 =	sadd.s32 $0xFFFF8000, s18;
	s17 =	sshll.u32 s19, $0xE;
	_ =	swait.ge [sflag:s30], $0x2000  }
0x49: {  	s4 =	sand.u32 $0x8000, s0;
	s29 =	sand.u32 $0x1FFFC000, s17;
	[sflag:s30] =	ssyncset.done $0x0  }
.LBB2_3:
0x4a: {  	s0 =	sshrl.u32 s4, $0x2  }
0x4b: {  	s17 =	sadd.s32 s5, s29;
	[sflag:s30] =	ssyncadd.s32 $0xFFFFE000;
	s18 =	sadd.s32 $0xFFFFFFFE, s23  }
0x4c: {  	s4 =	sadd.s32 s16, s17;
	s0 =	sor.u32 $0x4000, s0;
	p4 =	slt.u32 s18, s8  }
0x4d: {  	[hbm4b:s4+s31] =	stream.strided.scatter [tilespmem:s0], [sflag:$0x2], $0x2000, s26, s31, $0x38;
	[tilespmem:$0x8000] =	vst v63  }
0x4e: {  	s0 =	simm.s32 @!p4 $0x2  }
0x4f: {  	p5 =	sge.u32 s23, s7;
	_ =	swait.ge @!p4 [sflag:s0], $0x2000  }
0x50: {  	s4 =	sshrl.u32 @!p5 s23, $0x3;
	[sflag:s0] =	ssyncset.done @!p4 $0x0  }
0x51: {  	s19 =	sshrl.u32 s28, $0x3;
	[sflag:s0] =	ssyncadd.s32 @!p4 $0xFFFFE000;
	s0 =	sadd.s32 @!p5 s10, s4  }
0x52: {  	s14 =	sand.u32 @!p5 $0xE00, s14;
	s4 =	sand.u32 @!p5 $0x8000, s22;
	s0 =	sshll.u32 @!p5 s0, $0xC  }
0x53: {  	s14 =	sshrl.u32 @!p5 s14, $0x2;
	s4 =	sshrl.u32 @!p5 s4, $0x2;
	s0 =	sshra.s32 @!p5 s0, $0x2  }
0x54: {  	s4 =	sor.u32 @!p5 $0x4000, s4;
	s0 =	sor.u32 @!p5 s14, s0;
	s14 =	simm.s32 @!p5 $0x80  }
0x55: {  	[tilespmem:s4], [sflag:$0x1] =	stream.indirect.gather @!p5 [hbm4b:s3+s14], $0x40, s0, s14, $0xb8;
	[tilespmem:$0x8000] =	vst v63  }
0x56: {  	s0 =	sadd.s32 s6, s19  }
0x57: {  	s2 =	sand.u32 $0x3800, s2;
	s22 =	sand.u32 $0x8000, s24;
	s0 =	sshll.u32 s0, $0xE  }
0x58: {  	s24 =	simm.s32 $0x2;
	_ =	swait.ge [sflag:s30], $0x2000;
	s0 =	sand.u32 $0x1FFFC000, s0  }
0x59: {  	s4 =	sshrl.u32 s22, $0x2;
	[sflag:s30] =	ssyncset.done $0x0;
	s0 =	sadd.s32 s5, s0  }
0x5a: {  	s23 =	sor.u32 $0x4000, s4;
	[sflag:s30] =	ssyncadd.s32 $0xFFFFE000;
	s0 =	sadd.s32 s2, s0  }
0x5b: {  	[hbm4b:s0+s31] =	stream.strided.scatter [tilespmem:s23], [sflag:$0x2], $0x2000, s26, s31, $0x38;
	[tilespmem:$0x8000] =	vst v63  }
0x5c: {  	_ =	swait.ge [sflag:s24], $0x2000  }
0x5d: {  	s22 =	simm.s32 $0x0;
	s4 =	simm.s32 $0x2000;
	[sflag:s24] =	ssyncset.done $0x0  }
0x5e: {  	s23 =	simm.s32 $0x3;
	s2 =	rddreg [dreg:$0x7];
	[sflag:s24] =	ssyncadd.s32 $0xFFFFE000  }
0x5f: {  	[tilespmem:s4], [sflag:$0x3] =	stream.linear.gather [hbm4b:s2+s22], $0x2000, $0x38;
	[tilespmem:$0x8000] =	vst v63  }
0x60: {  	_ =	swait.ge [sflag:s23], $0x2000  }
0x61: {  	[sflag:s23] =	ssyncset.done $0x0  }
0x62: {  	s29 =	simm.s32 $0x4000;
	s14 =	rddreg [dreg:$0x8];
	[sflag:s23] =	ssyncadd.s32 $0xFFFFE000  }
0x63: {  	[tilespmem:s29], [sflag:$0x1] =	stream.indirect.gather [hbm4b:s3+s26], $0x40, s14, s26, $0xb8;
	[tilespmem:$0x8000] =	vst v63  }
0x64: {  	s17 =	simm.s32 $0x6000;
	s16 =	rddreg [dreg:$0xc]  }
0x65: {  	[tilespmem:s17], [sflag:$0x1] =	stream.indirect.gather [hbm4b:s3+s26], $0x40, s16, s26, $0xb8;
	[tilespmem:$0x8000] =	vst v63  }
0x66: {  	_ =	swait.ge [sflag:s30], $0x2000  }
0x67: {  	[sflag:s30] =	ssyncset.done $0x0;
	s0 =	rddreg [dreg:$0x12]  }
0x68: {  	s18 =	rddreg [dreg:$0xd];
	[sflag:s30] =	ssyncadd.s32 $0xFFFFE000;
	s0 =	sadd.s32 @!p2 s12, s0  }
0x69: {  	[hbm4b:s18+s31] =	stream.strided.scatter [tilespmem:s29], [sflag:$0x2], $0x2000, s26, s31, $0x38;
	[tilespmem:$0x8000] =	vst v63  }
0x6a: {  	s0 =	sshll.u32 @!p2 s0, $0xC;
	_ =	swait.ge @!p3 [sflag:s13], $0x2000  }
0x6b: {  	s0 =	sshra.s32 @!p2 s0, $0x2;
	s2 =	rddreg [dreg:$0x13]  }
0x6c: {  	s4 =	simm.s32 @!p2 $0x80;
	[sflag:s13] =	ssyncset.done @!p3 $0x0;
	s0 =	sor.u32 @!p2 s2, s0  }
0x6d: {  	[sflag:s13] =	ssyncadd.s32 @!p3 $0xFFFFE000;
	s2 =	rddreg [dreg:$0x14];
	s0 =	sadd.s32 @!p2 $0x2000, s0  }
0x6e: {  	[tilespmem:s2], [sflag:$0x1] =	stream.indirect.gather @!p2 [hbm4b:s3+s4], $0x40, s0, s4, $0xb8;
	[tilespmem:$0x8000] =	vst v63  }
.Ltmp2:
0x6f: {  	s19 =	rddreg [dreg:$0x16];
	_ =	swait.ge [sflag:s30], $0x2000;
	(pc) =	sbr.rel @!p1 .LBB2_5-.Ltmp2, $4  }
0x70: {  	s24 =	rddreg [dreg:$0x15]  }
0x71: {  	s28 =	rddreg [dreg:$0x10]  }
0x72: {  	s14 =	sadd.s32 s9, s24;
	s24 =	rddreg [dreg:$0xf]  }
0x73: {  	s13 =	sshrl.u32 s19, $0x2;
	s4 =	smov.u32 s28;
	s2 =	smov.u32 s24  }
.LBB2_4:
0x74: {  	s2 =	smov.u32 s11;
	s4 =	smov.u32 s15;
	s0 =	sor.u32 $0x4000, s13  }
0x75: {  	s13 =	sadd.s32 s25, s14;
	s14 =	smov.u32 s15;
	[sflag:s30] =	ssyncset.done $0x0  }
0x76: {  	s15 =	sadd.s32 $0x1, s15;
	s16 =	smov.u32 s20;
	[sflag:s30] =	ssyncadd.s32 $0xFFFFE000  }
0x77: {  	[hbm4b:s13+s31] =	stream.strided.scatter [tilespmem:s0], [sflag:$0x2], $0x2000, s26, s31, $0x38;
	[tilespmem:$0x8000] =	vst v63  }
0x78: {  	p1 =	sne.s32 s7, s15;
	s0 =	smov.u32 s11;
	s13 =	smov.u32 s21  }
0x79: {  	p2 =	sge.u32 s14, s7;
	s11 =	sadd.s32 $0x8000, s11;
	s21 =	sadd.s32 $0x800, s21  }
0x7a: {  	s20 =	sadd.s32 $0x200, s20;
	s17 =	sadd.s32 $0xFFFFFFFF, s14;
	s14 =	sshrl.u32 @!p2 s14, $0x3  }
0x7b: {  	s16 =	sand.u32 @!p2 $0xE00, s16;
	s19 =	sshrl.u32 s17, $0x3;
	s18 =	sand.u32 @!p2 $0x8000, s0  }
0x7c: {  	p3 =	sle.u32 s17, s8;
	s14 =	sadd.s32 @!p2 s12, s14;
	s16 =	sshrl.u32 @!p2 s16, $0x2  }
0x7d: {  	s17 =	sadd.s32 s6, s19;
	s14 =	sshll.u32 @!p2 s14, $0xC;
	s18 =	sshrl.u32 @!p2 s18, $0x2  }
0x7e: {  	s19 =	simm.s32 @!p3 $0x2;
	s14 =	sshra.s32 @!p2 s14, $0x2;
	s18 =	sor.u32 @!p2 $0x4000, s18  }
0x7f: {  	s14 =	sor.u32 @!p2 s16, s14;
	s16 =	simm.s32 @!p2 $0x80;
	_ =	swait.ge @!p3 [sflag:s19], $0x2000  }
.Ltmp3:
0x80: {  	s14 =	sadd.s32 @!p2 $0x2000, s14;
	[sflag:s19] =	ssyncset.done @!p3 $0x0;
	(pc) =	sbr.rel @p1 .LBB2_4-.Ltmp3, $4  }
0x81: {  	s0 =	sadd.s32 $0xFFFF8000, s0;
	s17 =	sshll.u32 s17, $0xE;
	[sflag:s19] =	ssyncadd.s32 @!p3 $0xFFFFE000  }
0x82: {  	s25 =	sand.u32 $0x3800, s13;
	s0 =	sand.u32 $0x8000, s0;
	s17 =	sand.u32 $0x1FFFC000, s17  }
0x83: {  	[tilespmem:s18], [sflag:$0x1] =	stream.indirect.gather @!p2 [hbm4b:s3+s16], $0x40, s14, s16, $0xb8;
	[tilespmem:$0x8000] =	vst v63  }
0x84: {  	s13 =	sshrl.u32 s0, $0x2;
	s14 =	sadd.s32 s9, s17;
	_ =	swait.ge [sflag:s30], $0x2000  }
.LBB2_5:
0x85: {  	[sflag:s30] =	ssyncset.done $0x0;
	s0 =	sor.u32 $0x4000, s13;
	s17 =	sadd.s32 s25, s14  }
0x86: {  	s18 =	sadd.s32 $0xFFFFFFFE, s15;
	p1 =	sge.u32 s15, s7;
	s19 =	sshrl.u32 s4, $0x3  }
0x87: {  	[sflag:s30] =	ssyncadd.s32 $0xFFFFE000;
	p2 =	slt.u32 s18, s8;
	s13 =	sshrl.u32 @!p1 s15, $0x3  }
0x88: {  	[hbm4b:s17+s31] =	stream.strided.scatter [tilespmem:s0], [sflag:$0x2], $0x2000, s26, s31, $0x38;
	[tilespmem:$0x8000] =	vst v63  }
0x89: {  	s14 =	sand.u32 @!p1 $0xE00, s20;
	s0 =	simm.s32 @!p2 $0x2;
	s13 =	sadd.s32 @!p1 s12, s13  }
0x8a: {  	s11 =	sand.u32 @!p1 $0x8000, s11;
	_ =	swait.ge @!p2 [sflag:s0], $0x2000;
	s13 =	sshll.u32 @!p1 s13, $0xC  }
0x8b: {  	s14 =	sshrl.u32 @!p1 s14, $0x2;
	[sflag:s0] =	ssyncset.done @!p2 $0x0;
	s13 =	sshra.s32 @!p1 s13, $0x2  }
0x8c: {  	[sflag:s0] =	ssyncadd.s32 @!p2 $0xFFFFE000;
	s0 =	sshrl.u32 @!p1 s11, $0x2;
	s11 =	sor.u32 @!p1 s14, s13  }
0x8d: {  	s13 =	simm.s32 @!p1 $0x80;
	s0 =	sor.u32 @!p1 $0x4000, s0;
	s11 =	sadd.s32 @!p1 $0x2000, s11  }
0x8e: {  	[tilespmem:s0], [sflag:$0x1] =	stream.indirect.gather @!p1 [hbm4b:s3+s13], $0x40, s11, s13, $0xb8;
	[tilespmem:$0x8000] =	vst v63  }
0x8f: {  	s2 =	sand.u32 $0x8000, s2;
	s4 =	simm.s32 @!p0 $0x10;
	s0 =	sadd.s32 s6, s19  }
0x90: {  	s2 =	sshrl.u32 s2, $0x2;
	s20 =	sand.u32 $0x3800, s21;
	s0 =	sshll.u32 s0, $0xE  }
0x91: {  	s21 =	simm.s32 $0x2;
	_ =	swait.ge [sflag:s30], $0x2000;
	s0 =	sand.u32 $0x1FFFC000, s0  }
0x92: {  	s2 =	sor.u32 $0x4000, s2;
	[sflag:s30] =	ssyncset.done $0x0;
	s0 =	sadd.s32 s9, s0  }
0x93: {  	s11 =	simm.s32 @!p0 $0x8;
	[sflag:s30] =	ssyncadd.s32 $0xFFFFE000;
	s0 =	sadd.s32 s20, s0  }
0x94: {  	[hbm4b:s0+s31] =	stream.strided.scatter [tilespmem:s2], [sflag:$0x2], $0x2000, s26, s31, $0x38;
	[tilespmem:$0x8000] =	vst v63  }
0x95: {  	s13 =	simm.s32 @!p0 $0x3;
	s0 =	stileid.u32;
	_ =	swait.ge [sflag:s21], $0x2000  }
0x96: {  	s2 =	simm.s32 @!p0 $0x1;
	s0 =	sshll.u32 @!p0 s0, $0x6;
	[sflag:s21] =	ssyncset.done $0x0  }
0x97: {  	s0 =	sor.u32 @!p0 $0x1C03, s0;
	s14 =	rddreg [dreg:$0x4];
	[sflag:s21] =	ssyncadd.s32 $0xFFFFE000  }
0x98: {  	[hbm:s5@s4], [sflag:s0] =	dma.strided @!p0 [hbm:s14@s11], $0x2000, s2, $0x8   }
0x99: {  	_ =	swait.ge @!p0 [sflag:s13], $0x2000  }
0x9a: {  	[sflag:s13] =	ssyncset.done @!p0 $0x0  }
0x9b: {  	[sflag:s13] =	ssyncadd.s32 @!p0 $0xFFFFE000  }
0x9c: {  	[hbm:s9@s4], [sflag:s0] =	dma.strided @!p0 [hbm:s14@s11], $0x2000, s2, $0x8   }
0x9d: {  	_ =	swait.ge @!p0 [sflag:s13], $0x2000  }
0x9e: {  	s1 =	sadd.s32 $0x1, s1;
	s25 =	rddreg [dreg:$0x9]  }
0x9f: {  	p1 =	sne.s32 s1, s25  }
.Ltmp4:
0xa0: {  	_ = 	snop;
	(pc) =	sbr.rel @p1 .LBB2_1-.Ltmp4, $3  }
0xa1: {  	_ =	sdelay $0x1  }
0xa2: {  	[sflag:s13] =	ssyncset.done @!p0 $0x0  }
0xa3: {  	[sflag:s13] =	ssyncadd.s32 @!p0 $0xFFFFE000  }
0xa4: {  	_ =	sfence.sel $0x180000  }
0xa5: {  	[bflag:$0x0] =	sbarrier.arrive $0xFFFF  }
0xa6: {  	_ =	strace $0x90000047  }
0xa7: {  	s0 =	stileid.u32;
	[bflag:$0x2] =	sbarrier.arrive $0xFFFF  }
0xa8: {  	p0 =	sne.s32 s0, $0x0;
	s0 =	rddreg [dreg:$0x3]  }
0xa9: {  	s0 =	sadd.s32 @!p0 $0x100000, s0  }
0xaa: {  	[sflag:s0] =	ssyncadd.tile.s32 @!p0 $0x1;
	_ =	shalt  }
.Lfunc_end2:
_tile_overlayer_lowered:
.L_overlay_start_2:
0xab: {  	(tag) =	ssettag $0x2  }
0xac: {  	s0 =	rddreg [dreg:$0x0];
	s2 =	stileid.u32  }
0xad: {  	s1 =	rddreg [dreg:$0x1];
	p0 =	sne.s32 s2, $0x0  }
0xae: {  	s3 =	rddreg [dreg:$0x2];
	[bflag:$0x3] =	sbarrier.arrive $0xFFFF;
	s2 =	simm.s32 @!p0 $0x1C03  }
0xaf: {  	[timem:s3], [sflag:s2] =	dma.local @!p0 [hbm:s0], s1  }
0xb0: {  	s0 =	simm.s32 @!p0 $0x3  }
0xb1: {  	_ =	swait.ge @!p0 [sflag:s0], s1  }
0xb2: {  	s1 =	ssub.s32 @!p0 $0x0, s1;
	[sflag:s0] =	ssyncset.done @!p0 $0x0  }
0xb3: {  	[sflag:s0] =	ssyncadd.s32 @!p0 s1  }
0xb4: {  	[bflag:$0x3] =	sbarrier.arrive $0xFFFF  }
0xb5: {  	_ =	shalt  }

// kernel: sparse-core-data-format-call.1.cloned.1.call-start
scs
called_computation.1_lowered:
.L_overlay_start_0:
0x0: {  	s2 =	sld [smem:$0x3FD9]  }
0x1: {  	s3 =	sld [smem:$0x3FFE];
	_ =	sdelay $0x1  }
0x2: {  	s1 =	srdreg.scid  }
0x3: {  	s0 =	sand.u32 $0x1, s1  }
0x4: {  	s16 =	sshll.u32 s0, $0xA;
	s2 =	sadd.s32 s3, s2  }
0x5: {  	s2 =	sadd.s32 s2, s16  }
0x6: {  	[smem:$0x3FC1] =	sst s2  }
0x7: {  	_ = 	snop  }
0x8: {  	s2 =	sld [smem:$0x3FD0];
	_ =	sdelay $0x2  }
0x9: {  	s17 =	simm.s32 $0xD;
	s4 =	simm.s32 $0x10  }
0xa: {  	[smem:s4], [sflag:s17] =	dma.local [hbm:s2], $0x1  }
0xb: {  	_ =	swait.eq [sflag:s17], $0x1  }
0xc: {  	[sflag:s17] =	ssyncset.done $0x0  }
0xd: {  	[sflag:s17] =	ssyncadd.s32 $0xFFFFFFFF  }
0xe: {  	s18 =	sld [smem:$0x12];
	(tm) =	ssettm $0x1  }
0xf: {  	s19 =	sld [smem:$0x3FFB];
	_ =	sdelay $0x3  }
0x10: {  	_ =	strace s19  }
0x11: {  	s2 =	sld [smem:$0x3FFC];
	_ =	sdelay $0x3  }
0x12: {  	_ =	strace s2  }
0x13: {  	s2 =	sld [smem:$0x3FFD];
	_ =	sdelay $0x3  }
0x14: {  	_ =	strace s2  }
0x15: {  	_ =	strace $0x8FFFFFFF  }
0x16: {  	s20 =	sld [smem:$0x3FDB];
	_ =	sdelay $0x1  }
0x17: {  	s21 =	simm.s32 $_scs_section_size  }
0x18: {  	s5 =	simm.s32 $_size__tile_overlayer_lowered;
	s6 =	simm.s32 $_tile_overlayer_lowered  }
0x19: {  	s7 =	simm.s32 $0x1BFF;
	s22 =	sshll.u32 s6, $0x1;
	s4 =	sadd.s32 s21, s20  }
0x1a: {  	s23 =	simm.s32 $0x0;
	s5 =	sshll.u32 s5, $0x1;
	s6 =	sadd.s32 s22, s4  }
0x1b: {  	[timem:s23], [sflag:s7] =	dma.local [hbm:s6], s5  }
0x1c: {  	_ =	swait.ge [sflag:s7], s5  }
0x1d: {  	s5 =	ssub.s32 $0x0, s5;
	[sflag:s7] =	ssyncset.done $0x0  }
0x1e: {  	[sflag:s7] =	ssyncadd.s32 s5;
	_ =	sdelay $0x1  }
0x1f: {  	s24 =	simm.s32 $0x1B8B  }
0x20: {  	_ =	swait.ge [sflag:s24], $0x1  }
0x21: {  	[sflag:s24] =	ssyncset.done $0x0  }
0x22: {  	[sflag:s24] =	ssyncadd.s32 $0xFFFFFFFF  }
0x23: {  	s5 =	sld [smem:$0x0]  }
0x24: {  	s6 =	sand.u32 $0xFFFFFFFE, s1  }
0x25: {  	p0 =	sne.s32 s1, s6  }
0x26: {  	s6 =	sshll.u32 @p0 s6, $0xE  }
0x27: {  	s6 =	sadd.s32 @p0 $0x11B8D, s6;
	s7 =	sshll.u32 @p0 s5, $0x11  }
0x28: {  	s6 =	sor.u32 @p0 s7, s6  }
0x29: {  	[sflag:s6] =	ssyncadd.remote.s32 @p0 $0x1;
	_ =	sdelay $0x1  }
0x2a: {  	s6 =	simm.s32 @p0 $0x1B8D  }
0x2b: {  	_ =	swait.eq @p0 [sflag:s6], $0x1  }
0x2c: {  	[sflag:s6] =	ssyncadd.s32 @p0 $0xFFFFFFFF  }
0x2d: {  	s7 =	sshll.u32 @!p0 s1, $0xE  }
0x2e: {  	s7 =	sor.u32 @!p0 $0x4000, s7;
	s6 =	simm.s32 @!p0 $0x1B8D  }
0x2f: {  	s5 =	sshll.u32 @!p0 s5, $0x11;
	s7 =	sadd.s32 @!p0 $0x11B8D, s7;
	_ =	swait.eq @!p0 [sflag:s6], $0x1  }
0x30: {  	s5 =	sor.u32 @!p0 s5, s7;
	[sflag:s6] =	ssyncadd.s32 @!p0 $0xFFFFFFFF  }
0x31: {  	s26 =	simm.s32 $0x1B8E;
	s25 =	sld [smem:$0x3FFE];
	[sflag:s5] =	ssyncadd.remote.s32 @!p0 $0x1  }
0x32: {  	s27 =	simm.s32 $execute0_lowered;
	[smem:$0x3FD2] =	sst s26  }
0x33: {  	s6 =	sshll.u32 s27, $0x1;
	_ =	strace $0x80000052;
	[dreg:$0x1] =	wrdreg $0xFFFFFFFF  }
0x34: {  	s28 =	simm.s32 $_size_execute0_lowered;
	s4 =	sadd.s32 s4, s6;
	[dreg:$0x0] =	wrdreg $0x0  }
0x35: {  	s6 =	sshll.u32 s28, $0x1;
	[dreg:$0x2] =	wrdreg s4  }
0x36: {  	[dreg:$0x3] =	wrdreg s6  }
0x37: {  	[dreg:$0x4] =	wrdreg $0xC0  }
0x38: {  	_ =	task [dreg:s23], $0x5FFFF  }
0x39: {  	[dreg:$0x1] =	wrdreg $0xFFFFFFFF  }
0x3a: {  	[dreg:$0x0] =	wrdreg $0x60  }
0x3b: {  	[dreg:$0x2] =	wrdreg s25  }
0x3c: {  	[dreg:$0x3] =	wrdreg s18  }
0x3d: {  	[dreg:$0x4] =	wrdreg $0xB  }
0x3e: {  	_ =	task.clear_ibuf [dreg:s23], $0x5FFFF;
	_ =	strace $0x90000052  }
0x3f: {  	s29 =	simm.s32 $0xB;
	_ =	strace $0x80000054  }
0x40: {  	_ =	swait.ge [sflag:s29], $0x1  }
0x41: {  	[sflag:s29] =	ssyncadd.s32 $0xFFFFFFFF  }
0x42: {  	_ =	strace $0x90000054  }
0x43: {  	_ =	sfence  }
0x44: {  	s30 =	sld [smem:$0x0];
	_ =	sdelay $0x2  }
0x45: {  	s31 =	sshll.u32 s1, $0xD;
	s1 =	sshrl.u32 s1, $0x2  }
0x46: {  	s4 =	sand.u32 $0x4000, s31;
	s1 =	sadd.s32 s1, s30  }
0x47: {  	s0 =	sor.u32 s4, s0;
	s1 =	sshll.u32 s1, $0x11  }
0x48: {  	s0 =	sor.u32 s1, s0  }
0x49: {  	s0 =	sadd.s32 $0x8F2B, s0  }
0x4a: {  	[sflag:s0] =	ssyncadd.remote.s32 $0x1  }
0x4b: {  	_ =	sfence.sel $0xFFFF  }
0x4c: {  	[dreg:$0x0] =	wrdreg $0xFFFFFFFF;
	(pc) =	sbr.abs _section_cstart, $3  }
0x4d: {  	[dreg:$0x1] =	wrdreg $0xFFFFFFFF  }
0x4e: {  	_ =	task.clear_ibuf [dreg:s23], $0x2FFFF;
	_ =	strace $0x9FFFFFFF  }
0x4f: {  	(tm) =	ssettm $0x7FFFFFFF  }
tec
execute0_lowered:
.L_overlay_start_1:
0x0: {  	(tag) =	ssettag $0x1  }
0x1: {  	s7 =	rddreg [dreg:$0x0]  }
0x2: {  	s2 =	rddreg [dreg:$0x1]  }
0x3: {  	s0 =	stileid.u32;
	s1 =	srdreg.scid;
	s31 =	simm.s32 $0x2  }
0x4: {  	s14 =	simm.s32 $0x0;
	s15 =	simm.s32 $0x0;
	s13 =	simm.s32 $0x0  }
0x5: {  	s3 =	sshll.u32 s0, $0x5;
	s4 =	sshll.u32 s1, $0x9;
	s5 =	sshll.u32 s0, $0x1  }
0x6: {  	s1 =	rddreg [dreg:$0x2];
	s4 =	sor.u32 s3, s4;
	s3 =	sand.u32 $0x6, s5  }
0x7: {  	_ =	strace $0x80000053;
	s4 =	sand.u32 $0x380, s4;
	s5 =	ssub.s32 $0xC8, s3  }
0x8: {  	s12 =	smov.u32 s3;
	s8 =	sshll.u32 s4, $0x4;
	s6 =	sand.u32 $0x6, s5  }
0x9: {  	s9 =	ssub.s32 $0x400, s4;
	s11 =	sshrl.u32 s5, $0x3;
	s5 =	simm.s32 $0x1  }
0xa: {  	p0 =	sne.s32 s6, $0x0;
	s6 =	simm.s32 $0x1;
	s10 =	sand.u32 $0x380, s9  }
0xb: {  	s6 =	simm.s32 @!p0 $0x0;
	p0 =	sne.s32 s10, $0x0;
	s10 =	simm.s32 $0x1  }
.Ltmp0:
0xc: {  	s9 =	sshrl.u32 s9, $0xA;
	s10 =	simm.s32 @!p0 $0x0;
	(pc) =	sbr.rel .LBB1_1-.Ltmp0, $4  }
0xd: {  	[sflag:s5] =	ssyncpa.u1 $0x0;
	s6 =	sadd.s32 s6, s11;
	s9 =	sadd.s32 s10, s9  }
0xe: {  	s8 =	sadd.s32 s8, s7;
	[sflag:s31] =	ssyncpa.u1 $0x0;
	s6 =	smul.u32 s6, s9  }
0xf: {  	s7 =	sadd.s32 $0x324C00, s8;
	s8 =	sadd.s32 $0x328C00, s8;
	p0 =	por $0x0, $0x0  }
0x10: {  	s11 =	simm.s32 $0x2000;
	s10 =	simm.s32 $0x400;
	s9 =	sadd.s32 $0x1, s6  }
.LBB1_7:
0x11: {  	s16 =	sadd.s32 $0x8, s12  }
0x12: {  	p2 =	sgt.s32 s16, $0xC7  }
0x13: {  	s16 =	smov.u32 @p2 s3;
	p2 =	sne.s32 s13, s9  }
.Ltmp1:
0x14: {  	p1 =	slt.u32 s13, $0x2;
	(pc) =	sbr.rel @!p2 .LBB1_8-.Ltmp1, $4  }
0x15: {  	s14 =	simm.s32 @!p1 $0x2  }
0x16: {  	s17 =	sadd.s32 $0x1, s13;
	s15 =	smov.u32 s12;
	_ =	swait.ge @!p1 [sflag:s14], $0x4000  }
0x17: {  	p0 =	por !p0, !p0;
	s13 =	smov.u32 s17;
	[sflag:s14] =	ssyncset.done @!p1 $0x0  }
0x18: {  	s12 =	smov.u32 s16;
	[sflag:s14] =	ssyncadd.s32 @!p1 $0xFFFFC000;
	s14 =	smov.u32 s4  }
.LBB1_1:
0x19: {  	p1 =	sge.u32 s13, s6  }
0x1a: {  	s16 =	sxor.u32 @!p1 $0xFFFFFFFF, s13  }
0x1b: {  	s17 =	sshll.u32 @!p1 s12, $0xE;
	s19 =	simm.s32 @!p1 $0x40;
	s16 =	sshll.u32 @!p1 s16, $0xE  }
0x1c: {  	s20 =	simm.s32 @!p1 $0x80;
	s18 =	sadd.s32 @!p1 s17, s7;
	s16 =	sand.u32 @!p1 $0x4000, s16  }
0x1d: {  	[tilespmem:s16], [sflag:$0x1] =	stream.strided.gather @!p1 [hbm4b:s18+s19], $0x2000, s20, s19, $0x38;
	[tilespmem:$0x10100] =	vst v63  }
0x1e: {  	s31 =	sadd.s32 $0xFFFFFFFF, s13;
	s17 =	sadd.s32 @!p1 s17, s8;
	s16 =	sor.u32 @!p1 $0x2000, s16  }
0x1f: {  	[tilespmem:s16], [sflag:$0x1] =	stream.strided.gather @!p1 [hbm4b:s17+s19], $0x2000, s20, s19, $0x38;
	[tilespmem:$0x10100] =	vst v63  }
0x20: {  	p1 =	sge.u32 s31, s6  }
.Ltmp2:
0x21: {  	_ = 	snop;
	(pc) =	sbr.rel @p1 .LBB1_7-.Ltmp2, $1  }
0x22: {  	_ =	sdelay $0x3  }
0x23: {  	s16 =	simm.s32 $0x1;
	s18 =	sand.u32 $0x1, s13  }
0x24: {  	_ =	swait.ge [sflag:s5], $0x4000;
	s16 =	simm.s32 @!p0 $0x0;
	s18 =	smul.u32 $0x10200, s18  }
0x25: {  	p2 =	por $0x1, $0x1;
	[sflag:s5] =	ssyncset.done $0x0;
	s17 =	smul.u32 $0x10200, s16  }
0x26: {  	s19 =	sshll.u32 s16, $0x10;
	[sflag:s5] =	ssyncadd.s32 $0xFFFFC000;
	s30 =	sshrl.u32 s18, $0x2  }
0x27: {  	s31 =	sshrl.u32 s19, $0x2;
	s19 =	simm.s32 $0x0;
	s17 =	sshrl.u32 s17, $0x2  }
0x28: {  	s16 =	sor.u32 $0x8000, s30;
	s18 =	sadd.s32 $0x20, s31;
	s17 =	sor.u32 $0x8000, s17  }
.LBB1_3:
0x29: {  	s20 =	sshll.u32 s19, $0xD  }
0x2a: {  	s20 =	sand.u32 $0x3FFFE000, s20  }
0x2b: {  	s22 =	sadd.s32 s20, s18  }
0x2c: {  	s31 =	smul.u32 $0x8100, s19;
	v3 =	vld [tilespmem:s22+$0x10]  }
0x2d: {  	v1 =	vld [tilespmem:s22+$0xFFFFFFF0]  }
0x2e: {  	s19 =	sshra.s32 s31, $0x2;
	v0 =	vld [tilespmem:s22+$0x0]  }
0x2f: {  	s19 =	sadd.s32 s19, s17;
	v2 =	vld [tilespmem:s22+$0xFFFFFFE0]  }
0x30: {  	s20 =	sadd.s32 $0x0, s19  }
0x31: {  	p1 =	por p2, p2;
	s21 =	simm.s32 $0x4;
	s22 =	sadd.s32 $0x40, s22;
	[tilespmem:s20+$0x1830 ss:$0x81] =	vst.msk $0xffff, v3  }
.LBB1_4:
0x32: {  	v3 =	vld [tilespmem:s22+$0x10];
	p2 =	sne.s32 s21, $0x1FC;
	[tilespmem:s20+$0x810 ss:$0x81] =	vst.msk $0xffff, v1;
	s23 =	smov.u32 s21;
	s21 =	sadd.s32 $0x4, s21  }
.Ltmp3:
0x33: {  	v1 =	vld [tilespmem:s22+$0xFFFFFFF0];
	[tilespmem:s20+$0x1020 ss:$0x81] =	vst.msk $0xffff, v0;
	(pc) =	sbr.rel @p2 .LBB1_4-.Ltmp3, $4  }
0x34: {  	v0 =	vld [tilespmem:s22+$0x0];
	[tilespmem:s20+$0x0 ss:$0x81] =	vst.msk $0xffff, v2  }
0x35: {  	s20 =	sshra.s32 s23, $0x2;
	v2 =	vld [tilespmem:s22+$0xFFFFFFE0]  }
0x36: {  	s20 =	sadd.s32 s20, s19  }
0x37: {  	s22 =	sadd.s32 $0x40, s22;
	[tilespmem:s20+$0x1830 ss:$0x81] =	vst.msk $0xffff, v3  }
.Ltmp4:
0x38: {  	(pc) =	sbr.rel @p1 .LBB1_3-.Ltmp4, $4  }
0x39: {  	_ = 	snop  }
0x3a: {  	[tilespmem:s20+$0x810 ss:$0x81] =	vst.msk $0xffff, v1  }
0x3b: {  	[tilespmem:s20+$0x1020 ss:$0x81] =	vst.msk $0xffff, v0  }
0x3c: {  	s19 =	simm.s32 $0x1;
	p2 =	por $0x0, $0x0;
	[tilespmem:s20+$0x0 ss:$0x81] =	vst.msk $0xffff, v2  }
.Ltmp5:
0x3d: {  	(pc) =	sbr.rel .LBB1_7-.Ltmp5, $4  }
0x3e: {  	_ = 	snop  }
0x3f: {  	s15 =	sshll.u32 s15, $0xD;
	s14 =	sadd.s32 s2, s14  }
0x40: {  	s14 =	sadd.s32 s15, s14  }
0x41: {  	[hbm4b:s14+s10] =	stream.strided.scatter [tilespmem:s16], [sflag:$0x2], $0x4000, s11, s10, $0x20;
	[tilespmem:$0x10100] =	vst v63  }
.LBB1_8:
0x42: {  	_ =	sfence.sel $0x180000  }
0x43: {  	s2 =	simm.s32 $0x1;
	[bflag:$0x0] =	sbarrier.arrive $0xFFFF  }
0x44: {  	s31 =	simm.s32 $0x2;
	[sflag:s2] =	ssyncpa.u1 $0x1  }
0x45: {  	[sflag:s31] =	ssyncpa.u1 $0x1  }
0x46: {  	p0 =	sne.s32 s0, $0x0;
	_ =	strace $0x90000053  }
0x47: {  	s0 =	sadd.s32 @!p0 $0x100000, s1;
	[bflag:$0x2] =	sbarrier.arrive $0xFFFF  }
0x48: {  	[sflag:s0] =	ssyncadd.tile.s32 @!p0 $0x1;
	_ =	shalt  }
.Lfunc_end1:
_tile_overlayer_lowered:
.L_overlay_start_2:
0x49: {  	(tag) =	ssettag $0x2  }
0x4a: {  	s0 =	rddreg [dreg:$0x0];
	s2 =	stileid.u32  }
0x4b: {  	s1 =	rddreg [dreg:$0x1];
	p0 =	sne.s32 s2, $0x0  }
0x4c: {  	s3 =	rddreg [dreg:$0x2];
	[bflag:$0x3] =	sbarrier.arrive $0xFFFF;
	s2 =	simm.s32 @!p0 $0x1C01  }
0x4d: {  	[timem:s3], [sflag:s2] =	dma.local @!p0 [hbm:s0], s1  }
0x4e: {  	s0 =	simm.s32 @!p0 $0x1  }
0x4f: {  	_ =	swait.ge @!p0 [sflag:s0], s1  }
0x50: {  	s1 =	ssub.s32 @!p0 $0x0, s1;
	[sflag:s0] =	ssyncset.done @!p0 $0x0  }
0x51: {  	[sflag:s0] =	ssyncadd.s32 @!p0 s1  }
0x52: {  	[bflag:$0x3] =	sbarrier.arrive $0xFFFF  }
0x53: {  	_ =	shalt  }

// kernel: sparse-core-data-format-call.2.cloned.1.call-start
scs
called_computation.2_lowered:
.L_overlay_start_0:
0x0: {  	s2 =	sld [smem:$0x3FD9]  }
0x1: {  	s3 =	sld [smem:$0x3FFE];
	_ =	sdelay $0x1  }
0x2: {  	s1 =	srdreg.scid  }
0x3: {  	s0 =	sand.u32 $0x1, s1  }
0x4: {  	s16 =	sshll.u32 s0, $0xA;
	s2 =	sadd.s32 s3, s2  }
0x5: {  	s2 =	sadd.s32 s2, s16  }
0x6: {  	[smem:$0x3FC1] =	sst s2  }
0x7: {  	_ = 	snop  }
0x8: {  	s2 =	sld [smem:$0x3FD0];
	_ =	sdelay $0x2  }
0x9: {  	s17 =	simm.s32 $0xD;
	s4 =	simm.s32 $0x10  }
0xa: {  	[smem:s4], [sflag:s17] =	dma.local [hbm:s2], $0x1  }
0xb: {  	_ =	swait.eq [sflag:s17], $0x1  }
0xc: {  	[sflag:s17] =	ssyncset.done $0x0  }
0xd: {  	[sflag:s17] =	ssyncadd.s32 $0xFFFFFFFF  }
0xe: {  	s18 =	sld [smem:$0x11];
	(tm) =	ssettm $0x1  }
0xf: {  	s19 =	sld [smem:$0x3FFB];
	_ =	sdelay $0x3  }
0x10: {  	_ =	strace s19  }
0x11: {  	s2 =	sld [smem:$0x3FFC];
	_ =	sdelay $0x3  }
0x12: {  	_ =	strace s2  }
0x13: {  	s2 =	sld [smem:$0x3FFD];
	_ =	sdelay $0x3  }
0x14: {  	_ =	strace s2  }
0x15: {  	_ =	strace $0x8FFFFFFF  }
0x16: {  	s20 =	sld [smem:$0x3FDB];
	_ =	sdelay $0x1  }
0x17: {  	s21 =	simm.s32 $_scs_section_size  }
0x18: {  	s5 =	simm.s32 $_size__tile_overlayer_lowered;
	s6 =	simm.s32 $_tile_overlayer_lowered  }
0x19: {  	s7 =	simm.s32 $0x1BFF;
	s22 =	sshll.u32 s6, $0x1;
	s4 =	sadd.s32 s21, s20  }
0x1a: {  	s23 =	simm.s32 $0x0;
	s5 =	sshll.u32 s5, $0x1;
	s6 =	sadd.s32 s22, s4  }
0x1b: {  	[timem:s23], [sflag:s7] =	dma.local [hbm:s6], s5  }
0x1c: {  	_ =	swait.ge [sflag:s7], s5  }
0x1d: {  	s5 =	ssub.s32 $0x0, s5;
	[sflag:s7] =	ssyncset.done $0x0  }
0x1e: {  	[sflag:s7] =	ssyncadd.s32 s5;
	_ =	sdelay $0x1  }
0x1f: {  	s24 =	simm.s32 $0x1B8B  }
0x20: {  	_ =	swait.ge [sflag:s24], $0x1  }
0x21: {  	[sflag:s24] =	ssyncset.done $0x0  }
0x22: {  	[sflag:s24] =	ssyncadd.s32 $0xFFFFFFFF  }
0x23: {  	s5 =	sld [smem:$0x0]  }
0x24: {  	s6 =	sand.u32 $0xFFFFFFFE, s1  }
0x25: {  	p0 =	sne.s32 s1, s6  }
0x26: {  	s6 =	sshll.u32 @p0 s6, $0xE  }
0x27: {  	s6 =	sadd.s32 @p0 $0x11B8D, s6;
	s7 =	sshll.u32 @p0 s5, $0x11  }
0x28: {  	s6 =	sor.u32 @p0 s7, s6  }
0x29: {  	[sflag:s6] =	ssyncadd.remote.s32 @p0 $0x1;
	_ =	sdelay $0x1  }
0x2a: {  	s6 =	simm.s32 @p0 $0x1B8D  }
0x2b: {  	_ =	swait.eq @p0 [sflag:s6], $0x1  }
0x2c: {  	[sflag:s6] =	ssyncadd.s32 @p0 $0xFFFFFFFF  }
0x2d: {  	s7 =	sshll.u32 @!p0 s1, $0xE  }
0x2e: {  	s7 =	sor.u32 @!p0 $0x4000, s7;
	s6 =	simm.s32 @!p0 $0x1B8D  }
0x2f: {  	s5 =	sshll.u32 @!p0 s5, $0x11;
	s7 =	sadd.s32 @!p0 $0x11B8D, s7;
	_ =	swait.eq @!p0 [sflag:s6], $0x1  }
0x30: {  	s5 =	sor.u32 @!p0 s5, s7;
	[sflag:s6] =	ssyncadd.s32 @!p0 $0xFFFFFFFF  }
0x31: {  	s26 =	simm.s32 $0x1B8E;
	s25 =	sld [smem:$0x3FFE];
	[sflag:s5] =	ssyncadd.remote.s32 @!p0 $0x1  }
0x32: {  	s27 =	simm.s32 $execute0_lowered;
	[smem:$0x3FD2] =	sst s26  }
0x33: {  	s6 =	sshll.u32 s27, $0x1;
	_ =	strace $0x8000004F;
	[dreg:$0x1] =	wrdreg $0xFFFFFFFF  }
0x34: {  	s28 =	simm.s32 $_size_execute0_lowered;
	s4 =	sadd.s32 s4, s6;
	[dreg:$0x0] =	wrdreg $0x0  }
0x35: {  	s6 =	sshll.u32 s28, $0x1;
	[dreg:$0x2] =	wrdreg s4  }
0x36: {  	[dreg:$0x3] =	wrdreg s6  }
0x37: {  	[dreg:$0x4] =	wrdreg $0xC0  }
0x38: {  	_ =	task [dreg:s23], $0x5FFFF  }
0x39: {  	[dreg:$0x1] =	wrdreg $0xFFFFFFFF  }
0x3a: {  	[dreg:$0x0] =	wrdreg $0x60  }
0x3b: {  	[dreg:$0x2] =	wrdreg s25  }
0x3c: {  	[dreg:$0x3] =	wrdreg s18  }
0x3d: {  	[dreg:$0x4] =	wrdreg $0xC  }
0x3e: {  	_ =	task.clear_ibuf [dreg:s23], $0x5FFFF;
	_ =	strace $0x9000004F  }
0x3f: {  	s29 =	simm.s32 $0xC;
	_ =	strace $0x80000051  }
0x40: {  	_ =	swait.ge [sflag:s29], $0x1  }
0x41: {  	[sflag:s29] =	ssyncadd.s32 $0xFFFFFFFF  }
0x42: {  	_ =	strace $0x90000051  }
0x43: {  	_ =	sfence  }
0x44: {  	s30 =	sld [smem:$0x0];
	_ =	sdelay $0x2  }
0x45: {  	s31 =	sshll.u32 s1, $0xD;
	s1 =	sshrl.u32 s1, $0x2  }
0x46: {  	s4 =	sand.u32 $0x4000, s31;
	s1 =	sadd.s32 s1, s30  }
0x47: {  	s0 =	sor.u32 s4, s0;
	s1 =	sshll.u32 s1, $0x11  }
0x48: {  	s0 =	sor.u32 s1, s0  }
0x49: {  	s0 =	sadd.s32 $0x8F2B, s0  }
0x4a: {  	[sflag:s0] =	ssyncadd.remote.s32 $0x1  }
0x4b: {  	_ =	sfence.sel $0xFFFF  }
0x4c: {  	[dreg:$0x0] =	wrdreg $0xFFFFFFFF;
	(pc) =	sbr.abs _section_cstart, $3  }
0x4d: {  	[dreg:$0x1] =	wrdreg $0xFFFFFFFF  }
0x4e: {  	_ =	task.clear_ibuf [dreg:s23], $0x2FFFF;
	_ =	strace $0x9FFFFFFF  }
0x4f: {  	(tm) =	ssettm $0x7FFFFFFF  }
tec
execute0_lowered:
.L_overlay_start_1:
0x0: {  	(tag) =	ssettag $0x1  }
0x1: {  	s7 =	rddreg [dreg:$0x0]  }
0x2: {  	s2 =	rddreg [dreg:$0x1]  }
0x3: {  	s0 =	stileid.u32;
	s1 =	srdreg.scid;
	s31 =	simm.s32 $0x2  }
0x4: {  	s14 =	simm.s32 $0x0;
	s15 =	simm.s32 $0x0;
	s13 =	simm.s32 $0x0  }
0x5: {  	s3 =	sshll.u32 s0, $0x5;
	s4 =	sshll.u32 s1, $0x9;
	s5 =	sshll.u32 s0, $0x1  }
0x6: {  	s1 =	rddreg [dreg:$0x2];
	s4 =	sor.u32 s3, s4;
	s3 =	sand.u32 $0x6, s5  }
0x7: {  	_ =	strace $0x80000050;
	s4 =	sand.u32 $0x380, s4;
	s5 =	ssub.s32 $0xC8, s3  }
0x8: {  	s12 =	smov.u32 s3;
	s8 =	sshll.u32 s4, $0x4;
	s6 =	sand.u32 $0x6, s5  }
0x9: {  	s9 =	ssub.s32 $0x400, s4;
	s11 =	sshrl.u32 s5, $0x3;
	s5 =	simm.s32 $0x1  }
0xa: {  	p0 =	sne.s32 s6, $0x0;
	s6 =	simm.s32 $0x1;
	s10 =	sand.u32 $0x380, s9  }
0xb: {  	s6 =	simm.s32 @!p0 $0x0;
	p0 =	sne.s32 s10, $0x0;
	s10 =	simm.s32 $0x1  }
.Ltmp0:
0xc: {  	s9 =	sshrl.u32 s9, $0xA;
	s10 =	simm.s32 @!p0 $0x0;
	(pc) =	sbr.rel .LBB1_1-.Ltmp0, $4  }
0xd: {  	[sflag:s5] =	ssyncpa.u1 $0x0;
	s6 =	sadd.s32 s6, s11;
	s9 =	sadd.s32 s10, s9  }
0xe: {  	s8 =	sadd.s32 s8, s7;
	[sflag:s31] =	ssyncpa.u1 $0x0;
	s6 =	smul.u32 s6, s9  }
0xf: {  	s7 =	sadd.s32 $0x651C00, s8;
	s8 =	sadd.s32 $0x655C00, s8;
	p0 =	por $0x0, $0x0  }
0x10: {  	s11 =	simm.s32 $0x2000;
	s10 =	simm.s32 $0x400;
	s9 =	sadd.s32 $0x1, s6  }
.LBB1_7:
0x11: {  	s16 =	sadd.s32 $0x8, s12  }
0x12: {  	p2 =	sgt.s32 s16, $0xC7  }
0x13: {  	s16 =	smov.u32 @p2 s3;
	p2 =	sne.s32 s13, s9  }
.Ltmp1:
0x14: {  	p1 =	slt.u32 s13, $0x2;
	(pc) =	sbr.rel @!p2 .LBB1_8-.Ltmp1, $4  }
0x15: {  	s14 =	simm.s32 @!p1 $0x2  }
0x16: {  	s17 =	sadd.s32 $0x1, s13;
	s15 =	smov.u32 s12;
	_ =	swait.ge @!p1 [sflag:s14], $0x4000  }
0x17: {  	p0 =	por !p0, !p0;
	s13 =	smov.u32 s17;
	[sflag:s14] =	ssyncset.done @!p1 $0x0  }
0x18: {  	s12 =	smov.u32 s16;
	[sflag:s14] =	ssyncadd.s32 @!p1 $0xFFFFC000;
	s14 =	smov.u32 s4  }
.LBB1_1:
0x19: {  	p1 =	sge.u32 s13, s6  }
0x1a: {  	s16 =	sxor.u32 @!p1 $0xFFFFFFFF, s13  }
0x1b: {  	s17 =	sshll.u32 @!p1 s12, $0xE;
	s19 =	simm.s32 @!p1 $0x40;
	s16 =	sshll.u32 @!p1 s16, $0xE  }
0x1c: {  	s20 =	simm.s32 @!p1 $0x80;
	s18 =	sadd.s32 @!p1 s17, s7;
	s16 =	sand.u32 @!p1 $0x4000, s16  }
0x1d: {  	[tilespmem:s16], [sflag:$0x1] =	stream.strided.gather @!p1 [hbm4b:s18+s19], $0x2000, s20, s19, $0x38;
	[tilespmem:$0x10100] =	vst v63  }
0x1e: {  	s31 =	sadd.s32 $0xFFFFFFFF, s13;
	s17 =	sadd.s32 @!p1 s17, s8;
	s16 =	sor.u32 @!p1 $0x2000, s16  }
0x1f: {  	[tilespmem:s16], [sflag:$0x1] =	stream.strided.gather @!p1 [hbm4b:s17+s19], $0x2000, s20, s19, $0x38;
	[tilespmem:$0x10100] =	vst v63  }
0x20: {  	p1 =	sge.u32 s31, s6  }
.Ltmp2:
0x21: {  	_ = 	snop;
	(pc) =	sbr.rel @p1 .LBB1_7-.Ltmp2, $1  }
0x22: {  	_ =	sdelay $0x3  }
0x23: {  	s16 =	simm.s32 $0x1;
	s18 =	sand.u32 $0x1, s13  }
0x24: {  	_ =	swait.ge [sflag:s5], $0x4000;
	s16 =	simm.s32 @!p0 $0x0;
	s18 =	smul.u32 $0x10200, s18  }
0x25: {  	p2 =	por $0x1, $0x1;
	[sflag:s5] =	ssyncset.done $0x0;
	s17 =	smul.u32 $0x10200, s16  }
0x26: {  	s19 =	sshll.u32 s16, $0x10;
	[sflag:s5] =	ssyncadd.s32 $0xFFFFC000;
	s30 =	sshrl.u32 s18, $0x2  }
0x27: {  	s31 =	sshrl.u32 s19, $0x2;
	s19 =	simm.s32 $0x0;
	s17 =	sshrl.u32 s17, $0x2  }
0x28: {  	s16 =	sor.u32 $0x8000, s30;
	s18 =	sadd.s32 $0x20, s31;
	s17 =	sor.u32 $0x8000, s17  }
.LBB1_3:
0x29: {  	s20 =	sshll.u32 s19, $0xD  }
0x2a: {  	s20 =	sand.u32 $0x3FFFE000, s20  }
0x2b: {  	s22 =	sadd.s32 s20, s18  }
0x2c: {  	s31 =	smul.u32 $0x8100, s19;
	v3 =	vld [tilespmem:s22+$0x10]  }
0x2d: {  	v1 =	vld [tilespmem:s22+$0xFFFFFFF0]  }
0x2e: {  	s19 =	sshra.s32 s31, $0x2;
	v0 =	vld [tilespmem:s22+$0x0]  }
0x2f: {  	s19 =	sadd.s32 s19, s17;
	v2 =	vld [tilespmem:s22+$0xFFFFFFE0]  }
0x30: {  	s20 =	sadd.s32 $0x0, s19  }
0x31: {  	p1 =	por p2, p2;
	s21 =	simm.s32 $0x4;
	s22 =	sadd.s32 $0x40, s22;
	[tilespmem:s20+$0x1830 ss:$0x81] =	vst.msk $0xffff, v3  }
.LBB1_4:
0x32: {  	v3 =	vld [tilespmem:s22+$0x10];
	p2 =	sne.s32 s21, $0x1FC;
	[tilespmem:s20+$0x810 ss:$0x81] =	vst.msk $0xffff, v1;
	s23 =	smov.u32 s21;
	s21 =	sadd.s32 $0x4, s21  }
.Ltmp3:
0x33: {  	v1 =	vld [tilespmem:s22+$0xFFFFFFF0];
	[tilespmem:s20+$0x1020 ss:$0x81] =	vst.msk $0xffff, v0;
	(pc) =	sbr.rel @p2 .LBB1_4-.Ltmp3, $4  }
0x34: {  	v0 =	vld [tilespmem:s22+$0x0];
	[tilespmem:s20+$0x0 ss:$0x81] =	vst.msk $0xffff, v2  }
0x35: {  	s20 =	sshra.s32 s23, $0x2;
	v2 =	vld [tilespmem:s22+$0xFFFFFFE0]  }
0x36: {  	s20 =	sadd.s32 s20, s19  }
0x37: {  	s22 =	sadd.s32 $0x40, s22;
	[tilespmem:s20+$0x1830 ss:$0x81] =	vst.msk $0xffff, v3  }
.Ltmp4:
0x38: {  	(pc) =	sbr.rel @p1 .LBB1_3-.Ltmp4, $4  }
0x39: {  	_ = 	snop  }
0x3a: {  	[tilespmem:s20+$0x810 ss:$0x81] =	vst.msk $0xffff, v1  }
0x3b: {  	[tilespmem:s20+$0x1020 ss:$0x81] =	vst.msk $0xffff, v0  }
0x3c: {  	s19 =	simm.s32 $0x1;
	p2 =	por $0x0, $0x0;
	[tilespmem:s20+$0x0 ss:$0x81] =	vst.msk $0xffff, v2  }
.Ltmp5:
0x3d: {  	(pc) =	sbr.rel .LBB1_7-.Ltmp5, $4  }
0x3e: {  	_ = 	snop  }
0x3f: {  	s15 =	sshll.u32 s15, $0xD;
	s14 =	sadd.s32 s2, s14  }
0x40: {  	s14 =	sadd.s32 s15, s14  }
0x41: {  	[hbm4b:s14+s10] =	stream.strided.scatter [tilespmem:s16], [sflag:$0x2], $0x4000, s11, s10, $0x20;
	[tilespmem:$0x10100] =	vst v63  }
.LBB1_8:
0x42: {  	_ =	sfence.sel $0x180000  }
0x43: {  	s2 =	simm.s32 $0x1;
	[bflag:$0x0] =	sbarrier.arrive $0xFFFF  }
0x44: {  	s31 =	simm.s32 $0x2;
	[sflag:s2] =	ssyncpa.u1 $0x1  }
0x45: {  	[sflag:s31] =	ssyncpa.u1 $0x1  }
0x46: {  	p0 =	sne.s32 s0, $0x0;
	_ =	strace $0x90000050  }
0x47: {  	s0 =	sadd.s32 @!p0 $0x100000, s1;
	[bflag:$0x2] =	sbarrier.arrive $0xFFFF  }
0x48: {  	[sflag:s0] =	ssyncadd.tile.s32 @!p0 $0x1;
	_ =	shalt  }
.Lfunc_end1:
_tile_overlayer_lowered:
.L_overlay_start_2:
0x49: {  	(tag) =	ssettag $0x2  }
0x4a: {  	s0 =	rddreg [dreg:$0x0];
	s2 =	stileid.u32  }
0x4b: {  	s1 =	rddreg [dreg:$0x1];
	p0 =	sne.s32 s2, $0x0  }
0x4c: {  	s3 =	rddreg [dreg:$0x2];
	[bflag:$0x3] =	sbarrier.arrive $0xFFFF;
	s2 =	simm.s32 @!p0 $0x1C01  }
0x4d: {  	[timem:s3], [sflag:s2] =	dma.local @!p0 [hbm:s0], s1  }
0x4e: {  	s0 =	simm.s32 @!p0 $0x1  }
0x4f: {  	_ =	swait.ge @!p0 [sflag:s0], s1  }
0x50: {  	s1 =	ssub.s32 @!p0 $0x0, s1;
	[sflag:s0] =	ssyncset.done @!p0 $0x0  }
0x51: {  	[sflag:s0] =	ssyncadd.s32 @!p0 s1  }
0x52: {  	[bflag:$0x3] =	sbarrier.arrive $0xFFFF  }
0x53: {  	_ =	shalt  }

// kernel: sparse-core-data-format-call.3.cloned.1.call-start
scs
called_computation.3_lowered:
.L_overlay_start_0:
0x0: {  	s2 =	sld [smem:$0x3FD9]  }
0x1: {  	s3 =	sld [smem:$0x3FFE];
	_ =	sdelay $0x1  }
0x2: {  	s1 =	srdreg.scid  }
0x3: {  	s0 =	sand.u32 $0x1, s1  }
0x4: {  	s16 =	sshll.u32 s0, $0xA;
	s2 =	sadd.s32 s3, s2  }
0x5: {  	s2 =	sadd.s32 s2, s16  }
0x6: {  	[smem:$0x3FC1] =	sst s2  }
0x7: {  	_ = 	snop  }
0x8: {  	s2 =	sld [smem:$0x3FD0];
	_ =	sdelay $0x2  }
0x9: {  	s17 =	simm.s32 $0xD;
	s4 =	simm.s32 $0x10  }
0xa: {  	[smem:s4], [sflag:s17] =	dma.local [hbm:s2], $0x1  }
0xb: {  	_ =	swait.eq [sflag:s17], $0x1  }
0xc: {  	[sflag:s17] =	ssyncset.done $0x0  }
0xd: {  	[sflag:s17] =	ssyncadd.s32 $0xFFFFFFFF  }
0xe: {  	s18 =	sld [smem:$0x10];
	(tm) =	ssettm $0x1  }
0xf: {  	s19 =	sld [smem:$0x3FFB];
	_ =	sdelay $0x3  }
0x10: {  	_ =	strace s19  }
0x11: {  	s2 =	sld [smem:$0x3FFC];
	_ =	sdelay $0x3  }
0x12: {  	_ =	strace s2  }
0x13: {  	s2 =	sld [smem:$0x3FFD];
	_ =	sdelay $0x3  }
0x14: {  	_ =	strace s2  }
0x15: {  	_ =	strace $0x8FFFFFFF  }
0x16: {  	s20 =	sld [smem:$0x3FDB];
	_ =	sdelay $0x1  }
0x17: {  	s21 =	simm.s32 $_scs_section_size  }
0x18: {  	s5 =	simm.s32 $_size__tile_overlayer_lowered;
	s6 =	simm.s32 $_tile_overlayer_lowered  }
0x19: {  	s7 =	simm.s32 $0x1BFF;
	s22 =	sshll.u32 s6, $0x1;
	s4 =	sadd.s32 s21, s20  }
0x1a: {  	s23 =	simm.s32 $0x0;
	s5 =	sshll.u32 s5, $0x1;
	s6 =	sadd.s32 s22, s4  }
0x1b: {  	[timem:s23], [sflag:s7] =	dma.local [hbm:s6], s5  }
0x1c: {  	_ =	swait.ge [sflag:s7], s5  }
0x1d: {  	s5 =	ssub.s32 $0x0, s5;
	[sflag:s7] =	ssyncset.done $0x0  }
0x1e: {  	[sflag:s7] =	ssyncadd.s32 s5;
	_ =	sdelay $0x1  }
0x1f: {  	s24 =	simm.s32 $0x1B8B  }
0x20: {  	_ =	swait.ge [sflag:s24], $0x1  }
0x21: {  	[sflag:s24] =	ssyncset.done $0x0  }
0x22: {  	[sflag:s24] =	ssyncadd.s32 $0xFFFFFFFF  }
0x23: {  	s5 =	sld [smem:$0x0]  }
0x24: {  	s6 =	sand.u32 $0xFFFFFFFE, s1  }
0x25: {  	p0 =	sne.s32 s1, s6  }
0x26: {  	s6 =	sshll.u32 @p0 s6, $0xE  }
0x27: {  	s6 =	sadd.s32 @p0 $0x11B8D, s6;
	s7 =	sshll.u32 @p0 s5, $0x11  }
0x28: {  	s6 =	sor.u32 @p0 s7, s6  }
0x29: {  	[sflag:s6] =	ssyncadd.remote.s32 @p0 $0x1;
	_ =	sdelay $0x1  }
0x2a: {  	s6 =	simm.s32 @p0 $0x1B8D  }
0x2b: {  	_ =	swait.eq @p0 [sflag:s6], $0x1  }
0x2c: {  	[sflag:s6] =	ssyncadd.s32 @p0 $0xFFFFFFFF  }
0x2d: {  	s7 =	sshll.u32 @!p0 s1, $0xE  }
0x2e: {  	s7 =	sor.u32 @!p0 $0x4000, s7;
	s6 =	simm.s32 @!p0 $0x1B8D  }
0x2f: {  	s5 =	sshll.u32 @!p0 s5, $0x11;
	s7 =	sadd.s32 @!p0 $0x11B8D, s7;
	_ =	swait.eq @!p0 [sflag:s6], $0x1  }
0x30: {  	s5 =	sor.u32 @!p0 s5, s7;
	[sflag:s6] =	ssyncadd.s32 @!p0 $0xFFFFFFFF  }
0x31: {  	s26 =	simm.s32 $0x1B8E;
	s25 =	sld [smem:$0x3FFE];
	[sflag:s5] =	ssyncadd.remote.s32 @!p0 $0x1  }
0x32: {  	s27 =	simm.s32 $execute0_lowered;
	[smem:$0x3FD2] =	sst s26  }
0x33: {  	s6 =	sshll.u32 s27, $0x1;
	_ =	strace $0x8000004C;
	[dreg:$0x1] =	wrdreg $0xFFFFFFFF  }
0x34: {  	s28 =	simm.s32 $_size_execute0_lowered;
	s4 =	sadd.s32 s4, s6;
	[dreg:$0x0] =	wrdreg $0x0  }
0x35: {  	s6 =	sshll.u32 s28, $0x1;
	[dreg:$0x2] =	wrdreg s4  }
0x36: {  	[dreg:$0x3] =	wrdreg s6  }
0x37: {  	[dreg:$0x4] =	wrdreg $0xC0  }
0x38: {  	_ =	task [dreg:s23], $0x5FFFF  }
0x39: {  	[dreg:$0x1] =	wrdreg $0xFFFFFFFF  }
0x3a: {  	[dreg:$0x0] =	wrdreg $0x60  }
0x3b: {  	[dreg:$0x2] =	wrdreg s25  }
0x3c: {  	[dreg:$0x3] =	wrdreg s18  }
0x3d: {  	[dreg:$0x4] =	wrdreg $0x9  }
0x3e: {  	_ =	task.clear_ibuf [dreg:s23], $0x5FFFF;
	_ =	strace $0x9000004C  }
0x3f: {  	s29 =	simm.s32 $0x9;
	_ =	strace $0x8000004E  }
0x40: {  	_ =	swait.ge [sflag:s29], $0x1  }
0x41: {  	[sflag:s29] =	ssyncadd.s32 $0xFFFFFFFF  }
0x42: {  	_ =	strace $0x9000004E  }
0x43: {  	_ =	sfence  }
0x44: {  	s30 =	sld [smem:$0x0];
	_ =	sdelay $0x2  }
0x45: {  	s31 =	sshll.u32 s1, $0xD;
	s1 =	sshrl.u32 s1, $0x2  }
0x46: {  	s4 =	sand.u32 $0x4000, s31;
	s1 =	sadd.s32 s1, s30  }
0x47: {  	s0 =	sor.u32 s4, s0;
	s1 =	sshll.u32 s1, $0x11  }
0x48: {  	s0 =	sor.u32 s1, s0  }
0x49: {  	s0 =	sadd.s32 $0x8F2B, s0  }
0x4a: {  	[sflag:s0] =	ssyncadd.remote.s32 $0x1  }
0x4b: {  	_ =	sfence.sel $0xFFFF  }
0x4c: {  	[dreg:$0x0] =	wrdreg $0xFFFFFFFF;
	(pc) =	sbr.abs _section_cstart, $3  }
0x4d: {  	[dreg:$0x1] =	wrdreg $0xFFFFFFFF  }
0x4e: {  	_ =	task.clear_ibuf [dreg:s23], $0x2FFFF;
	_ =	strace $0x9FFFFFFF  }
0x4f: {  	(tm) =	ssettm $0x7FFFFFFF  }
tec
execute0_lowered:
.L_overlay_start_1:
0x0: {  	(tag) =	ssettag $0x1  }
0x1: {  	s7 =	rddreg [dreg:$0x0]  }
0x2: {  	s2 =	rddreg [dreg:$0x1]  }
0x3: {  	s0 =	stileid.u32;
	s1 =	srdreg.scid;
	s31 =	simm.s32 $0x2  }
0x4: {  	s14 =	simm.s32 $0x0;
	s15 =	simm.s32 $0x0;
	s13 =	simm.s32 $0x0  }
0x5: {  	s3 =	sshll.u32 s0, $0x5;
	s4 =	sshll.u32 s1, $0x9;
	s5 =	sshll.u32 s0, $0x1  }
0x6: {  	s1 =	rddreg [dreg:$0x2];
	s4 =	sor.u32 s3, s4;
	s3 =	sand.u32 $0x6, s5  }
0x7: {  	_ =	strace $0x8000004D;
	s4 =	sand.u32 $0x380, s4;
	s5 =	ssub.s32 $0xC8, s3  }
0x8: {  	s12 =	smov.u32 s3;
	s8 =	sshll.u32 s4, $0x4;
	s6 =	sand.u32 $0x6, s5  }
0x9: {  	s9 =	ssub.s32 $0x400, s4;
	s11 =	sshrl.u32 s5, $0x3;
	s5 =	simm.s32 $0x1  }
0xa: {  	p0 =	sne.s32 s6, $0x0;
	s6 =	simm.s32 $0x1;
	s10 =	sand.u32 $0x380, s9  }
0xb: {  	s6 =	simm.s32 @!p0 $0x0;
	p0 =	sne.s32 s10, $0x0;
	s10 =	simm.s32 $0x1  }
.Ltmp0:
0xc: {  	s9 =	sshrl.u32 s9, $0xA;
	s10 =	simm.s32 @!p0 $0x0;
	(pc) =	sbr.rel .LBB1_1-.Ltmp0, $4  }
0xd: {  	[sflag:s5] =	ssyncpa.u1 $0x0;
	s6 =	sadd.s32 s6, s11;
	s9 =	sadd.s32 s10, s9  }
0xe: {  	s8 =	sadd.s32 s8, s7;
	[sflag:s31] =	ssyncpa.u1 $0x0;
	s6 =	smul.u32 s6, s9  }
0xf: {  	s7 =	sadd.s32 $0x4C00, s8;
	s8 =	sadd.s32 $0x8C00, s8;
	p0 =	por $0x0, $0x0  }
0x10: {  	s11 =	simm.s32 $0x2000;
	s10 =	simm.s32 $0x400;
	s9 =	sadd.s32 $0x1, s6  }
.LBB1_7:
0x11: {  	s16 =	sadd.s32 $0x8, s12  }
0x12: {  	p2 =	sgt.s32 s16, $0xC7  }
0x13: {  	s16 =	smov.u32 @p2 s3;
	p2 =	sne.s32 s13, s9  }
.Ltmp1:
0x14: {  	p1 =	slt.u32 s13, $0x2;
	(pc) =	sbr.rel @!p2 .LBB1_8-.Ltmp1, $4  }
0x15: {  	s14 =	simm.s32 @!p1 $0x2  }
0x16: {  	s17 =	sadd.s32 $0x1, s13;
	s15 =	smov.u32 s12;
	_ =	swait.ge @!p1 [sflag:s14], $0x4000  }
0x17: {  	p0 =	por !p0, !p0;
	s13 =	smov.u32 s17;
	[sflag:s14] =	ssyncset.done @!p1 $0x0  }
0x18: {  	s12 =	smov.u32 s16;
	[sflag:s14] =	ssyncadd.s32 @!p1 $0xFFFFC000;
	s14 =	smov.u32 s4  }
.LBB1_1:
0x19: {  	p1 =	sge.u32 s13, s6  }
0x1a: {  	s16 =	sxor.u32 @!p1 $0xFFFFFFFF, s13  }
0x1b: {  	s17 =	sshll.u32 @!p1 s12, $0xE;
	s19 =	simm.s32 @!p1 $0x40;
	s16 =	sshll.u32 @!p1 s16, $0xE  }
0x1c: {  	s20 =	simm.s32 @!p1 $0x80;
	s18 =	sadd.s32 @!p1 s17, s7;
	s16 =	sand.u32 @!p1 $0x4000, s16  }
0x1d: {  	[tilespmem:s16], [sflag:$0x1] =	stream.strided.gather @!p1 [hbm4b:s18+s19], $0x2000, s20, s19, $0x38;
	[tilespmem:$0x10100] =	vst v63  }
0x1e: {  	s31 =	sadd.s32 $0xFFFFFFFF, s13;
	s17 =	sadd.s32 @!p1 s17, s8;
	s16 =	sor.u32 @!p1 $0x2000, s16  }
0x1f: {  	[tilespmem:s16], [sflag:$0x1] =	stream.strided.gather @!p1 [hbm4b:s17+s19], $0x2000, s20, s19, $0x38;
	[tilespmem:$0x10100] =	vst v63  }
0x20: {  	p1 =	sge.u32 s31, s6  }
.Ltmp2:
0x21: {  	_ = 	snop;
	(pc) =	sbr.rel @p1 .LBB1_7-.Ltmp2, $1  }
0x22: {  	_ =	sdelay $0x3  }
0x23: {  	s16 =	simm.s32 $0x1;
	s18 =	sand.u32 $0x1, s13  }
0x24: {  	_ =	swait.ge [sflag:s5], $0x4000;
	s16 =	simm.s32 @!p0 $0x0;
	s18 =	smul.u32 $0x10200, s18  }
0x25: {  	p2 =	por $0x1, $0x1;
	[sflag:s5] =	ssyncset.done $0x0;
	s17 =	smul.u32 $0x10200, s16  }
0x26: {  	s19 =	sshll.u32 s16, $0x10;
	[sflag:s5] =	ssyncadd.s32 $0xFFFFC000;
	s30 =	sshrl.u32 s18, $0x2  }
0x27: {  	s31 =	sshrl.u32 s19, $0x2;
	s19 =	simm.s32 $0x0;
	s17 =	sshrl.u32 s17, $0x2  }
0x28: {  	s16 =	sor.u32 $0x8000, s30;
	s18 =	sadd.s32 $0x20, s31;
	s17 =	sor.u32 $0x8000, s17  }
.LBB1_3:
0x29: {  	s20 =	sshll.u32 s19, $0xD  }
0x2a: {  	s20 =	sand.u32 $0x3FFFE000, s20  }
0x2b: {  	s22 =	sadd.s32 s20, s18  }
0x2c: {  	s31 =	smul.u32 $0x8100, s19;
	v3 =	vld [tilespmem:s22+$0x10]  }
0x2d: {  	v1 =	vld [tilespmem:s22+$0xFFFFFFF0]  }
0x2e: {  	s19 =	sshra.s32 s31, $0x2;
	v0 =	vld [tilespmem:s22+$0x0]  }
0x2f: {  	s19 =	sadd.s32 s19, s17;
	v2 =	vld [tilespmem:s22+$0xFFFFFFE0]  }
0x30: {  	s20 =	sadd.s32 $0x0, s19  }
0x31: {  	p1 =	por p2, p2;
	s21 =	simm.s32 $0x4;
	s22 =	sadd.s32 $0x40, s22;
	[tilespmem:s20+$0x1830 ss:$0x81] =	vst.msk $0xffff, v3  }
.LBB1_4:
0x32: {  	v3 =	vld [tilespmem:s22+$0x10];
	p2 =	sne.s32 s21, $0x1FC;
	[tilespmem:s20+$0x810 ss:$0x81] =	vst.msk $0xffff, v1;
	s23 =	smov.u32 s21;
	s21 =	sadd.s32 $0x4, s21  }
.Ltmp3:
0x33: {  	v1 =	vld [tilespmem:s22+$0xFFFFFFF0];
	[tilespmem:s20+$0x1020 ss:$0x81] =	vst.msk $0xffff, v0;
	(pc) =	sbr.rel @p2 .LBB1_4-.Ltmp3, $4  }
0x34: {  	v0 =	vld [tilespmem:s22+$0x0];
	[tilespmem:s20+$0x0 ss:$0x81] =	vst.msk $0xffff, v2  }
0x35: {  	s20 =	sshra.s32 s23, $0x2;
	v2 =	vld [tilespmem:s22+$0xFFFFFFE0]  }
0x36: {  	s20 =	sadd.s32 s20, s19  }
0x37: {  	s22 =	sadd.s32 $0x40, s22;
	[tilespmem:s20+$0x1830 ss:$0x81] =	vst.msk $0xffff, v3  }
.Ltmp4:
0x38: {  	(pc) =	sbr.rel @p1 .LBB1_3-.Ltmp4, $4  }
0x39: {  	_ = 	snop  }
0x3a: {  	[tilespmem:s20+$0x810 ss:$0x81] =	vst.msk $0xffff, v1  }
0x3b: {  	[tilespmem:s20+$0x1020 ss:$0x81] =	vst.msk $0xffff, v0  }
0x3c: {  	s19 =	simm.s32 $0x1;
	p2 =	por $0x0, $0x0;
	[tilespmem:s20+$0x0 ss:$0x81] =	vst.msk $0xffff, v2  }
.Ltmp5:
0x3d: {  	(pc) =	sbr.rel .LBB1_7-.Ltmp5, $4  }
0x3e: {  	_ = 	snop  }
0x3f: {  	s15 =	sshll.u32 s15, $0xD;
	s14 =	sadd.s32 s2, s14  }
0x40: {  	s14 =	sadd.s32 s15, s14  }
0x41: {  	[hbm4b:s14+s10] =	stream.strided.scatter [tilespmem:s16], [sflag:$0x2], $0x4000, s11, s10, $0x20;
	[tilespmem:$0x10100] =	vst v63  }
.LBB1_8:
0x42: {  	_ =	sfence.sel $0x180000  }
0x43: {  	s2 =	simm.s32 $0x1;
	[bflag:$0x0] =	sbarrier.arrive $0xFFFF  }
0x44: {  	s31 =	simm.s32 $0x2;
	[sflag:s2] =	ssyncpa.u1 $0x1  }
0x45: {  	[sflag:s31] =	ssyncpa.u1 $0x1  }
0x46: {  	p0 =	sne.s32 s0, $0x0;
	_ =	strace $0x9000004D  }
0x47: {  	s0 =	sadd.s32 @!p0 $0x100000, s1;
	[bflag:$0x2] =	sbarrier.arrive $0xFFFF  }
0x48: {  	[sflag:s0] =	ssyncadd.tile.s32 @!p0 $0x1;
	_ =	shalt  }
.Lfunc_end1:
_tile_overlayer_lowered:
.L_overlay_start_2:
0x49: {  	(tag) =	ssettag $0x2  }
0x4a: {  	s0 =	rddreg [dreg:$0x0];
	s2 =	stileid.u32  }
0x4b: {  	s1 =	rddreg [dreg:$0x1];
	p0 =	sne.s32 s2, $0x0  }
0x4c: {  	s3 =	rddreg [dreg:$0x2];
	[bflag:$0x3] =	sbarrier.arrive $0xFFFF;
	s2 =	simm.s32 @!p0 $0x1C01  }
0x4d: {  	[timem:s3], [sflag:s2] =	dma.local @!p0 [hbm:s0], s1  }
0x4e: {  	s0 =	simm.s32 @!p0 $0x1  }
0x4f: {  	_ =	swait.ge @!p0 [sflag:s0], s1  }
0x50: {  	s1 =	ssub.s32 @!p0 $0x0, s1;
	[sflag:s0] =	ssyncset.done @!p0 $0x0  }
0x51: {  	[sflag:s0] =	ssyncadd.s32 @!p0 s1  }
0x52: {  	[bflag:$0x3] =	sbarrier.arrive $0xFFFF  }
0x53: {  	_ =	shalt  }

// kernel: sparse-core-data-format-call.cloned.1.call-start
scs
called_computation_lowered:
.L_overlay_start_0:
0x0: {  	s2 =	sld [smem:$0x3FD9]  }
0x1: {  	s3 =	sld [smem:$0x3FFE];
	_ =	sdelay $0x1  }
0x2: {  	s1 =	srdreg.scid  }
0x3: {  	s0 =	sand.u32 $0x1, s1  }
0x4: {  	s16 =	sshll.u32 s0, $0xA;
	s2 =	sadd.s32 s3, s2  }
0x5: {  	s2 =	sadd.s32 s2, s16  }
0x6: {  	[smem:$0x3FC1] =	sst s2  }
0x7: {  	_ = 	snop  }
0x8: {  	s2 =	sld [smem:$0x3FD0];
	_ =	sdelay $0x2  }
0x9: {  	s17 =	simm.s32 $0xD;
	s4 =	simm.s32 $0x10  }
0xa: {  	[smem:s4], [sflag:s17] =	dma.local [hbm:s2], $0x1  }
0xb: {  	_ =	swait.eq [sflag:s17], $0x1  }
0xc: {  	[sflag:s17] =	ssyncset.done $0x0  }
0xd: {  	[sflag:s17] =	ssyncadd.s32 $0xFFFFFFFF  }
0xe: {  	s18 =	sld [smem:$0x13];
	(tm) =	ssettm $0x1  }
0xf: {  	s19 =	sld [smem:$0x3FFB];
	_ =	sdelay $0x3  }
0x10: {  	_ =	strace s19  }
0x11: {  	s2 =	sld [smem:$0x3FFC];
	_ =	sdelay $0x3  }
0x12: {  	_ =	strace s2  }
0x13: {  	s2 =	sld [smem:$0x3FFD];
	_ =	sdelay $0x3  }
0x14: {  	_ =	strace s2  }
0x15: {  	_ =	strace $0x8FFFFFFF  }
0x16: {  	s20 =	sld [smem:$0x3FDB];
	_ =	sdelay $0x1  }
0x17: {  	s21 =	simm.s32 $_scs_section_size  }
0x18: {  	s5 =	simm.s32 $_size__tile_overlayer_lowered;
	s6 =	simm.s32 $_tile_overlayer_lowered  }
0x19: {  	s7 =	simm.s32 $0x1BFF;
	s22 =	sshll.u32 s6, $0x1;
	s4 =	sadd.s32 s21, s20  }
0x1a: {  	s23 =	simm.s32 $0x0;
	s5 =	sshll.u32 s5, $0x1;
	s6 =	sadd.s32 s22, s4  }
0x1b: {  	[timem:s23], [sflag:s7] =	dma.local [hbm:s6], s5  }
0x1c: {  	_ =	swait.ge [sflag:s7], s5  }
0x1d: {  	s5 =	ssub.s32 $0x0, s5;
	[sflag:s7] =	ssyncset.done $0x0  }
0x1e: {  	[sflag:s7] =	ssyncadd.s32 s5;
	_ =	sdelay $0x1  }
0x1f: {  	s24 =	simm.s32 $0x1B8B  }
0x20: {  	_ =	swait.ge [sflag:s24], $0x1  }
0x21: {  	[sflag:s24] =	ssyncset.done $0x0  }
0x22: {  	[sflag:s24] =	ssyncadd.s32 $0xFFFFFFFF  }
0x23: {  	s5 =	sld [smem:$0x0]  }
0x24: {  	s6 =	sand.u32 $0xFFFFFFFE, s1  }
0x25: {  	p0 =	sne.s32 s1, s6  }
0x26: {  	s6 =	sshll.u32 @p0 s6, $0xE  }
0x27: {  	s6 =	sadd.s32 @p0 $0x11B8D, s6;
	s7 =	sshll.u32 @p0 s5, $0x11  }
0x28: {  	s6 =	sor.u32 @p0 s7, s6  }
0x29: {  	[sflag:s6] =	ssyncadd.remote.s32 @p0 $0x1;
	_ =	sdelay $0x1  }
0x2a: {  	s6 =	simm.s32 @p0 $0x1B8D  }
0x2b: {  	_ =	swait.eq @p0 [sflag:s6], $0x1  }
0x2c: {  	[sflag:s6] =	ssyncadd.s32 @p0 $0xFFFFFFFF  }
0x2d: {  	s7 =	sshll.u32 @!p0 s1, $0xE  }
0x2e: {  	s7 =	sor.u32 @!p0 $0x4000, s7;
	s6 =	simm.s32 @!p0 $0x1B8D  }
0x2f: {  	s5 =	sshll.u32 @!p0 s5, $0x11;
	s7 =	sadd.s32 @!p0 $0x11B8D, s7;
	_ =	swait.eq @!p0 [sflag:s6], $0x1  }
0x30: {  	s5 =	sor.u32 @!p0 s5, s7;
	[sflag:s6] =	ssyncadd.s32 @!p0 $0xFFFFFFFF  }
0x31: {  	s26 =	simm.s32 $0x1B8E;
	s25 =	sld [smem:$0x3FFE];
	[sflag:s5] =	ssyncadd.remote.s32 @!p0 $0x1  }
0x32: {  	s27 =	simm.s32 $execute0_lowered;
	[smem:$0x3FD2] =	sst s26  }
0x33: {  	s6 =	sshll.u32 s27, $0x1;
	_ =	strace $0x80000055;
	[dreg:$0x1] =	wrdreg $0xFFFFFFFF  }
0x34: {  	s28 =	simm.s32 $_size_execute0_lowered;
	s4 =	sadd.s32 s4, s6;
	[dreg:$0x0] =	wrdreg $0x0  }
0x35: {  	s6 =	sshll.u32 s28, $0x1;
	[dreg:$0x2] =	wrdreg s4  }
0x36: {  	[dreg:$0x3] =	wrdreg s6  }
0x37: {  	[dreg:$0x4] =	wrdreg $0xC0  }
0x38: {  	_ =	task [dreg:s23], $0x5FFFF  }
0x39: {  	[dreg:$0x1] =	wrdreg $0xFFFFFFFF  }
0x3a: {  	[dreg:$0x0] =	wrdreg $0x60  }
0x3b: {  	[dreg:$0x2] =	wrdreg s25  }
0x3c: {  	[dreg:$0x3] =	wrdreg s18  }
0x3d: {  	[dreg:$0x4] =	wrdreg $0xA  }
0x3e: {  	_ =	task.clear_ibuf [dreg:s23], $0x5FFFF;
	_ =	strace $0x90000055  }
0x3f: {  	s29 =	simm.s32 $0xA;
	_ =	strace $0x80000057  }
0x40: {  	_ =	swait.ge [sflag:s29], $0x1  }
0x41: {  	[sflag:s29] =	ssyncadd.s32 $0xFFFFFFFF  }
0x42: {  	_ =	strace $0x90000057  }
0x43: {  	_ =	sfence  }
0x44: {  	s30 =	sld [smem:$0x0];
	_ =	sdelay $0x2  }
0x45: {  	s31 =	sshll.u32 s1, $0xD;
	s1 =	sshrl.u32 s1, $0x2  }
0x46: {  	s4 =	sand.u32 $0x4000, s31;
	s1 =	sadd.s32 s1, s30  }
0x47: {  	s0 =	sor.u32 s4, s0;
	s1 =	sshll.u32 s1, $0x11  }
0x48: {  	s0 =	sor.u32 s1, s0  }
0x49: {  	s0 =	sadd.s32 $0x8F2B, s0  }
0x4a: {  	[sflag:s0] =	ssyncadd.remote.s32 $0x1  }
0x4b: {  	_ =	sfence.sel $0xFFFF  }
0x4c: {  	[dreg:$0x0] =	wrdreg $0xFFFFFFFF;
	(pc) =	sbr.abs _section_cstart, $3  }
0x4d: {  	[dreg:$0x1] =	wrdreg $0xFFFFFFFF  }
0x4e: {  	_ =	task.clear_ibuf [dreg:s23], $0x2FFFF;
	_ =	strace $0x9FFFFFFF  }
0x4f: {  	(tm) =	ssettm $0x7FFFFFFF  }
tec
execute0_lowered:
.L_overlay_start_1:
0x0: {  	(tag) =	ssettag $0x1  }
0x1: {  	s7 =	rddreg [dreg:$0x0]  }
0x2: {  	s2 =	rddreg [dreg:$0x1]  }
0x3: {  	s0 =	stileid.u32;
	s1 =	srdreg.scid;
	s31 =	simm.s32 $0x2  }
0x4: {  	s14 =	simm.s32 $0x0;
	s15 =	simm.s32 $0x0;
	s13 =	simm.s32 $0x0  }
0x5: {  	s3 =	sshll.u32 s0, $0x5;
	s4 =	sshll.u32 s1, $0x9;
	s5 =	sshll.u32 s0, $0x1  }
0x6: {  	s1 =	rddreg [dreg:$0x2];
	s4 =	sor.u32 s3, s4;
	s3 =	sand.u32 $0x6, s5  }
0x7: {  	_ =	strace $0x80000056;
	s4 =	sand.u32 $0x380, s4;
	s5 =	ssub.s32 $0xC8, s3  }
0x8: {  	s12 =	smov.u32 s3;
	s8 =	sshll.u32 s4, $0x4;
	s6 =	sand.u32 $0x6, s5  }
0x9: {  	s9 =	ssub.s32 $0x400, s4;
	s11 =	sshrl.u32 s5, $0x3;
	s5 =	simm.s32 $0x1  }
0xa: {  	p0 =	sne.s32 s6, $0x0;
	s6 =	simm.s32 $0x1;
	s10 =	sand.u32 $0x380, s9  }
0xb: {  	s6 =	simm.s32 @!p0 $0x0;
	p0 =	sne.s32 s10, $0x0;
	s10 =	simm.s32 $0x1  }
.Ltmp0:
0xc: {  	s9 =	sshrl.u32 s9, $0xA;
	s10 =	simm.s32 @!p0 $0x0;
	(pc) =	sbr.rel .LBB1_1-.Ltmp0, $4  }
0xd: {  	[sflag:s5] =	ssyncpa.u1 $0x0;
	s6 =	sadd.s32 s6, s11;
	s9 =	sadd.s32 s10, s9  }
0xe: {  	s8 =	sadd.s32 s8, s7;
	[sflag:s31] =	ssyncpa.u1 $0x0;
	s6 =	smul.u32 s6, s9  }
0xf: {  	s7 =	sadd.s32 $0x971C00, s8;
	s8 =	sadd.s32 $0x975C00, s8;
	p0 =	por $0x0, $0x0  }
0x10: {  	s11 =	simm.s32 $0x2000;
	s10 =	simm.s32 $0x400;
	s9 =	sadd.s32 $0x1, s6  }
.LBB1_7:
0x11: {  	s16 =	sadd.s32 $0x8, s12  }
0x12: {  	p2 =	sgt.s32 s16, $0xC7  }
0x13: {  	s16 =	smov.u32 @p2 s3;
	p2 =	sne.s32 s13, s9  }
.Ltmp1:
0x14: {  	p1 =	slt.u32 s13, $0x2;
	(pc) =	sbr.rel @!p2 .LBB1_8-.Ltmp1, $4  }
0x15: {  	s14 =	simm.s32 @!p1 $0x2  }
0x16: {  	s17 =	sadd.s32 $0x1, s13;
	s15 =	smov.u32 s12;
	_ =	swait.ge @!p1 [sflag:s14], $0x4000  }
0x17: {  	p0 =	por !p0, !p0;
	s13 =	smov.u32 s17;
	[sflag:s14] =	ssyncset.done @!p1 $0x0  }
0x18: {  	s12 =	smov.u32 s16;
	[sflag:s14] =	ssyncadd.s32 @!p1 $0xFFFFC000;
	s14 =	smov.u32 s4  }
.LBB1_1:
0x19: {  	p1 =	sge.u32 s13, s6  }
0x1a: {  	s16 =	sxor.u32 @!p1 $0xFFFFFFFF, s13  }
0x1b: {  	s17 =	sshll.u32 @!p1 s12, $0xE;
	s19 =	simm.s32 @!p1 $0x40;
	s16 =	sshll.u32 @!p1 s16, $0xE  }
0x1c: {  	s20 =	simm.s32 @!p1 $0x80;
	s18 =	sadd.s32 @!p1 s17, s7;
	s16 =	sand.u32 @!p1 $0x4000, s16  }
0x1d: {  	[tilespmem:s16], [sflag:$0x1] =	stream.strided.gather @!p1 [hbm4b:s18+s19], $0x2000, s20, s19, $0x38;
	[tilespmem:$0x10100] =	vst v63  }
0x1e: {  	s31 =	sadd.s32 $0xFFFFFFFF, s13;
	s17 =	sadd.s32 @!p1 s17, s8;
	s16 =	sor.u32 @!p1 $0x2000, s16  }
0x1f: {  	[tilespmem:s16], [sflag:$0x1] =	stream.strided.gather @!p1 [hbm4b:s17+s19], $0x2000, s20, s19, $0x38;
	[tilespmem:$0x10100] =	vst v63  }
0x20: {  	p1 =	sge.u32 s31, s6  }
.Ltmp2:
0x21: {  	_ = 	snop;
	(pc) =	sbr.rel @p1 .LBB1_7-.Ltmp2, $1  }
0x22: {  	_ =	sdelay $0x3  }
0x23: {  	s16 =	simm.s32 $0x1;
	s18 =	sand.u32 $0x1, s13  }
0x24: {  	_ =	swait.ge [sflag:s5], $0x4000;
	s16 =	simm.s32 @!p0 $0x0;
	s18 =	smul.u32 $0x10200, s18  }
0x25: {  	p2 =	por $0x1, $0x1;
	[sflag:s5] =	ssyncset.done $0x0;
	s17 =	smul.u32 $0x10200, s16  }
0x26: {  	s19 =	sshll.u32 s16, $0x10;
	[sflag:s5] =	ssyncadd.s32 $0xFFFFC000;
	s30 =	sshrl.u32 s18, $0x2  }
0x27: {  	s31 =	sshrl.u32 s19, $0x2;
	s19 =	simm.s32 $0x0;
	s17 =	sshrl.u32 s17, $0x2  }
0x28: {  	s16 =	sor.u32 $0x8000, s30;
	s18 =	sadd.s32 $0x20, s31;
	s17 =	sor.u32 $0x8000, s17  }
.LBB1_3:
0x29: {  	s20 =	sshll.u32 s19, $0xD  }
0x2a: {  	s20 =	sand.u32 $0x3FFFE000, s20  }
0x2b: {  	s22 =	sadd.s32 s20, s18  }
0x2c: {  	s31 =	smul.u32 $0x8100, s19;
	v3 =	vld [tilespmem:s22+$0x10]  }
0x2d: {  	v1 =	vld [tilespmem:s22+$0xFFFFFFF0]  }
0x2e: {  	s19 =	sshra.s32 s31, $0x2;
	v0 =	vld [tilespmem:s22+$0x0]  }
0x2f: {  	s19 =	sadd.s32 s19, s17;
	v2 =	vld [tilespmem:s22+$0xFFFFFFE0]  }
0x30: {  	s20 =	sadd.s32 $0x0, s19  }
0x31: {  	p1 =	por p2, p2;
	s21 =	simm.s32 $0x4;
	s22 =	sadd.s32 $0x40, s22;
	[tilespmem:s20+$0x1830 ss:$0x81] =	vst.msk $0xffff, v3  }
.LBB1_4:
0x32: {  	v3 =	vld [tilespmem:s22+$0x10];
	p2 =	sne.s32 s21, $0x1FC;
	[tilespmem:s20+$0x810 ss:$0x81] =	vst.msk $0xffff, v1;
	s23 =	smov.u32 s21;
	s21 =	sadd.s32 $0x4, s21  }
.Ltmp3:
0x33: {  	v1 =	vld [tilespmem:s22+$0xFFFFFFF0];
	[tilespmem:s20+$0x1020 ss:$0x81] =	vst.msk $0xffff, v0;
	(pc) =	sbr.rel @p2 .LBB1_4-.Ltmp3, $4  }
0x34: {  	v0 =	vld [tilespmem:s22+$0x0];
	[tilespmem:s20+$0x0 ss:$0x81] =	vst.msk $0xffff, v2  }
0x35: {  	s20 =	sshra.s32 s23, $0x2;
	v2 =	vld [tilespmem:s22+$0xFFFFFFE0]  }
0x36: {  	s20 =	sadd.s32 s20, s19  }
0x37: {  	s22 =	sadd.s32 $0x40, s22;
	[tilespmem:s20+$0x1830 ss:$0x81] =	vst.msk $0xffff, v3  }
.Ltmp4:
0x38: {  	(pc) =	sbr.rel @p1 .LBB1_3-.Ltmp4, $4  }
0x39: {  	_ = 	snop  }
0x3a: {  	[tilespmem:s20+$0x810 ss:$0x81] =	vst.msk $0xffff, v1  }
0x3b: {  	[tilespmem:s20+$0x1020 ss:$0x81] =	vst.msk $0xffff, v0  }
0x3c: {  	s19 =	simm.s32 $0x1;
	p2 =	por $0x0, $0x0;
	[tilespmem:s20+$0x0 ss:$0x81] =	vst.msk $0xffff, v2  }
.Ltmp5:
0x3d: {  	(pc) =	sbr.rel .LBB1_7-.Ltmp5, $4  }
0x3e: {  	_ = 	snop  }
0x3f: {  	s15 =	sshll.u32 s15, $0xD;
	s14 =	sadd.s32 s2, s14  }
0x40: {  	s14 =	sadd.s32 s15, s14  }
0x41: {  	[hbm4b:s14+s10] =	stream.strided.scatter [tilespmem:s16], [sflag:$0x2], $0x4000, s11, s10, $0x20;
	[tilespmem:$0x10100] =	vst v63  }
.LBB1_8:
0x42: {  	_ =	sfence.sel $0x180000  }
0x43: {  	s2 =	simm.s32 $0x1;
	[bflag:$0x0] =	sbarrier.arrive $0xFFFF  }
0x44: {  	s31 =	simm.s32 $0x2;
	[sflag:s2] =	ssyncpa.u1 $0x1  }
0x45: {  	[sflag:s31] =	ssyncpa.u1 $0x1  }
0x46: {  	p0 =	sne.s32 s0, $0x0;
	_ =	strace $0x90000056  }
0x47: {  	s0 =	sadd.s32 @!p0 $0x100000, s1;
	[bflag:$0x2] =	sbarrier.arrive $0xFFFF  }
0x48: {  	[sflag:s0] =	ssyncadd.tile.s32 @!p0 $0x1;
	_ =	shalt  }
.Lfunc_end1:
_tile_overlayer_lowered:
.L_overlay_start_2:
0x49: {  	(tag) =	ssettag $0x2  }
0x4a: {  	s0 =	rddreg [dreg:$0x0];
	s2 =	stileid.u32  }
0x4b: {  	s1 =	rddreg [dreg:$0x1];
	p0 =	sne.s32 s2, $0x0  }
0x4c: {  	s3 =	rddreg [dreg:$0x2];
	[bflag:$0x3] =	sbarrier.arrive $0xFFFF;
	s2 =	simm.s32 @!p0 $0x1C01  }
0x4d: {  	[timem:s3], [sflag:s2] =	dma.local @!p0 [hbm:s0], s1  }
0x4e: {  	s0 =	simm.s32 @!p0 $0x1  }
0x4f: {  	_ =	swait.ge @!p0 [sflag:s0], s1  }
0x50: {  	s1 =	ssub.s32 @!p0 $0x0, s1;
	[sflag:s0] =	ssyncset.done @!p0 $0x0  }
0x51: {  	[sflag:s0] =	ssyncadd.s32 @!p0 s1  }
0x52: {  	[bflag:$0x3] =	sbarrier.arrive $0xFFFF  }
0x53: {  	_ =	shalt  }

</sc_bundles>
